<compile_context>
chip_gen: v7x
topology: tpu7x:2x2x1
jax: 0.10.2.dev20260603
libtpu: 0.0.44.dev20260713+nightly
codegen_flags: <defaults>
</compile_context>

<pallas_src>
import functools
import math

import jax
import jax.numpy as jnp
from jax import lax
from jax.experimental import pallas as pl
from jax.experimental.pallas import tpu as pltpu
from jax.experimental.pallas import tpu_sc as plsc

D = 32
SCALE = math.sqrt(float(D))
CHUNK = 128
K = 4
NC, NS, L = 2, 16, 16
NW = NC * NS
CHI, CLO = 4, 8
SLAB = CLO * CHUNK
RBC = 8192
RQ = RBC // 4
RQ_SH = RQ.bit_length() - 1


@functools.lru_cache(maxsize=None)
def _build_repack(V):
    BC = RBC
    nb = (V + BC - 1) // BC

    def body(tt_ref, out_ref):
        y = tt_ref[...].T * SCALE
        q = BC // 4
        out_ref[...] = jnp.concatenate(
            [y[dc * q:(dc + 1) * q] for dc in range(4)], axis=1)

    return pl.pallas_call(
        body,
        grid=(nb,),
        in_specs=[pl.BlockSpec((D, BC), lambda i: (0, i))],
        out_specs=pl.BlockSpec((BC // 4, 4 * D), lambda i: (i, 0)),
        out_shape=jax.ShapeDtypeStruct((nb * BC // 4, 4 * D), jnp.float32),
    )


@functools.lru_cache(maxsize=None)
def _build(T, BH):
    assert BH == NW
    ng = T // K

    mesh = plsc.VectorSubcoreMesh(core_axis_name="c", subcore_axis_name="s")

    @functools.partial(
        pl.kernel,
        mesh=mesh,
        compiler_params=pltpu.CompilerParams(use_tc_tiling_on_sc=False,
                                             needs_layout_passes=False),
        out_type=jax.ShapeDtypeStruct((T, CHI, BH, SLAB), jnp.float32),
        scratch_types=[
            pltpu.VMEM((T // 8, 8, CHUNK), jnp.int32),
            pltpu.VMEM((3, K, CHUNK, D), jnp.float32),
            pltpu.VMEM((3, K, CHI, SLAB), jnp.float32),
            pltpu.SemaphoreType.DMA,
            pltpu.SemaphoreType.DMA,
            pltpu.SemaphoreType.DMA,
        ],
    )
    def emb(xs, idt, tab, outs, idx_v, g_v, o_v, gsem, xsem, osem):
        w = lax.axis_index("s") * NC + lax.axis_index("c")
        pltpu.sync_copy(idt.at[:, w], idx_v)

        @plsc.parallel_loop(0, (T // 8) * 8 * (CHUNK // L))
        def _(r):
            th = r >> 6
            tl = (r >> 3) & 7
            i = r & 7
            sl = (th, tl, pl.ds(i * L, L))
            v = idx_v[sl]
            idx_v[sl] = ((v & -RBC) | ((v & (RQ - 1)) << 2)
                         | ((v >> RQ_SH) & 3))

        def issue_in(g, p):
            for k in range(K):
                t = g * K + k
                pltpu.async_copy(tab.at[idx_v.at[t // 8, t % 8]],
                                 g_v.at[p, k], gsem)
                pltpu.async_copy(xs.at[t, :, w], o_v.at[p, k], xsem)

        def drain_in(g, p, k):
            t = g * K + k
            pltpu.make_async_copy(tab.at[idx_v.at[t // 8, t % 8]],
                                  g_v.at[p, k], gsem).wait()
            pltpu.make_async_copy(xs.at[0, :, 0], o_v.at[p, k], xsem).wait()

        def issue_out(g, p):
            for k in range(K):
                t = g * K + k
                pltpu.async_copy(o_v.at[p, k], outs.at[t, :, w], osem)

        def drain_out(p):
            for k in range(K):
                pltpu.make_async_copy(o_v.at[p, k], outs.at[0, :, 0],
                                      osem).wait()

        lanes = lax.iota(jnp.int32, L)

        def group_body(g, carry):
            p = g % 3

            @pl.when(g >= 2)
            def _():
                drain_out((g + 1) % 3)

            @pl.when(g + 1 < ng)
            def _():
                issue_in(g + 1, (g + 1) % 3)

            for k in range(K):
                drain_in(g, p, k)
                gk = g_v.at[p, k]
                ok = o_v.at[p, k]

                @plsc.parallel_loop(0, D, unroll=1)
                def _(c0):
                    c_vec = (c0 + lanes) & (D - 1)
                    chi_vec = c_vec >> 3
                    inner_base = (c_vec & (CLO - 1)) * CHUNK
                    for i in range(CHUNK // L):
                        rows = i * L + lanes
                        inner = inner_base + rows
                        vals = plsc.load_gather(gk, [rows, c_vec])
                        plsc.addupdate_scatter(ok, [chi_vec, inner], vals)

            issue_out(g, p)
            return carry

        issue_in(0, 0)
        lax.fori_loop(0, ng, group_body, 0)
        drain_out((ng - 2) % 3)
        drain_out((ng - 1) % 3)

    return emb


def kernel(x, ids, table):
    B0, T = x.shape[0], x.shape[1]
    bh = B0 // CHUNK
    xs = (x.reshape(bh, CHUNK, T, CHI, CLO).transpose(2, 3, 0, 4, 1)
          .reshape(T, CHI, bh, SLAB))
    idt = (ids.astype(jnp.int32).reshape(bh, CHUNK, T // 8, 8)
           .transpose(2, 0, 3, 1))
    V = table.shape[0]
    rm = _build_repack(V)(table.T)
    res = _build(T, bh)(xs, idt, rm.reshape(rm.shape[0] * 4, D))
    return (res.reshape(T, CHI, bh, CLO, CHUNK).transpose(2, 4, 0, 1, 3)
            .reshape(B0, T, D))

# --- scband reference (transcript-rebuilt; emitter-appended) ---
"""Pipeline reference for scband-idembedding-26869315404017 (READ-ONLY COPY).

The authoritative reference and input builder live on the scoring server;
editing this copy changes nothing except your own understanding.
"""

import math
import jax, jax.numpy as jnp
import numpy as np

DICT_SIZE = 1000000
EMB_DIM = 32

def setup_inputs(seed: int = 0) -> dict:
    key = jax.random.key(seed)
    k1, k2, k3 = jax.random.split(key, 3)
    x = jax.random.normal(k1, (4096, 200, EMB_DIM), dtype=jnp.float32)
    ids = jax.random.randint(k2, (4096, 200), 0, DICT_SIZE, dtype=jnp.int64 if jax.config.read('jax_enable_x64') else jnp.int32)
    table = jax.random.normal(k3, (DICT_SIZE, EMB_DIM), dtype=jnp.float32) * 0.02
    return {"x": x, "ids": ids, "table": table}

def reference(x, ids, table):
    x_id = jnp.take(table, ids, axis=0) * math.sqrt(EMB_DIM)
    return x + x_id

if __name__ == "__main__":
    import jax
    _d = setup_inputs()
    print(jax.jit(kernel)(*tuple(_d.values())))

</pallas_src>

<mosaic_0001>
#map = affine_map<(d0, d1) -> (0, 0, 0, 0)>
#map1 = affine_map<(d0, d1) -> (0, 0)>
module attributes {stable_mosaic.version = 14 : i64} {
  func.func @emb(%arg0: i32, %arg1: i32, %arg2: memref<200x4x32x1024xf32, #tpu.memory_space<hbm>>, %arg3: memref<25x32x8x128xi32, #tpu.memory_space<hbm>>, %arg4: memref<1007616x32xf32, #tpu.memory_space<hbm>>, %arg5: memref<200x4x32x1024xf32, #tpu.memory_space<hbm>>, %arg6: memref<25x8x128xi32, #tpu.memory_space<vmem>>, %arg7: memref<3x4x128x32xf32, #tpu.memory_space<vmem>>, %arg8: memref<3x4x4x1024xf32, #tpu.memory_space<vmem>>, %arg9: memref<!tpu.dma_semaphore, #tpu.memory_space<semaphore_mem>>, %arg10: memref<!tpu.dma_semaphore, #tpu.memory_space<semaphore_mem>>, %arg11: memref<!tpu.dma_semaphore, #tpu.memory_space<semaphore_mem>>) attributes {dimension_semantics = [#tpu.dimension_semantics<core_parallel>, #tpu.dimension_semantics<subcore_parallel>], iteration_bounds = array<i64: 2, 16>, scalar_prefetch = 0 : i64, scratch_operands = 6 : i64, tpu.core_type = #tpu.core_type<sc_vector_subcore>, window_params = [{transform_indices = #map}, {transform_indices = #map}, {transform_indices = #map1}, {transform_indices = #map}]} {
    %mul3A = arith.constant 2 : i32
    %mul3A_0 = arith.muli %arg1, %mul3A : i32
    %add3A = arith.addi %mul3A_0, %arg0 : i32
    "tpu.region"() ({
      %run_scoped3A = tpu.sem_alloc : memref<!tpu.dma_semaphore, #tpu.memory_space<semaphore_mem>>
      %dma_start3A_298 = arith.constant 0 : i32
      %dma_start3A_299 = arith.constant 0 : i32
      %dma_start3A_300 = arith.constant 0 : i32
      %dma_start3A_301 = tpu.memref_slice %arg3[%dma_start3A_298, %add3A, %dma_start3A_299, %dma_start3A_300] : memref<25x32x8x128xi32, #tpu.memory_space<hbm>> -> memref<25x1x8x128xi32, #tpu.memory_space<hbm>>
      %dma_start3A_302 = tpu.memref_squeeze %dma_start3A_301 : memref<25x1x8x128xi32, #tpu.memory_space<hbm>> -> memref<25x8x128xi32, #tpu.memory_space<hbm>>
      %dma_start3A_303 = arith.constant 0 : i32
      %dma_start3A_304 = arith.constant 0 : i32
      %dma_start3A_305 = arith.constant 0 : i32
      %dma_start3A_306 = tpu.memref_slice %arg3[%dma_start3A_303, %add3A, %dma_start3A_304, %dma_start3A_305] : memref<25x32x8x128xi32, #tpu.memory_space<hbm>> -> memref<25x1x8x128xi32, #tpu.memory_space<hbm>>
      %dma_start3A_307 = tpu.memref_squeeze %dma_start3A_306 : memref<25x1x8x128xi32, #tpu.memory_space<hbm>> -> memref<25x8x128xi32, #tpu.memory_space<hbm>>
      tpu.enqueue_dma source(%dma_start3A_307 : memref<25x8x128xi32, #tpu.memory_space<hbm>>) target(%arg6 : memref<25x8x128xi32, #tpu.memory_space<vmem>>) target_semaphore(%run_scoped3A : memref<!tpu.dma_semaphore, #tpu.memory_space<semaphore_mem>>)
      %dma_wait3A_308 = arith.constant 0 : i32
      %dma_wait3A_309 = arith.constant 0 : i32
      %dma_wait3A_310 = arith.constant 0 : i32
      %dma_wait3A_311 = tpu.memref_slice %arg3[%dma_wait3A_308, %add3A, %dma_wait3A_309, %dma_wait3A_310] : memref<25x32x8x128xi32, #tpu.memory_space<hbm>> -> memref<25x1x8x128xi32, #tpu.memory_space<hbm>>
      %dma_wait3A_312 = tpu.memref_squeeze %dma_wait3A_311 : memref<25x1x8x128xi32, #tpu.memory_space<hbm>> -> memref<25x8x128xi32, #tpu.memory_space<hbm>>
      %dma_wait3A_313 = arith.constant 0 : i32
      %dma_wait3A_314 = arith.constant 0 : i32
      %dma_wait3A_315 = arith.constant 0 : i32
      %dma_wait3A_316 = tpu.memref_slice %arg3[%dma_wait3A_313, %add3A, %dma_wait3A_314, %dma_wait3A_315] : memref<25x32x8x128xi32, #tpu.memory_space<hbm>> -> memref<25x1x8x128xi32, #tpu.memory_space<hbm>>
      %dma_wait3A_317 = tpu.memref_squeeze %dma_wait3A_316 : memref<25x1x8x128xi32, #tpu.memory_space<hbm>> -> memref<25x8x128xi32, #tpu.memory_space<hbm>>
      tpu.wait_dma2 semaphore(%run_scoped3A : memref<!tpu.dma_semaphore, #tpu.memory_space<semaphore_mem>>) src(%dma_wait3A_317 : memref<25x8x128xi32, #tpu.memory_space<hbm>>) dst(%arg6 : memref<25x8x128xi32, #tpu.memory_space<vmem>>)
      tpu.yield
    }) : () -> ()
    %parallel_loop3A = arith.constant 0 : i32
    %parallel_loop3A_1 = arith.constant 1600 : i32
    %parallel_loop3A_2 = arith.constant 1 : i32
    scf.for %parallel_loop3A_298 = %parallel_loop3A to %parallel_loop3A_1 step %parallel_loop3A_2  : i32 {
      %parallel_loop3A_299 = arith.constant 6 : i32
      %parallel_loop3A_300 = arith.shrsi %parallel_loop3A_298, %parallel_loop3A_299 : i32
      %parallel_loop3A_301 = arith.constant 3 : i32
      %parallel_loop3A_302 = arith.shrsi %parallel_loop3A_298, %parallel_loop3A_301 : i32
      %parallel_loop3A_303 = arith.constant 7 : i32
      %parallel_loop3A_304 = arith.andi %parallel_loop3A_302, %parallel_loop3A_303 : i32
      %parallel_loop3A_305 = arith.constant 7 : i32
      %parallel_loop3A_306 = arith.andi %parallel_loop3A_298, %parallel_loop3A_305 : i32
      %parallel_loop3A_307 = arith.constant 16 : i32
      %parallel_loop3A_308 = arith.muli %parallel_loop3A_306, %parallel_loop3A_307 : i32
      %parallel_loop3A_309 = arith.index_cast %parallel_loop3A_300 : i32 to index
      %parallel_loop3A_310 = arith.index_cast %parallel_loop3A_304 : i32 to index
      %parallel_loop3A_311 = arith.index_cast %parallel_loop3A_308 : i32 to index
      %parallel_loop3A_312 = tpu.vector_load %arg6[%parallel_loop3A_309, %parallel_loop3A_310, %parallel_loop3A_311] {strides = array<i32>} : memref<25x8x128xi32, #tpu.memory_space<vmem>>, vector<16xi32>,
      %parallel_loop3A_313 = arith.constant -8192 : i32
      %parallel_loop3A_314 = vector.broadcast %parallel_loop3A_313 : i32 to vector<16xi32>
      %parallel_loop3A_315 = arith.andi %parallel_loop3A_312, %parallel_loop3A_314 : vector<16xi32>
      %parallel_loop3A_316 = arith.constant 2047 : i32
      %parallel_loop3A_317 = vector.broadcast %parallel_loop3A_316 : i32 to vector<16xi32>
      %parallel_loop3A_318 = arith.andi %parallel_loop3A_312, %parallel_loop3A_317 : vector<16xi32>
      %parallel_loop3A_319 = arith.constant 2 : i32
      %parallel_loop3A_320 = vector.broadcast %parallel_loop3A_319 : i32 to vector<16xi32>
      %parallel_loop3A_321 = arith.shli %parallel_loop3A_318, %parallel_loop3A_320 : vector<16xi32>
      %parallel_loop3A_322 = arith.ori %parallel_loop3A_315, %parallel_loop3A_321 : vector<16xi32>
      %parallel_loop3A_323 = arith.constant 11 : i32
      %parallel_loop3A_324 = vector.broadcast %parallel_loop3A_323 : i32 to vector<16xi32>
      %parallel_loop3A_325 = arith.shrsi %parallel_loop3A_312, %parallel_loop3A_324 : vector<16xi32>
      %parallel_loop3A_326 = arith.constant 3 : i32
      %parallel_loop3A_327 = vector.broadcast %parallel_loop3A_326 : i32 to vector<16xi32>
      %parallel_loop3A_328 = arith.andi %parallel_loop3A_325, %parallel_loop3A_327 : vector<16xi32>
      %parallel_loop3A_329 = arith.ori %parallel_loop3A_322, %parallel_loop3A_328 : vector<16xi32>
      %parallel_loop3A_330 = arith.index_cast %parallel_loop3A_300 : i32 to index
      %parallel_loop3A_331 = arith.index_cast %parallel_loop3A_304 : i32 to index
      %parallel_loop3A_332 = arith.index_cast %parallel_loop3A_308 : i32 to index
      %parallel_loop3A_333 = tpu.vector_load %arg6[%parallel_loop3A_330, %parallel_loop3A_331, %parallel_loop3A_332] {strides = array<i32>} : memref<25x8x128xi32, #tpu.memory_space<vmem>>, vector<16xi32>,
      tpu.vector_store %arg6[%parallel_loop3A_330, %parallel_loop3A_331, %parallel_loop3A_332], %parallel_loop3A_329 {strides = array<i32>} : memref<25x8x128xi32, #tpu.memory_space<vmem>>, vector<16xi32>,
    } {sc.loop_unroll_factor = 1 : i64, sc.parallel_access}
    %iota3A = tpu.iota {dimensions = array<i32: 0>} : vector<16xi32>
    %dma_start3A = arith.constant 0 : i32
    %dma_start3A_3 = arith.constant 0 : i32
    %dma_start3A_4 = arith.constant 0 : i32
    %dma_start3A_5 = arith.constant 0 : i32
    %dma_start3A_6 = arith.constant 0 : i32
    %dma_start3A_7 = arith.constant 0 : i32
    %dma_start3A_8 = tpu.memref_slice %arg7[%dma_start3A_4, %dma_start3A_5, %dma_start3A_6, %dma_start3A_7] : memref<3x4x128x32xf32, #tpu.memory_space<vmem>> -> memref<1x1x128x32xf32, #tpu.memory_space<vmem>>
    %dma_start3A_9 = tpu.memref_squeeze %dma_start3A_8 : memref<1x1x128x32xf32, #tpu.memory_space<vmem>> -> memref<128x32xf32, #tpu.memory_space<vmem>>
    %dma_start3A_10 = arith.constant 0 : i32
    %dma_start3A_11 = tpu.memref_slice %arg6[%dma_start3A, %dma_start3A_3, %dma_start3A_10] : memref<25x8x128xi32, #tpu.memory_space<vmem>> -> memref<1x1x128xi32, #tpu.memory_space<vmem>>
    %dma_start3A_12 = tpu.memref_squeeze %dma_start3A_11 : memref<1x1x128xi32, #tpu.memory_space<vmem>> -> memref<128xi32, #tpu.memory_space<vmem>>
    %dma_start3A_13 = arith.constant 0 : i32
    %dma_start3A_14 = arith.constant 0 : i32
    %dma_start3A_15 = tpu.memref_slice %arg4[%dma_start3A_13, %dma_start3A_14] : memref<1007616x32xf32, #tpu.memory_space<hbm>> -> memref<1007616x32xf32, #tpu.memory_space<hbm>>
    tpu.enqueue_indirect_dma source(%dma_start3A_15 : memref<1007616x32xf32, #tpu.memory_space<hbm>>) target(%dma_start3A_9 : memref<128x32xf32, #tpu.memory_space<vmem>>) offsets(%dma_start3A_12 : memref<128xi32, #tpu.memory_space<vmem>>) semaphore(%arg9 : memref<!tpu.dma_semaphore, #tpu.memory_space<semaphore_mem>>)
    %dma_start3A_16 = arith.constant 0 : i32
    %dma_start3A_17 = arith.constant 0 : i32
    %dma_start3A_18 = arith.constant 0 : i32
    %dma_start3A_19 = arith.constant 0 : i32
    %dma_start3A_20 = arith.constant 0 : i32
    %dma_start3A_21 = tpu.memref_slice %arg8[%dma_start3A_17, %dma_start3A_18, %dma_start3A_19, %dma_start3A_20] : memref<3x4x4x1024xf32, #tpu.memory_space<vmem>> -> memref<1x1x4x1024xf32, #tpu.memory_space<vmem>>
    %dma_start3A_22 = tpu.memref_squeeze %dma_start3A_21 : memref<1x1x4x1024xf32, #tpu.memory_space<vmem>> -> memref<4x1024xf32, #tpu.memory_space<vmem>>
    %dma_start3A_23 = arith.constant 0 : i32
    %dma_start3A_24 = arith.constant 0 : i32
    %dma_start3A_25 = tpu.memref_slice %arg2[%dma_start3A_16, %dma_start3A_23, %add3A, %dma_start3A_24] : memref<200x4x32x1024xf32, #tpu.memory_space<hbm>> -> memref<1x4x1x1024xf32, #tpu.memory_space<hbm>>
    %dma_start3A_26 = tpu.memref_squeeze %dma_start3A_25 : memref<1x4x1x1024xf32, #tpu.memory_space<hbm>> -> memref<4x1024xf32, #tpu.memory_space<hbm>>
    %dma_start3A_27 = arith.constant 0 : i32
    %dma_start3A_28 = arith.constant 0 : i32
    %dma_start3A_29 = tpu.memref_slice %arg8[%dma_start3A_17, %dma_start3A_18, %dma_start3A_27, %dma_start3A_28] : memref<3x4x4x1024xf32, #tpu.memory_space<vmem>> -> memref<1x1x4x1024xf32, #tpu.memory_space<vmem>>
    %dma_start3A_30 = tpu.memref_squeeze %dma_start3A_29 : memref<1x1x4x1024xf32, #tpu.memory_space<vmem>> -> memref<4x1024xf32, #tpu.memory_space<vmem>>
    %dma_start3A_31 = arith.constant 0 : i32
    %dma_start3A_32 = arith.constant 0 : i32
    %dma_start3A_33 = tpu.memref_slice %arg2[%dma_start3A_16, %dma_start3A_31, %add3A, %dma_start3A_32] : memref<200x4x32x1024xf32, #tpu.memory_space<hbm>> -> memref<1x4x1x1024xf32, #tpu.memory_space<hbm>>
    %dma_start3A_34 = tpu.memref_squeeze %dma_start3A_33 : memref<1x4x1x1024xf32, #tpu.memory_space<hbm>> -> memref<4x1024xf32, #tpu.memory_space<hbm>>
    tpu.enqueue_dma source(%dma_start3A_34 : memref<4x1024xf32, #tpu.memory_space<hbm>>) target(%dma_start3A_30 : memref<4x1024xf32, #tpu.memory_space<vmem>>) target_semaphore(%arg10 : memref<!tpu.dma_semaphore, #tpu.memory_space<semaphore_mem>>)
    %dma_start3A_35 = arith.constant 0 : i32
    %dma_start3A_36 = arith.constant 1 : i32
    %dma_start3A_37 = arith.constant 0 : i32
    %dma_start3A_38 = arith.constant 1 : i32
    %dma_start3A_39 = arith.constant 0 : i32
    %dma_start3A_40 = arith.constant 0 : i32
    %dma_start3A_41 = tpu.memref_slice %arg7[%dma_start3A_37, %dma_start3A_38, %dma_start3A_39, %dma_start3A_40] : memref<3x4x128x32xf32, #tpu.memory_space<vmem>> -> memref<1x1x128x32xf32, #tpu.memory_space<vmem>>
    %dma_start3A_42 = tpu.memref_squeeze %dma_start3A_41 : memref<1x1x128x32xf32, #tpu.memory_space<vmem>> -> memref<128x32xf32, #tpu.memory_space<vmem>>
    %dma_start3A_43 = arith.constant 0 : i32
    %dma_start3A_44 = tpu.memref_slice %arg6[%dma_start3A_35, %dma_start3A_36, %dma_start3A_43] : memref<25x8x128xi32, #tpu.memory_space<vmem>> -> memref<1x1x128xi32, #tpu.memory_space<vmem>>
    %dma_start3A_45 = tpu.memref_squeeze %dma_start3A_44 : memref<1x1x128xi32, #tpu.memory_space<vmem>> -> memref<128xi32, #tpu.memory_space<vmem>>
    %dma_start3A_46 = arith.constant 0 : i32
    %dma_start3A_47 = arith.constant 0 : i32
    %dma_start3A_48 = tpu.memref_slice %arg4[%dma_start3A_46, %dma_start3A_47] : memref<1007616x32xf32, #tpu.memory_space<hbm>> -> memref<1007616x32xf32, #tpu.memory_space<hbm>>
    tpu.enqueue_indirect_dma source(%dma_start3A_48 : memref<1007616x32xf32, #tpu.memory_space<hbm>>) target(%dma_start3A_42 : memref<128x32xf32, #tpu.memory_space<vmem>>) offsets(%dma_start3A_45 : memref<128xi32, #tpu.memory_space<vmem>>) semaphore(%arg9 : memref<!tpu.dma_semaphore, #tpu.memory_space<semaphore_mem>>)
    %dma_start3A_49 = arith.constant 1 : i32
    %dma_start3A_50 = arith.constant 0 : i32
    %dma_start3A_51 = arith.constant 1 : i32
    %dma_start3A_52 = arith.constant 0 : i32
    %dma_start3A_53 = arith.constant 0 : i32
    %dma_start3A_54 = tpu.memref_slice %arg8[%dma_start3A_50, %dma_start3A_51, %dma_start3A_52, %dma_start3A_53] : memref<3x4x4x1024xf32, #tpu.memory_space<vmem>> -> memref<1x1x4x1024xf32, #tpu.memory_space<vmem>>
    %dma_start3A_55 = tpu.memref_squeeze %dma_start3A_54 : memref<1x1x4x1024xf32, #tpu.memory_space<vmem>> -> memref<4x1024xf32, #tpu.memory_space<vmem>>
    %dma_start3A_56 = arith.constant 0 : i32
    %dma_start3A_57 = arith.constant 0 : i32
    %dma_start3A_58 = tpu.memref_slice %arg2[%dma_start3A_49, %dma_start3A_56, %add3A, %dma_start3A_57] : memref<200x4x32x1024xf32, #tpu.memory_space<hbm>> -> memref<1x4x1x1024xf32, #tpu.memory_space<hbm>>
    %dma_start3A_59 = tpu.memref_squeeze %dma_start3A_58 : memref<1x4x1x1024xf32, #tpu.memory_space<hbm>> -> memref<4x1024xf32, #tpu.memory_space<hbm>>
    %dma_start3A_60 = arith.constant 0 : i32
    %dma_start3A_61 = arith.constant 0 : i32
    %dma_start3A_62 = tpu.memref_slice %arg8[%dma_start3A_50, %dma_start3A_51, %dma_start3A_60, %dma_start3A_61] : memref<3x4x4x1024xf32, #tpu.memory_space<vmem>> -> memref<1x1x4x1024xf32, #tpu.memory_space<vmem>>
    %dma_start3A_63 = tpu.memref_squeeze %dma_start3A_62 : memref<1x1x4x1024xf32, #tpu.memory_space<vmem>> -> memref<4x1024xf32, #tpu.memory_space<vmem>>
    %dma_start3A_64 = arith.constant 0 : i32
    %dma_start3A_65 = arith.constant 0 : i32
    %dma_start3A_66 = tpu.memref_slice %arg2[%dma_start3A_49, %dma_start3A_64, %add3A, %dma_start3A_65] : memref<200x4x32x1024xf32, #tpu.memory_space<hbm>> -> memref<1x4x1x1024xf32, #tpu.memory_space<hbm>>
    %dma_start3A_67 = tpu.memref_squeeze %dma_start3A_66 : memref<1x4x1x1024xf32, #tpu.memory_space<hbm>> -> memref<4x1024xf32, #tpu.memory_space<hbm>>
    tpu.enqueue_dma source(%dma_start3A_67 : memref<4x1024xf32, #tpu.memory_space<hbm>>) target(%dma_start3A_63 : memref<4x1024xf32, #tpu.memory_space<vmem>>) target_semaphore(%arg10 : memref<!tpu.dma_semaphore, #tpu.memory_space<semaphore_mem>>)
    %dma_start3A_68 = arith.constant 0 : i32
    %dma_start3A_69 = arith.constant 2 : i32
    %dma_start3A_70 = arith.constant 0 : i32
    %dma_start3A_71 = arith.constant 2 : i32
    %dma_start3A_72 = arith.constant 0 : i32
    %dma_start3A_73 = arith.constant 0 : i32
    %dma_start3A_74 = tpu.memref_slice %arg7[%dma_start3A_70, %dma_start3A_71, %dma_start3A_72, %dma_start3A_73] : memref<3x4x128x32xf32, #tpu.memory_space<vmem>> -> memref<1x1x128x32xf32, #tpu.memory_space<vmem>>
    %dma_start3A_75 = tpu.memref_squeeze %dma_start3A_74 : memref<1x1x128x32xf32, #tpu.memory_space<vmem>> -> memref<128x32xf32, #tpu.memory_space<vmem>>
    %dma_start3A_76 = arith.constant 0 : i32
    %dma_start3A_77 = tpu.memref_slice %arg6[%dma_start3A_68, %dma_start3A_69, %dma_start3A_76] : memref<25x8x128xi32, #tpu.memory_space<vmem>> -> memref<1x1x128xi32, #tpu.memory_space<vmem>>
    %dma_start3A_78 = tpu.memref_squeeze %dma_start3A_77 : memref<1x1x128xi32, #tpu.memory_space<vmem>> -> memref<128xi32, #tpu.memory_space<vmem>>
    %dma_start3A_79 = arith.constant 0 : i32
    %dma_start3A_80 = arith.constant 0 : i32
    %dma_start3A_81 = tpu.memref_slice %arg4[%dma_start3A_79, %dma_start3A_80] : memref<1007616x32xf32, #tpu.memory_space<hbm>> -> memref<1007616x32xf32, #tpu.memory_space<hbm>>
    tpu.enqueue_indirect_dma source(%dma_start3A_81 : memref<1007616x32xf32, #tpu.memory_space<hbm>>) target(%dma_start3A_75 : memref<128x32xf32, #tpu.memory_space<vmem>>) offsets(%dma_start3A_78 : memref<128xi32, #tpu.memory_space<vmem>>) semaphore(%arg9 : memref<!tpu.dma_semaphore, #tpu.memory_space<semaphore_mem>>)
    %dma_start3A_82 = arith.constant 2 : i32
    %dma_start3A_83 = arith.constant 0 : i32
    %dma_start3A_84 = arith.constant 2 : i32
    %dma_start3A_85 = arith.constant 0 : i32
    %dma_start3A_86 = arith.constant 0 : i32
    %dma_start3A_87 = tpu.memref_slice %arg8[%dma_start3A_83, %dma_start3A_84, %dma_start3A_85, %dma_start3A_86] : memref<3x4x4x1024xf32, #tpu.memory_space<vmem>> -> memref<1x1x4x1024xf32, #tpu.memory_space<vmem>>
    %dma_start3A_88 = tpu.memref_squeeze %dma_start3A_87 : memref<1x1x4x1024xf32, #tpu.memory_space<vmem>> -> memref<4x1024xf32, #tpu.memory_space<vmem>>
    %dma_start3A_89 = arith.constant 0 : i32
    %dma_start3A_90 = arith.constant 0 : i32
    %dma_start3A_91 = tpu.memref_slice %arg2[%dma_start3A_82, %dma_start3A_89, %add3A, %dma_start3A_90] : memref<200x4x32x1024xf32, #tpu.memory_space<hbm>> -> memref<1x4x1x1024xf32, #tpu.memory_space<hbm>>
    %dma_start3A_92 = tpu.memref_squeeze %dma_start3A_91 : memref<1x4x1x1024xf32, #tpu.memory_space<hbm>> -> memref<4x1024xf32, #tpu.memory_space<hbm>>
    %dma_start3A_93 = arith.constant 0 : i32
    %dma_start3A_94 = arith.constant 0 : i32
    %dma_start3A_95 = tpu.memref_slice %arg8[%dma_start3A_83, %dma_start3A_84, %dma_start3A_93, %dma_start3A_94] : memref<3x4x4x1024xf32, #tpu.memory_space<vmem>> -> memref<1x1x4x1024xf32, #tpu.memory_space<vmem>>
    %dma_start3A_96 = tpu.memref_squeeze %dma_start3A_95 : memref<1x1x4x1024xf32, #tpu.memory_space<vmem>> -> memref<4x1024xf32, #tpu.memory_space<vmem>>
    %dma_start3A_97 = arith.constant 0 : i32
    %dma_start3A_98 = arith.constant 0 : i32
    %dma_start3A_99 = tpu.memref_slice %arg2[%dma_start3A_82, %dma_start3A_97, %add3A, %dma_start3A_98] : memref<200x4x32x1024xf32, #tpu.memory_space<hbm>> -> memref<1x4x1x1024xf32, #tpu.memory_space<hbm>>
    %dma_start3A_100 = tpu.memref_squeeze %dma_start3A_99 : memref<1x4x1x1024xf32, #tpu.memory_space<hbm>> -> memref<4x1024xf32, #tpu.memory_space<hbm>>
    tpu.enqueue_dma source(%dma_start3A_100 : memref<4x1024xf32, #tpu.memory_space<hbm>>) target(%dma_start3A_96 : memref<4x1024xf32, #tpu.memory_space<vmem>>) target_semaphore(%arg10 : memref<!tpu.dma_semaphore, #tpu.memory_space<semaphore_mem>>)
    %dma_start3A_101 = arith.constant 0 : i32
    %dma_start3A_102 = arith.constant 3 : i32
    %dma_start3A_103 = arith.constant 0 : i32
    %dma_start3A_104 = arith.constant 3 : i32
    %dma_start3A_105 = arith.constant 0 : i32
    %dma_start3A_106 = arith.constant 0 : i32
    %dma_start3A_107 = tpu.memref_slice %arg7[%dma_start3A_103, %dma_start3A_104, %dma_start3A_105, %dma_start3A_106] : memref<3x4x128x32xf32, #tpu.memory_space<vmem>> -> memref<1x1x128x32xf32, #tpu.memory_space<vmem>>
    %dma_start3A_108 = tpu.memref_squeeze %dma_start3A_107 : memref<1x1x128x32xf32, #tpu.memory_space<vmem>> -> memref<128x32xf32, #tpu.memory_space<vmem>>
    %dma_start3A_109 = arith.constant 0 : i32
    %dma_start3A_110 = tpu.memref_slice %arg6[%dma_start3A_101, %dma_start3A_102, %dma_start3A_109] : memref<25x8x128xi32, #tpu.memory_space<vmem>> -> memref<1x1x128xi32, #tpu.memory_space<vmem>>
    %dma_start3A_111 = tpu.memref_squeeze %dma_start3A_110 : memref<1x1x128xi32, #tpu.memory_space<vmem>> -> memref<128xi32, #tpu.memory_space<vmem>>
    %dma_start3A_112 = arith.constant 0 : i32
    %dma_start3A_113 = arith.constant 0 : i32
    %dma_start3A_114 = tpu.memref_slice %arg4[%dma_start3A_112, %dma_start3A_113] : memref<1007616x32xf32, #tpu.memory_space<hbm>> -> memref<1007616x32xf32, #tpu.memory_space<hbm>>
    tpu.enqueue_indirect_dma source(%dma_start3A_114 : memref<1007616x32xf32, #tpu.memory_space<hbm>>) target(%dma_start3A_108 : memref<128x32xf32, #tpu.memory_space<vmem>>) offsets(%dma_start3A_111 : memref<128xi32, #tpu.memory_space<vmem>>) semaphore(%arg9 : memref<!tpu.dma_semaphore, #tpu.memory_space<semaphore_mem>>)
    %dma_start3A_115 = arith.constant 3 : i32
    %dma_start3A_116 = arith.constant 0 : i32
    %dma_start3A_117 = arith.constant 3 : i32
    %dma_start3A_118 = arith.constant 0 : i32
    %dma_start3A_119 = arith.constant 0 : i32
    %dma_start3A_120 = tpu.memref_slice %arg8[%dma_start3A_116, %dma_start3A_117, %dma_start3A_118, %dma_start3A_119] : memref<3x4x4x1024xf32, #tpu.memory_space<vmem>> -> memref<1x1x4x1024xf32, #tpu.memory_space<vmem>>
    %dma_start3A_121 = tpu.memref_squeeze %dma_start3A_120 : memref<1x1x4x1024xf32, #tpu.memory_space<vmem>> -> memref<4x1024xf32, #tpu.memory_space<vmem>>
    %dma_start3A_122 = arith.constant 0 : i32
    %dma_start3A_123 = arith.constant 0 : i32
    %dma_start3A_124 = tpu.memref_slice %arg2[%dma_start3A_115, %dma_start3A_122, %add3A, %dma_start3A_123] : memref<200x4x32x1024xf32, #tpu.memory_space<hbm>> -> memref<1x4x1x1024xf32, #tpu.memory_space<hbm>>
    %dma_start3A_125 = tpu.memref_squeeze %dma_start3A_124 : memref<1x4x1x1024xf32, #tpu.memory_space<hbm>> -> memref<4x1024xf32, #tpu.memory_space<hbm>>
    %dma_start3A_126 = arith.constant 0 : i32
    %dma_start3A_127 = arith.constant 0 : i32
    %dma_start3A_128 = tpu.memref_slice %arg8[%dma_start3A_116, %dma_start3A_117, %dma_start3A_126, %dma_start3A_127] : memref<3x4x4x1024xf32, #tpu.memory_space<vmem>> -> memref<1x1x4x1024xf32, #tpu.memory_space<vmem>>
    %dma_start3A_129 = tpu.memref_squeeze %dma_start3A_128 : memref<1x1x4x1024xf32, #tpu.memory_space<vmem>> -> memref<4x1024xf32, #tpu.memory_space<vmem>>
    %dma_start3A_130 = arith.constant 0 : i32
    %dma_start3A_131 = arith.constant 0 : i32
    %dma_start3A_132 = tpu.memref_slice %arg2[%dma_start3A_115, %dma_start3A_130, %add3A, %dma_start3A_131] : memref<200x4x32x1024xf32, #tpu.memory_space<hbm>> -> memref<1x4x1x1024xf32, #tpu.memory_space<hbm>>
    %dma_start3A_133 = tpu.memref_squeeze %dma_start3A_132 : memref<1x4x1x1024xf32, #tpu.memory_space<hbm>> -> memref<4x1024xf32, #tpu.memory_space<hbm>>
    tpu.enqueue_dma source(%dma_start3A_133 : memref<4x1024xf32, #tpu.memory_space<hbm>>) target(%dma_start3A_129 : memref<4x1024xf32, #tpu.memory_space<vmem>>) target_semaphore(%arg10 : memref<!tpu.dma_semaphore, #tpu.memory_space<semaphore_mem>>)
    %scan3A = arith.constant 0 : i32
    %scan3A_134 = arith.constant 0 : i32
    %scan3A_135 = arith.constant 50 : i32
    %scan3A_136 = arith.addi %scan3A_134, %scan3A_135 : i32
    %scan3A_137 = arith.constant 1 : i32
    scf.for %scan3A_298 = %scan3A_134 to %scan3A_136 step %scan3A_137  : i32 {
      %jit3A = arith.constant 3 : i32
      %eq3A = arith.constant 0 : i32
      %eq3A_299 = arith.cmpi eq, %jit3A, %eq3A : i32
      %jit3A_300 = arith.constant 1 : i32
      %select_n3A = arith.select %eq3A_299, %jit3A_300, %jit3A : i32
      %rem3A = arith.remsi %scan3A_298, %select_n3A : i32
      %ne3A = arith.constant 0 : i32
      %ne3A_301 = arith.cmpi ne, %rem3A, %ne3A : i32
      %lt3A = arith.constant 0 : i32
      %lt3A_302 = arith.cmpi slt, %rem3A, %lt3A : i32
      %lt3A_303 = arith.constant 0 : i32
      %lt3A_304 = arith.cmpi slt, %select_n3A, %lt3A_303 : i32
      %ne3A_305 = arith.xori %lt3A_302, %lt3A_304 : i1
      %and3A = arith.andi %ne3A_305, %ne3A_301 : i1
      %add3A_306 = arith.addi %rem3A, %select_n3A : i32
      %select_n3A_307 = arith.select %and3A, %add3A_306, %rem3A : i32
      %ge3A = arith.constant 2 : i32
      %ge3A_308 = arith.cmpi sge, %scan3A_298, %ge3A : i32
      %convert_element_type3A = arith.extui %ge3A_308 : i1 to i32
      %cond3A = arith.constant 0 : i32
      %cond3A_309 = arith.cmpi ne, %convert_element_type3A, %cond3A : i32
      scf.if %cond3A_309 {
        %add3A_714 = arith.constant 1 : i32
        %add3A_715 = arith.addi %scan3A_298, %add3A_714 : i32
        %jit3A_716 = arith.constant 3 : i32
        %eq3A_717 = arith.constant 0 : i32
        %eq3A_718 = arith.cmpi eq, %jit3A_716, %eq3A_717 : i32
        %jit3A_719 = arith.constant 1 : i32
        %select_n3A_720 = arith.select %eq3A_718, %jit3A_719, %jit3A_716 : i32
        %rem3A_721 = arith.remsi %add3A_715, %select_n3A_720 : i32
        %ne3A_722 = arith.constant 0 : i32
        %ne3A_723 = arith.cmpi ne, %rem3A_721, %ne3A_722 : i32
        %lt3A_724 = arith.constant 0 : i32
        %lt3A_725 = arith.cmpi slt, %rem3A_721, %lt3A_724 : i32
        %lt3A_726 = arith.constant 0 : i32
        %lt3A_727 = arith.cmpi slt, %select_n3A_720, %lt3A_726 : i32
        %ne3A_728 = arith.xori %lt3A_725, %lt3A_727 : i1
        %and3A_729 = arith.andi %ne3A_728, %ne3A_723 : i1
        %add3A_730 = arith.addi %rem3A_721, %select_n3A_720 : i32
        %select_n3A_731 = arith.select %and3A_729, %add3A_730, %rem3A_721 : i32
        %dma_wait3A_732 = arith.constant 0 : i32
        %dma_wait3A_733 = arith.constant 0 : i32
        %dma_wait3A_734 = arith.constant 0 : i32
        %dma_wait3A_735 = arith.constant 0 : i32
        %dma_wait3A_736 = arith.constant 0 : i32
        %dma_wait3A_737 = tpu.memref_slice %arg8[%select_n3A_731, %dma_wait3A_732, %dma_wait3A_735, %dma_wait3A_736] : memref<3x4x4x1024xf32, #tpu.memory_space<vmem>> -> memref<1x1x4x1024xf32, #tpu.memory_space<vmem>>
        %dma_wait3A_738 = tpu.memref_squeeze %dma_wait3A_737 : memref<1x1x4x1024xf32, #tpu.memory_space<vmem>> -> memref<4x1024xf32, #tpu.memory_space<vmem>>
        %dma_wait3A_739 = arith.constant 0 : i32
        %dma_wait3A_740 = arith.constant 0 : i32
        %dma_wait3A_741 = tpu.memref_slice %arg5[%dma_wait3A_733, %dma_wait3A_739, %dma_wait3A_734, %dma_wait3A_740] : memref<200x4x32x1024xf32, #tpu.memory_space<hbm>> -> memref<1x4x1x1024xf32, #tpu.memory_space<hbm>>
        %dma_wait3A_742 = tpu.memref_squeeze %dma_wait3A_741 : memref<1x4x1x1024xf32, #tpu.memory_space<hbm>> -> memref<4x1024xf32, #tpu.memory_space<hbm>>
        %dma_wait3A_743 = arith.constant 0 : i32
        %dma_wait3A_744 = arith.constant 0 : i32
        %dma_wait3A_745 = tpu.memref_slice %arg5[%dma_wait3A_733, %dma_wait3A_743, %dma_wait3A_734, %dma_wait3A_744] : memref<200x4x32x1024xf32, #tpu.memory_space<hbm>> -> memref<1x4x1x1024xf32, #tpu.memory_space<hbm>>
        %dma_wait3A_746 = tpu.memref_squeeze %dma_wait3A_745 : memref<1x4x1x1024xf32, #tpu.memory_space<hbm>> -> memref<4x1024xf32, #tpu.memory_space<hbm>>
        %dma_wait3A_747 = arith.constant 0 : i32
        %dma_wait3A_748 = arith.constant 0 : i32
        %dma_wait3A_749 = tpu.memref_slice %arg8[%select_n3A_731, %dma_wait3A_732, %dma_wait3A_747, %dma_wait3A_748] : memref<3x4x4x1024xf32, #tpu.memory_space<vmem>> -> memref<1x1x4x1024xf32, #tpu.memory_space<vmem>>
        %dma_wait3A_750 = tpu.memref_squeeze %dma_wait3A_749 : memref<1x1x4x1024xf32, #tpu.memory_space<vmem>> -> memref<4x1024xf32, #tpu.memory_space<vmem>>
        tpu.wait_dma2 semaphore(%arg11 : memref<!tpu.dma_semaphore, #tpu.memory_space<semaphore_mem>>) src(%dma_wait3A_750 : memref<4x1024xf32, #tpu.memory_space<vmem>>) dst(%dma_wait3A_746 : memref<4x1024xf32, #tpu.memory_space<hbm>>)
        %dma_wait3A_751 = arith.constant 1 : i32
        %dma_wait3A_752 = arith.constant 0 : i32
        %dma_wait3A_753 = arith.constant 0 : i32
        %dma_wait3A_754 = arith.constant 0 : i32
        %dma_wait3A_755 = arith.constant 0 : i32
        %dma_wait3A_756 = tpu.memref_slice %arg8[%select_n3A_731, %dma_wait3A_751, %dma_wait3A_754, %dma_wait3A_755] : memref<3x4x4x1024xf32, #tpu.memory_space<vmem>> -> memref<1x1x4x1024xf32, #tpu.memory_space<vmem>>
        %dma_wait3A_757 = tpu.memref_squeeze %dma_wait3A_756 : memref<1x1x4x1024xf32, #tpu.memory_space<vmem>> -> memref<4x1024xf32, #tpu.memory_space<vmem>>
        %dma_wait3A_758 = arith.constant 0 : i32
        %dma_wait3A_759 = arith.constant 0 : i32
        %dma_wait3A_760 = tpu.memref_slice %arg5[%dma_wait3A_752, %dma_wait3A_758, %dma_wait3A_753, %dma_wait3A_759] : memref<200x4x32x1024xf32, #tpu.memory_space<hbm>> -> memref<1x4x1x1024xf32, #tpu.memory_space<hbm>>
        %dma_wait3A_761 = tpu.memref_squeeze %dma_wait3A_760 : memref<1x4x1x1024xf32, #tpu.memory_space<hbm>> -> memref<4x1024xf32, #tpu.memory_space<hbm>>
        %dma_wait3A_762 = arith.constant 0 : i32
        %dma_wait3A_763 = arith.constant 0 : i32
        %dma_wait3A_764 = tpu.memref_slice %arg5[%dma_wait3A_752, %dma_wait3A_762, %dma_wait3A_753, %dma_wait3A_763] : memref<200x4x32x1024xf32, #tpu.memory_space<hbm>> -> memref<1x4x1x1024xf32, #tpu.memory_space<hbm>>
        %dma_wait3A_765 = tpu.memref_squeeze %dma_wait3A_764 : memref<1x4x1x1024xf32, #tpu.memory_space<hbm>> -> memref<4x1024xf32, #tpu.memory_space<hbm>>
        %dma_wait3A_766 = arith.constant 0 : i32
        %dma_wait3A_767 = arith.constant 0 : i32
        %dma_wait3A_768 = tpu.memref_slice %arg8[%select_n3A_731, %dma_wait3A_751, %dma_wait3A_766, %dma_wait3A_767] : memref<3x4x4x1024xf32, #tpu.memory_space<vmem>> -> memref<1x1x4x1024xf32, #tpu.memory_space<vmem>>
        %dma_wait3A_769 = tpu.memref_squeeze %dma_wait3A_768 : memref<1x1x4x1024xf32, #tpu.memory_space<vmem>> -> memref<4x1024xf32, #tpu.memory_space<vmem>>
        tpu.wait_dma2 semaphore(%arg11 : memref<!tpu.dma_semaphore, #tpu.memory_space<semaphore_mem>>) src(%dma_wait3A_769 : memref<4x1024xf32, #tpu.memory_space<vmem>>) dst(%dma_wait3A_765 : memref<4x1024xf32, #tpu.memory_space<hbm>>)
        %dma_wait3A_770 = arith.constant 2 : i32
        %dma_wait3A_771 = arith.constant 0 : i32
        %dma_wait3A_772 = arith.constant 0 : i32
        %dma_wait3A_773 = arith.constant 0 : i32
        %dma_wait3A_774 = arith.constant 0 : i32
        %dma_wait3A_775 = tpu.memref_slice %arg8[%select_n3A_731, %dma_wait3A_770, %dma_wait3A_773, %dma_wait3A_774] : memref<3x4x4x1024xf32, #tpu.memory_space<vmem>> -> memref<1x1x4x1024xf32, #tpu.memory_space<vmem>>
        %dma_wait3A_776 = tpu.memref_squeeze %dma_wait3A_775 : memref<1x1x4x1024xf32, #tpu.memory_space<vmem>> -> memref<4x1024xf32, #tpu.memory_space<vmem>>
        %dma_wait3A_777 = arith.constant 0 : i32
        %dma_wait3A_778 = arith.constant 0 : i32
        %dma_wait3A_779 = tpu.memref_slice %arg5[%dma_wait3A_771, %dma_wait3A_777, %dma_wait3A_772, %dma_wait3A_778] : memref<200x4x32x1024xf32, #tpu.memory_space<hbm>> -> memref<1x4x1x1024xf32, #tpu.memory_space<hbm>>
        %dma_wait3A_780 = tpu.memref_squeeze %dma_wait3A_779 : memref<1x4x1x1024xf32, #tpu.memory_space<hbm>> -> memref<4x1024xf32, #tpu.memory_space<hbm>>
        %dma_wait3A_781 = arith.constant 0 : i32
        %dma_wait3A_782 = arith.constant 0 : i32
        %dma_wait3A_783 = tpu.memref_slice %arg5[%dma_wait3A_771, %dma_wait3A_781, %dma_wait3A_772, %dma_wait3A_782] : memref<200x4x32x1024xf32, #tpu.memory_space<hbm>> -> memref<1x4x1x1024xf32, #tpu.memory_space<hbm>>
        %dma_wait3A_784 = tpu.memref_squeeze %dma_wait3A_783 : memref<1x4x1x1024xf32, #tpu.memory_space<hbm>> -> memref<4x1024xf32, #tpu.memory_space<hbm>>
        %dma_wait3A_785 = arith.constant 0 : i32
        %dma_wait3A_786 = arith.constant 0 : i32
        %dma_wait3A_787 = tpu.memref_slice %arg8[%select_n3A_731, %dma_wait3A_770, %dma_wait3A_785, %dma_wait3A_786] : memref<3x4x4x1024xf32, #tpu.memory_space<vmem>> -> memref<1x1x4x1024xf32, #tpu.memory_space<vmem>>
        %dma_wait3A_788 = tpu.memref_squeeze %dma_wait3A_787 : memref<1x1x4x1024xf32, #tpu.memory_space<vmem>> -> memref<4x1024xf32, #tpu.memory_space<vmem>>
        tpu.wait_dma2 semaphore(%arg11 : memref<!tpu.dma_semaphore, #tpu.memory_space<semaphore_mem>>) src(%dma_wait3A_788 : memref<4x1024xf32, #tpu.memory_space<vmem>>) dst(%dma_wait3A_784 : memref<4x1024xf32, #tpu.memory_space<hbm>>)
        %dma_wait3A_789 = arith.constant 3 : i32
        %dma_wait3A_790 = arith.constant 0 : i32
        %dma_wait3A_791 = arith.constant 0 : i32
        %dma_wait3A_792 = arith.constant 0 : i32
        %dma_wait3A_793 = arith.constant 0 : i32
        %dma_wait3A_794 = tpu.memref_slice %arg8[%select_n3A_731, %dma_wait3A_789, %dma_wait3A_792, %dma_wait3A_793] : memref<3x4x4x1024xf32, #tpu.memory_space<vmem>> -> memref<1x1x4x1024xf32, #tpu.memory_space<vmem>>
        %dma_wait3A_795 = tpu.memref_squeeze %dma_wait3A_794 : memref<1x1x4x1024xf32, #tpu.memory_space<vmem>> -> memref<4x1024xf32, #tpu.memory_space<vmem>>
        %dma_wait3A_796 = arith.constant 0 : i32
        %dma_wait3A_797 = arith.constant 0 : i32
        %dma_wait3A_798 = tpu.memref_slice %arg5[%dma_wait3A_790, %dma_wait3A_796, %dma_wait3A_791, %dma_wait3A_797] : memref<200x4x32x1024xf32, #tpu.memory_space<hbm>> -> memref<1x4x1x1024xf32, #tpu.memory_space<hbm>>
        %dma_wait3A_799 = tpu.memref_squeeze %dma_wait3A_798 : memref<1x4x1x1024xf32, #tpu.memory_space<hbm>> -> memref<4x1024xf32, #tpu.memory_space<hbm>>
        %dma_wait3A_800 = arith.constant 0 : i32
        %dma_wait3A_801 = arith.constant 0 : i32
        %dma_wait3A_802 = tpu.memref_slice %arg5[%dma_wait3A_790, %dma_wait3A_800, %dma_wait3A_791, %dma_wait3A_801] : memref<200x4x32x1024xf32, #tpu.memory_space<hbm>> -> memref<1x4x1x1024xf32, #tpu.memory_space<hbm>>
        %dma_wait3A_803 = tpu.memref_squeeze %dma_wait3A_802 : memref<1x4x1x1024xf32, #tpu.memory_space<hbm>> -> memref<4x1024xf32, #tpu.memory_space<hbm>>
        %dma_wait3A_804 = arith.constant 0 : i32
        %dma_wait3A_805 = arith.constant 0 : i32
        %dma_wait3A_806 = tpu.memref_slice %arg8[%select_n3A_731, %dma_wait3A_789, %dma_wait3A_804, %dma_wait3A_805] : memref<3x4x4x1024xf32, #tpu.memory_space<vmem>> -> memref<1x1x4x1024xf32, #tpu.memory_space<vmem>>
        %dma_wait3A_807 = tpu.memref_squeeze %dma_wait3A_806 : memref<1x1x4x1024xf32, #tpu.memory_space<vmem>> -> memref<4x1024xf32, #tpu.memory_space<vmem>>
        tpu.wait_dma2 semaphore(%arg11 : memref<!tpu.dma_semaphore, #tpu.memory_space<semaphore_mem>>) src(%dma_wait3A_807 : memref<4x1024xf32, #tpu.memory_space<vmem>>) dst(%dma_wait3A_803 : memref<4x1024xf32, #tpu.memory_space<hbm>>)
      } else {
      }
      %add3A_310 = arith.constant 1 : i32
      %add3A_311 = arith.addi %scan3A_298, %add3A_310 : i32
      %lt3A_312 = arith.constant 50 : i32
      %lt3A_313 = arith.cmpi slt, %add3A_311, %lt3A_312 : i32
      %convert_element_type3A_314 = arith.extui %lt3A_313 : i1 to i32
      %cond3A_315 = arith.constant 0 : i32
      %cond3A_316 = arith.cmpi ne, %convert_element_type3A_314, %cond3A_315 : i32
      scf.if %cond3A_316 {
        %add3A_714 = arith.constant 1 : i32
        %add3A_715 = arith.addi %scan3A_298, %add3A_714 : i32
        %add3A_716 = arith.constant 1 : i32
        %add3A_717 = arith.addi %scan3A_298, %add3A_716 : i32
        %jit3A_718 = arith.constant 3 : i32
        %eq3A_719 = arith.constant 0 : i32
        %eq3A_720 = arith.cmpi eq, %jit3A_718, %eq3A_719 : i32
        %jit3A_721 = arith.constant 1 : i32
        %select_n3A_722 = arith.select %eq3A_720, %jit3A_721, %jit3A_718 : i32
        %rem3A_723 = arith.remsi %add3A_717, %select_n3A_722 : i32
        %ne3A_724 = arith.constant 0 : i32
        %ne3A_725 = arith.cmpi ne, %rem3A_723, %ne3A_724 : i32
        %lt3A_726 = arith.constant 0 : i32
        %lt3A_727 = arith.cmpi slt, %rem3A_723, %lt3A_726 : i32
        %lt3A_728 = arith.constant 0 : i32
        %lt3A_729 = arith.cmpi slt, %select_n3A_722, %lt3A_728 : i32
        %ne3A_730 = arith.xori %lt3A_727, %lt3A_729 : i1
        %and3A_731 = arith.andi %ne3A_730, %ne3A_725 : i1
        %add3A_732 = arith.addi %rem3A_723, %select_n3A_722 : i32
        %select_n3A_733 = arith.select %and3A_731, %add3A_732, %rem3A_723 : i32
        %mul3A_734 = arith.constant 4 : i32
        %mul3A_735 = arith.muli %add3A_715, %mul3A_734 : i32
        %add3A_736 = arith.constant 0 : i32
        %add3A_737 = arith.addi %mul3A_735, %add3A_736 : i32
        %jit3A_738 = arith.constant 8 : i32
        %div3A_739 = arith.divsi %add3A_737, %jit3A_738 : i32
        %sign3A_740 = arith.constant 0 : i32
        %sign3A_741 = arith.cmpi sgt, %add3A_737, %sign3A_740 : i32
        %sign3A_742 = arith.extui %sign3A_741 : i1 to i32
        %sign3A_743 = arith.constant 0 : i32
        %sign3A_744 = arith.cmpi slt, %add3A_737, %sign3A_743 : i32
        %sign3A_745 = arith.extui %sign3A_744 : i1 to i32
        %sign3A_746 = arith.subi %sign3A_742, %sign3A_745 : i32
        %sign3A_747 = arith.constant 0 : i32
        %sign3A_748 = arith.cmpi sgt, %jit3A_738, %sign3A_747 : i32
        %sign3A_749 = arith.extui %sign3A_748 : i1 to i32
        %sign3A_750 = arith.constant 0 : i32
        %sign3A_751 = arith.cmpi slt, %jit3A_738, %sign3A_750 : i32
        %sign3A_752 = arith.extui %sign3A_751 : i1 to i32
        %sign3A_753 = arith.subi %sign3A_749, %sign3A_752 : i32
        %ne3A_754 = arith.cmpi ne, %sign3A_746, %sign3A_753 : i32
        %rem3A_755 = arith.remsi %add3A_737, %jit3A_738 : i32
        %ne3A_756 = arith.constant 0 : i32
        %ne3A_757 = arith.cmpi ne, %rem3A_755, %ne3A_756 : i32
        %and3A_758 = arith.andi %ne3A_754, %ne3A_757 : i1
        %sub3A_759 = arith.constant 1 : i32
        %sub3A_760 = arith.subi %div3A_739, %sub3A_759 : i32
        %select_n3A_761 = arith.select %and3A_758, %sub3A_760, %div3A_739 : i32
        %jit3A_762 = arith.constant 8 : i32
        %eq3A_763 = arith.constant 0 : i32
        %eq3A_764 = arith.cmpi eq, %jit3A_762, %eq3A_763 : i32
        %jit3A_765 = arith.constant 1 : i32
        %select_n3A_766 = arith.select %eq3A_764, %jit3A_765, %jit3A_762 : i32
        %rem3A_767 = arith.remsi %add3A_737, %select_n3A_766 : i32
        %ne3A_768 = arith.constant 0 : i32
        %ne3A_769 = arith.cmpi ne, %rem3A_767, %ne3A_768 : i32
        %lt3A_770 = arith.constant 0 : i32
        %lt3A_771 = arith.cmpi slt, %rem3A_767, %lt3A_770 : i32
        %lt3A_772 = arith.constant 0 : i32
        %lt3A_773 = arith.cmpi slt, %select_n3A_766, %lt3A_772 : i32
        %ne3A_774 = arith.xori %lt3A_771, %lt3A_773 : i1
        %and3A_775 = arith.andi %ne3A_774, %ne3A_769 : i1
        %add3A_776 = arith.addi %rem3A_767, %select_n3A_766 : i32
        %select_n3A_777 = arith.select %and3A_775, %add3A_776, %rem3A_767 : i32
        %dma_start3A_778 = arith.constant 0 : i32
        %dma_start3A_779 = arith.constant 0 : i32
        %dma_start3A_780 = arith.constant 0 : i32
        %dma_start3A_781 = tpu.memref_slice %arg7[%select_n3A_733, %dma_start3A_778, %dma_start3A_779, %dma_start3A_780] : memref<3x4x128x32xf32, #tpu.memory_space<vmem>> -> memref<1x1x128x32xf32, #tpu.memory_space<vmem>>
        %dma_start3A_782 = tpu.memref_squeeze %dma_start3A_781 : memref<1x1x128x32xf32, #tpu.memory_space<vmem>> -> memref<128x32xf32, #tpu.memory_space<vmem>>
        %dma_start3A_783 = arith.constant 0 : i32
        %dma_start3A_784 = tpu.memref_slice %arg6[%select_n3A_761, %select_n3A_777, %dma_start3A_783] : memref<25x8x128xi32, #tpu.memory_space<vmem>> -> memref<1x1x128xi32, #tpu.memory_space<vmem>>
        %dma_start3A_785 = tpu.memref_squeeze %dma_start3A_784 : memref<1x1x128xi32, #tpu.memory_space<vmem>> -> memref<128xi32, #tpu.memory_space<vmem>>
        %dma_start3A_786 = arith.constant 0 : i32
        %dma_start3A_787 = arith.constant 0 : i32
        %dma_start3A_788 = tpu.memref_slice %arg4[%dma_start3A_786, %dma_start3A_787] : memref<1007616x32xf32, #tpu.memory_space<hbm>> -> memref<1007616x32xf32, #tpu.memory_space<hbm>>
        tpu.enqueue_indirect_dma source(%dma_start3A_788 : memref<1007616x32xf32, #tpu.memory_space<hbm>>) target(%dma_start3A_782 : memref<128x32xf32, #tpu.memory_space<vmem>>) offsets(%dma_start3A_785 : memref<128xi32, #tpu.memory_space<vmem>>) semaphore(%arg9 : memref<!tpu.dma_semaphore, #tpu.memory_space<semaphore_mem>>)
        %dma_start3A_789 = arith.constant 0 : i32
        %dma_start3A_790 = arith.constant 0 : i32
        %dma_start3A_791 = arith.constant 0 : i32
        %dma_start3A_792 = tpu.memref_slice %arg8[%select_n3A_733, %dma_start3A_789, %dma_start3A_790, %dma_start3A_791] : memref<3x4x4x1024xf32, #tpu.memory_space<vmem>> -> memref<1x1x4x1024xf32, #tpu.memory_space<vmem>>
        %dma_start3A_793 = tpu.memref_squeeze %dma_start3A_792 : memref<1x1x4x1024xf32, #tpu.memory_space<vmem>> -> memref<4x1024xf32, #tpu.memory_space<vmem>>
        %dma_start3A_794 = arith.constant 0 : i32
        %dma_start3A_795 = arith.constant 0 : i32
        %dma_start3A_796 = tpu.memref_slice %arg2[%add3A_737, %dma_start3A_794, %add3A, %dma_start3A_795] : memref<200x4x32x1024xf32, #tpu.memory_space<hbm>> -> memref<1x4x1x1024xf32, #tpu.memory_space<hbm>>
        %dma_start3A_797 = tpu.memref_squeeze %dma_start3A_796 : memref<1x4x1x1024xf32, #tpu.memory_space<hbm>> -> memref<4x1024xf32, #tpu.memory_space<hbm>>
        %dma_start3A_798 = arith.constant 0 : i32
        %dma_start3A_799 = arith.constant 0 : i32
        %dma_start3A_800 = tpu.memref_slice %arg8[%select_n3A_733, %dma_start3A_789, %dma_start3A_798, %dma_start3A_799] : memref<3x4x4x1024xf32, #tpu.memory_space<vmem>> -> memref<1x1x4x1024xf32, #tpu.memory_space<vmem>>
        %dma_start3A_801 = tpu.memref_squeeze %dma_start3A_800 : memref<1x1x4x1024xf32, #tpu.memory_space<vmem>> -> memref<4x1024xf32, #tpu.memory_space<vmem>>
        %dma_start3A_802 = arith.constant 0 : i32
        %dma_start3A_803 = arith.constant 0 : i32
        %dma_start3A_804 = tpu.memref_slice %arg2[%add3A_737, %dma_start3A_802, %add3A, %dma_start3A_803] : memref<200x4x32x1024xf32, #tpu.memory_space<hbm>> -> memref<1x4x1x1024xf32, #tpu.memory_space<hbm>>
        %dma_start3A_805 = tpu.memref_squeeze %dma_start3A_804 : memref<1x4x1x1024xf32, #tpu.memory_space<hbm>> -> memref<4x1024xf32, #tpu.memory_space<hbm>>
        tpu.enqueue_dma source(%dma_start3A_805 : memref<4x1024xf32, #tpu.memory_space<hbm>>) target(%dma_start3A_801 : memref<4x1024xf32, #tpu.memory_space<vmem>>) target_semaphore(%arg10 : memref<!tpu.dma_semaphore, #tpu.memory_space<semaphore_mem>>)
        %mul3A_806 = arith.constant 4 : i32
        %mul3A_807 = arith.muli %add3A_715, %mul3A_806 : i32
        %add3A_808 = arith.constant 1 : i32
        %add3A_809 = arith.addi %mul3A_807, %add3A_808 : i32
        %jit3A_810 = arith.constant 8 : i32
        %div3A_811 = arith.divsi %add3A_809, %jit3A_810 : i32
        %sign3A_812 = arith.constant 0 : i32
        %sign3A_813 = arith.cmpi sgt, %add3A_809, %sign3A_812 : i32
        %sign3A_814 = arith.extui %sign3A_813 : i1 to i32
        %sign3A_815 = arith.constant 0 : i32
        %sign3A_816 = arith.cmpi slt, %add3A_809, %sign3A_815 : i32
        %sign3A_817 = arith.extui %sign3A_816 : i1 to i32
        %sign3A_818 = arith.subi %sign3A_814, %sign3A_817 : i32
        %sign3A_819 = arith.constant 0 : i32
        %sign3A_820 = arith.cmpi sgt, %jit3A_810, %sign3A_819 : i32
        %sign3A_821 = arith.extui %sign3A_820 : i1 to i32
        %sign3A_822 = arith.constant 0 : i32
        %sign3A_823 = arith.cmpi slt, %jit3A_810, %sign3A_822 : i32
        %sign3A_824 = arith.extui %sign3A_823 : i1 to i32
        %sign3A_825 = arith.subi %sign3A_821, %sign3A_824 : i32
        %ne3A_826 = arith.cmpi ne, %sign3A_818, %sign3A_825 : i32
        %rem3A_827 = arith.remsi %add3A_809, %jit3A_810 : i32
        %ne3A_828 = arith.constant 0 : i32
        %ne3A_829 = arith.cmpi ne, %rem3A_827, %ne3A_828 : i32
        %and3A_830 = arith.andi %ne3A_826, %ne3A_829 : i1
        %sub3A_831 = arith.constant 1 : i32
        %sub3A_832 = arith.subi %div3A_811, %sub3A_831 : i32
        %select_n3A_833 = arith.select %and3A_830, %sub3A_832, %div3A_811 : i32
        %jit3A_834 = arith.constant 8 : i32
        %eq3A_835 = arith.constant 0 : i32
        %eq3A_836 = arith.cmpi eq, %jit3A_834, %eq3A_835 : i32
        %jit3A_837 = arith.constant 1 : i32
        %select_n3A_838 = arith.select %eq3A_836, %jit3A_837, %jit3A_834 : i32
        %rem3A_839 = arith.remsi %add3A_809, %select_n3A_838 : i32
        %ne3A_840 = arith.constant 0 : i32
        %ne3A_841 = arith.cmpi ne, %rem3A_839, %ne3A_840 : i32
        %lt3A_842 = arith.constant 0 : i32
        %lt3A_843 = arith.cmpi slt, %rem3A_839, %lt3A_842 : i32
        %lt3A_844 = arith.constant 0 : i32
        %lt3A_845 = arith.cmpi slt, %select_n3A_838, %lt3A_844 : i32
        %ne3A_846 = arith.xori %lt3A_843, %lt3A_845 : i1
        %and3A_847 = arith.andi %ne3A_846, %ne3A_841 : i1
        %add3A_848 = arith.addi %rem3A_839, %select_n3A_838 : i32
        %select_n3A_849 = arith.select %and3A_847, %add3A_848, %rem3A_839 : i32
        %dma_start3A_850 = arith.constant 1 : i32
        %dma_start3A_851 = arith.constant 0 : i32
        %dma_start3A_852 = arith.constant 0 : i32
        %dma_start3A_853 = tpu.memref_slice %arg7[%select_n3A_733, %dma_start3A_850, %dma_start3A_851, %dma_start3A_852] : memref<3x4x128x32xf32, #tpu.memory_space<vmem>> -> memref<1x1x128x32xf32, #tpu.memory_space<vmem>>
        %dma_start3A_854 = tpu.memref_squeeze %dma_start3A_853 : memref<1x1x128x32xf32, #tpu.memory_space<vmem>> -> memref<128x32xf32, #tpu.memory_space<vmem>>
        %dma_start3A_855 = arith.constant 0 : i32
        %dma_start3A_856 = tpu.memref_slice %arg6[%select_n3A_833, %select_n3A_849, %dma_start3A_855] : memref<25x8x128xi32, #tpu.memory_space<vmem>> -> memref<1x1x128xi32, #tpu.memory_space<vmem>>
        %dma_start3A_857 = tpu.memref_squeeze %dma_start3A_856 : memref<1x1x128xi32, #tpu.memory_space<vmem>> -> memref<128xi32, #tpu.memory_space<vmem>>
        %dma_start3A_858 = arith.constant 0 : i32
        %dma_start3A_859 = arith.constant 0 : i32
        %dma_start3A_860 = tpu.memref_slice %arg4[%dma_start3A_858, %dma_start3A_859] : memref<1007616x32xf32, #tpu.memory_space<hbm>> -> memref<1007616x32xf32, #tpu.memory_space<hbm>>
        tpu.enqueue_indirect_dma source(%dma_start3A_860 : memref<1007616x32xf32, #tpu.memory_space<hbm>>) target(%dma_start3A_854 : memref<128x32xf32, #tpu.memory_space<vmem>>) offsets(%dma_start3A_857 : memref<128xi32, #tpu.memory_space<vmem>>) semaphore(%arg9 : memref<!tpu.dma_semaphore, #tpu.memory_space<semaphore_mem>>)
        %dma_start3A_861 = arith.constant 1 : i32
        %dma_start3A_862 = arith.constant 0 : i32
        %dma_start3A_863 = arith.constant 0 : i32
        %dma_start3A_864 = tpu.memref_slice %arg8[%select_n3A_733, %dma_start3A_861, %dma_start3A_862, %dma_start3A_863] : memref<3x4x4x1024xf32, #tpu.memory_space<vmem>> -> memref<1x1x4x1024xf32, #tpu.memory_space<vmem>>
        %dma_start3A_865 = tpu.memref_squeeze %dma_start3A_864 : memref<1x1x4x1024xf32, #tpu.memory_space<vmem>> -> memref<4x1024xf32, #tpu.memory_space<vmem>>
        %dma_start3A_866 = arith.constant 0 : i32
        %dma_start3A_867 = arith.constant 0 : i32
        %dma_start3A_868 = tpu.memref_slice %arg2[%add3A_809, %dma_start3A_866, %add3A, %dma_start3A_867] : memref<200x4x32x1024xf32, #tpu.memory_space<hbm>> -> memref<1x4x1x1024xf32, #tpu.memory_space<hbm>>
        %dma_start3A_869 = tpu.memref_squeeze %dma_start3A_868 : memref<1x4x1x1024xf32, #tpu.memory_space<hbm>> -> memref<4x1024xf32, #tpu.memory_space<hbm>>
        %dma_start3A_870 = arith.constant 0 : i32
        %dma_start3A_871 = arith.constant 0 : i32
        %dma_start3A_872 = tpu.memref_slice %arg8[%select_n3A_733, %dma_start3A_861, %dma_start3A_870, %dma_start3A_871] : memref<3x4x4x1024xf32, #tpu.memory_space<vmem>> -> memref<1x1x4x1024xf32, #tpu.memory_space<vmem>>
        %dma_start3A_873 = tpu.memref_squeeze %dma_start3A_872 : memref<1x1x4x1024xf32, #tpu.memory_space<vmem>> -> memref<4x1024xf32, #tpu.memory_space<vmem>>
        %dma_start3A_874 = arith.constant 0 : i32
        %dma_start3A_875 = arith.constant 0 : i32
        %dma_start3A_876 = tpu.memref_slice %arg2[%add3A_809, %dma_start3A_874, %add3A, %dma_start3A_875] : memref<200x4x32x1024xf32, #tpu.memory_space<hbm>> -> memref<1x4x1x1024xf32, #tpu.memory_space<hbm>>
        %dma_start3A_877 = tpu.memref_squeeze %dma_start3A_876 : memref<1x4x1x1024xf32, #tpu.memory_space<hbm>> -> memref<4x1024xf32, #tpu.memory_space<hbm>>
        tpu.enqueue_dma source(%dma_start3A_877 : memref<4x1024xf32, #tpu.memory_space<hbm>>) target(%dma_start3A_873 : memref<4x1024xf32, #tpu.memory_space<vmem>>) target_semaphore(%arg10 : memref<!tpu.dma_semaphore, #tpu.memory_space<semaphore_mem>>)
        %mul3A_878 = arith.constant 4 : i32
        %mul3A_879 = arith.muli %add3A_715, %mul3A_878 : i32
        %add3A_880 = arith.constant 2 : i32
        %add3A_881 = arith.addi %mul3A_879, %add3A_880 : i32
        %jit3A_882 = arith.constant 8 : i32
        %div3A_883 = arith.divsi %add3A_881, %jit3A_882 : i32
        %sign3A_884 = arith.constant 0 : i32
        %sign3A_885 = arith.cmpi sgt, %add3A_881, %sign3A_884 : i32
        %sign3A_886 = arith.extui %sign3A_885 : i1 to i32
        %sign3A_887 = arith.constant 0 : i32
        %sign3A_888 = arith.cmpi slt, %add3A_881, %sign3A_887 : i32
        %sign3A_889 = arith.extui %sign3A_888 : i1 to i32
        %sign3A_890 = arith.subi %sign3A_886, %sign3A_889 : i32
        %sign3A_891 = arith.constant 0 : i32
        %sign3A_892 = arith.cmpi sgt, %jit3A_882, %sign3A_891 : i32
        %sign3A_893 = arith.extui %sign3A_892 : i1 to i32
        %sign3A_894 = arith.constant 0 : i32
        %sign3A_895 = arith.cmpi slt, %jit3A_882, %sign3A_894 : i32
        %sign3A_896 = arith.extui %sign3A_895 : i1 to i32
        %sign3A_897 = arith.subi %sign3A_893, %sign3A_896 : i32
        %ne3A_898 = arith.cmpi ne, %sign3A_890, %sign3A_897 : i32
        %rem3A_899 = arith.remsi %add3A_881, %jit3A_882 : i32
        %ne3A_900 = arith.constant 0 : i32
        %ne3A_901 = arith.cmpi ne, %rem3A_899, %ne3A_900 : i32
        %and3A_902 = arith.andi %ne3A_898, %ne3A_901 : i1
        %sub3A_903 = arith.constant 1 : i32
        %sub3A_904 = arith.subi %div3A_883, %sub3A_903 : i32
        %select_n3A_905 = arith.select %and3A_902, %sub3A_904, %div3A_883 : i32
        %jit3A_906 = arith.constant 8 : i32
        %eq3A_907 = arith.constant 0 : i32
        %eq3A_908 = arith.cmpi eq, %jit3A_906, %eq3A_907 : i32
        %jit3A_909 = arith.constant 1 : i32
        %select_n3A_910 = arith.select %eq3A_908, %jit3A_909, %jit3A_906 : i32
        %rem3A_911 = arith.remsi %add3A_881, %select_n3A_910 : i32
        %ne3A_912 = arith.constant 0 : i32
        %ne3A_913 = arith.cmpi ne, %rem3A_911, %ne3A_912 : i32
        %lt3A_914 = arith.constant 0 : i32
        %lt3A_915 = arith.cmpi slt, %rem3A_911, %lt3A_914 : i32
        %lt3A_916 = arith.constant 0 : i32
        %lt3A_917 = arith.cmpi slt, %select_n3A_910, %lt3A_916 : i32
        %ne3A_918 = arith.xori %lt3A_915, %lt3A_917 : i1
        %and3A_919 = arith.andi %ne3A_918, %ne3A_913 : i1
        %add3A_920 = arith.addi %rem3A_911, %select_n3A_910 : i32
        %select_n3A_921 = arith.select %and3A_919, %add3A_920, %rem3A_911 : i32
        %dma_start3A_922 = arith.constant 2 : i32
        %dma_start3A_923 = arith.constant 0 : i32
        %dma_start3A_924 = arith.constant 0 : i32
        %dma_start3A_925 = tpu.memref_slice %arg7[%select_n3A_733, %dma_start3A_922, %dma_start3A_923, %dma_start3A_924] : memref<3x4x128x32xf32, #tpu.memory_space<vmem>> -> memref<1x1x128x32xf32, #tpu.memory_space<vmem>>
        %dma_start3A_926 = tpu.memref_squeeze %dma_start3A_925 : memref<1x1x128x32xf32, #tpu.memory_space<vmem>> -> memref<128x32xf32, #tpu.memory_space<vmem>>
        %dma_start3A_927 = arith.constant 0 : i32
        %dma_start3A_928 = tpu.memref_slice %arg6[%select_n3A_905, %select_n3A_921, %dma_start3A_927] : memref<25x8x128xi32, #tpu.memory_space<vmem>> -> memref<1x1x128xi32, #tpu.memory_space<vmem>>
        %dma_start3A_929 = tpu.memref_squeeze %dma_start3A_928 : memref<1x1x128xi32, #tpu.memory_space<vmem>> -> memref<128xi32, #tpu.memory_space<vmem>>
        %dma_start3A_930 = arith.constant 0 : i32
        %dma_start3A_931 = arith.constant 0 : i32
        %dma_start3A_932 = tpu.memref_slice %arg4[%dma_start3A_930, %dma_start3A_931] : memref<1007616x32xf32, #tpu.memory_space<hbm>> -> memref<1007616x32xf32, #tpu.memory_space<hbm>>
        tpu.enqueue_indirect_dma source(%dma_start3A_932 : memref<1007616x32xf32, #tpu.memory_space<hbm>>) target(%dma_start3A_926 : memref<128x32xf32, #tpu.memory_space<vmem>>) offsets(%dma_start3A_929 : memref<128xi32, #tpu.memory_space<vmem>>) semaphore(%arg9 : memref<!tpu.dma_semaphore, #tpu.memory_space<semaphore_mem>>)
        %dma_start3A_933 = arith.constant 2 : i32
        %dma_start3A_934 = arith.constant 0 : i32
        %dma_start3A_935 = arith.constant 0 : i32
        %dma_start3A_936 = tpu.memref_slice %arg8[%select_n3A_733, %dma_start3A_933, %dma_start3A_934, %dma_start3A_935] : memref<3x4x4x1024xf32, #tpu.memory_space<vmem>> -> memref<1x1x4x1024xf32, #tpu.memory_space<vmem>>
        %dma_start3A_937 = tpu.memref_squeeze %dma_start3A_936 : memref<1x1x4x1024xf32, #tpu.memory_space<vmem>> -> memref<4x1024xf32, #tpu.memory_space<vmem>>
        %dma_start3A_938 = arith.constant 0 : i32
        %dma_start3A_939 = arith.constant 0 : i32
        %dma_start3A_940 = tpu.memref_slice %arg2[%add3A_881, %dma_start3A_938, %add3A, %dma_start3A_939] : memref<200x4x32x1024xf32, #tpu.memory_space<hbm>> -> memref<1x4x1x1024xf32, #tpu.memory_space<hbm>>
        %dma_start3A_941 = tpu.memref_squeeze %dma_start3A_940 : memref<1x4x1x1024xf32, #tpu.memory_space<hbm>> -> memref<4x1024xf32, #tpu.memory_space<hbm>>
        %dma_start3A_942 = arith.constant 0 : i32
        %dma_start3A_943 = arith.constant 0 : i32
        %dma_start3A_944 = tpu.memref_slice %arg8[%select_n3A_733, %dma_start3A_933, %dma_start3A_942, %dma_start3A_943] : memref<3x4x4x1024xf32, #tpu.memory_space<vmem>> -> memref<1x1x4x1024xf32, #tpu.memory_space<vmem>>
        %dma_start3A_945 = tpu.memref_squeeze %dma_start3A_944 : memref<1x1x4x1024xf32, #tpu.memory_space<vmem>> -> memref<4x1024xf32, #tpu.memory_space<vmem>>
        %dma_start3A_946 = arith.constant 0 : i32
        %dma_start3A_947 = arith.constant 0 : i32
        %dma_start3A_948 = tpu.memref_slice %arg2[%add3A_881, %dma_start3A_946, %add3A, %dma_start3A_947] : memref<200x4x32x1024xf32, #tpu.memory_space<hbm>> -> memref<1x4x1x1024xf32, #tpu.memory_space<hbm>>
        %dma_start3A_949 = tpu.memref_squeeze %dma_start3A_948 : memref<1x4x1x1024xf32, #tpu.memory_space<hbm>> -> memref<4x1024xf32, #tpu.memory_space<hbm>>
        tpu.enqueue_dma source(%dma_start3A_949 : memref<4x1024xf32, #tpu.memory_space<hbm>>) target(%dma_start3A_945 : memref<4x1024xf32, #tpu.memory_space<vmem>>) target_semaphore(%arg10 : memref<!tpu.dma_semaphore, #tpu.memory_space<semaphore_mem>>)
        %mul3A_950 = arith.constant 4 : i32
        %mul3A_951 = arith.muli %add3A_715, %mul3A_950 : i32
        %add3A_952 = arith.constant 3 : i32
        %add3A_953 = arith.addi %mul3A_951, %add3A_952 : i32
        %jit3A_954 = arith.constant 8 : i32
        %div3A_955 = arith.divsi %add3A_953, %jit3A_954 : i32
        %sign3A_956 = arith.constant 0 : i32
        %sign3A_957 = arith.cmpi sgt, %add3A_953, %sign3A_956 : i32
        %sign3A_958 = arith.extui %sign3A_957 : i1 to i32
        %sign3A_959 = arith.constant 0 : i32
        %sign3A_960 = arith.cmpi slt, %add3A_953, %sign3A_959 : i32
        %sign3A_961 = arith.extui %sign3A_960 : i1 to i32
        %sign3A_962 = arith.subi %sign3A_958, %sign3A_961 : i32
        %sign3A_963 = arith.constant 0 : i32
        %sign3A_964 = arith.cmpi sgt, %jit3A_954, %sign3A_963 : i32
        %sign3A_965 = arith.extui %sign3A_964 : i1 to i32
        %sign3A_966 = arith.constant 0 : i32
        %sign3A_967 = arith.cmpi slt, %jit3A_954, %sign3A_966 : i32
        %sign3A_968 = arith.extui %sign3A_967 : i1 to i32
        %sign3A_969 = arith.subi %sign3A_965, %sign3A_968 : i32
        %ne3A_970 = arith.cmpi ne, %sign3A_962, %sign3A_969 : i32
        %rem3A_971 = arith.remsi %add3A_953, %jit3A_954 : i32
        %ne3A_972 = arith.constant 0 : i32
        %ne3A_973 = arith.cmpi ne, %rem3A_971, %ne3A_972 : i32
        %and3A_974 = arith.andi %ne3A_970, %ne3A_973 : i1
        %sub3A_975 = arith.constant 1 : i32
        %sub3A_976 = arith.subi %div3A_955, %sub3A_975 : i32
        %select_n3A_977 = arith.select %and3A_974, %sub3A_976, %div3A_955 : i32
        %jit3A_978 = arith.constant 8 : i32
        %eq3A_979 = arith.constant 0 : i32
        %eq3A_980 = arith.cmpi eq, %jit3A_978, %eq3A_979 : i32
        %jit3A_981 = arith.constant 1 : i32
        %select_n3A_982 = arith.select %eq3A_980, %jit3A_981, %jit3A_978 : i32
        %rem3A_983 = arith.remsi %add3A_953, %select_n3A_982 : i32
        %ne3A_984 = arith.constant 0 : i32
        %ne3A_985 = arith.cmpi ne, %rem3A_983, %ne3A_984 : i32
        %lt3A_986 = arith.constant 0 : i32
        %lt3A_987 = arith.cmpi slt, %rem3A_983, %lt3A_986 : i32
        %lt3A_988 = arith.constant 0 : i32
        %lt3A_989 = arith.cmpi slt, %select_n3A_982, %lt3A_988 : i32
        %ne3A_990 = arith.xori %lt3A_987, %lt3A_989 : i1
        %and3A_991 = arith.andi %ne3A_990, %ne3A_985 : i1
        %add3A_992 = arith.addi %rem3A_983, %select_n3A_982 : i32
        %select_n3A_993 = arith.select %and3A_991, %add3A_992, %rem3A_983 : i32
        %dma_start3A_994 = arith.constant 3 : i32
        %dma_start3A_995 = arith.constant 0 : i32
        %dma_start3A_996 = arith.constant 0 : i32
        %dma_start3A_997 = tpu.memref_slice %arg7[%select_n3A_733, %dma_start3A_994, %dma_start3A_995, %dma_start3A_996] : memref<3x4x128x32xf32, #tpu.memory_space<vmem>> -> memref<1x1x128x32xf32, #tpu.memory_space<vmem>>
        %dma_start3A_998 = tpu.memref_squeeze %dma_start3A_997 : memref<1x1x128x32xf32, #tpu.memory_space<vmem>> -> memref<128x32xf32, #tpu.memory_space<vmem>>
        %dma_start3A_999 = arith.constant 0 : i32
        %dma_start3A_1000 = tpu.memref_slice %arg6[%select_n3A_977, %select_n3A_993, %dma_start3A_999] : memref<25x8x128xi32, #tpu.memory_space<vmem>> -> memref<1x1x128xi32, #tpu.memory_space<vmem>>
        %dma_start3A_1001 = tpu.memref_squeeze %dma_start3A_1000 : memref<1x1x128xi32, #tpu.memory_space<vmem>> -> memref<128xi32, #tpu.memory_space<vmem>>
        %dma_start3A_1002 = arith.constant 0 : i32
        %dma_start3A_1003 = arith.constant 0 : i32
        %dma_start3A_1004 = tpu.memref_slice %arg4[%dma_start3A_1002, %dma_start3A_1003] : memref<1007616x32xf32, #tpu.memory_space<hbm>> -> memref<1007616x32xf32, #tpu.memory_space<hbm>>
        tpu.enqueue_indirect_dma source(%dma_start3A_1004 : memref<1007616x32xf32, #tpu.memory_space<hbm>>) target(%dma_start3A_998 : memref<128x32xf32, #tpu.memory_space<vmem>>) offsets(%dma_start3A_1001 : memref<128xi32, #tpu.memory_space<vmem>>) semaphore(%arg9 : memref<!tpu.dma_semaphore, #tpu.memory_space<semaphore_mem>>)
        %dma_start3A_1005 = arith.constant 3 : i32
        %dma_start3A_1006 = arith.constant 0 : i32
        %dma_start3A_1007 = arith.constant 0 : i32
        %dma_start3A_1008 = tpu.memref_slice %arg8[%select_n3A_733, %dma_start3A_1005, %dma_start3A_1006, %dma_start3A_1007] : memref<3x4x4x1024xf32, #tpu.memory_space<vmem>> -> memref<1x1x4x1024xf32, #tpu.memory_space<vmem>>
        %dma_start3A_1009 = tpu.memref_squeeze %dma_start3A_1008 : memref<1x1x4x1024xf32, #tpu.memory_space<vmem>> -> memref<4x1024xf32, #tpu.memory_space<vmem>>
        %dma_start3A_1010 = arith.constant 0 : i32
        %dma_start3A_1011 = arith.constant 0 : i32
        %dma_start3A_1012 = tpu.memref_slice %arg2[%add3A_953, %dma_start3A_1010, %add3A, %dma_start3A_1011] : memref<200x4x32x1024xf32, #tpu.memory_space<hbm>> -> memref<1x4x1x1024xf32, #tpu.memory_space<hbm>>
        %dma_start3A_1013 = tpu.memref_squeeze %dma_start3A_1012 : memref<1x4x1x1024xf32, #tpu.memory_space<hbm>> -> memref<4x1024xf32, #tpu.memory_space<hbm>>
        %dma_start3A_1014 = arith.constant 0 : i32
        %dma_start3A_1015 = arith.constant 0 : i32
        %dma_start3A_1016 = tpu.memref_slice %arg8[%select_n3A_733, %dma_start3A_1005, %dma_start3A_1014, %dma_start3A_1015] : memref<3x4x4x1024xf32, #tpu.memory_space<vmem>> -> memref<1x1x4x1024xf32, #tpu.memory_space<vmem>>
        %dma_start3A_1017 = tpu.memref_squeeze %dma_start3A_1016 : memref<1x1x4x1024xf32, #tpu.memory_space<vmem>> -> memref<4x1024xf32, #tpu.memory_space<vmem>>
        %dma_start3A_1018 = arith.constant 0 : i32
        %dma_start3A_1019 = arith.constant 0 : i32
        %dma_start3A_1020 = tpu.memref_slice %arg2[%add3A_953, %dma_start3A_1018, %add3A, %dma_start3A_1019] : memref<200x4x32x1024xf32, #tpu.memory_space<hbm>> -> memref<1x4x1x1024xf32, #tpu.memory_space<hbm>>
        %dma_start3A_1021 = tpu.memref_squeeze %dma_start3A_1020 : memref<1x4x1x1024xf32, #tpu.memory_space<hbm>> -> memref<4x1024xf32, #tpu.memory_space<hbm>>
        tpu.enqueue_dma source(%dma_start3A_1021 : memref<4x1024xf32, #tpu.memory_space<hbm>>) target(%dma_start3A_1017 : memref<4x1024xf32, #tpu.memory_space<vmem>>) target_semaphore(%arg10 : memref<!tpu.dma_semaphore, #tpu.memory_space<semaphore_mem>>)
      } else {
      }
      %mul3A_317 = arith.constant 4 : i32
      %mul3A_318 = arith.muli %scan3A_298, %mul3A_317 : i32
      %add3A_319 = arith.constant 0 : i32
      %add3A_320 = arith.addi %mul3A_318, %add3A_319 : i32
      %jit3A_321 = arith.constant 8 : i32
      %div3A = arith.divsi %add3A_320, %jit3A_321 : i32
      %sign3A = arith.constant 0 : i32
      %sign3A_322 = arith.cmpi sgt, %add3A_320, %sign3A : i32
      %sign3A_323 = arith.extui %sign3A_322 : i1 to i32
      %sign3A_324 = arith.constant 0 : i32
      %sign3A_325 = arith.cmpi slt, %add3A_320, %sign3A_324 : i32
      %sign3A_326 = arith.extui %sign3A_325 : i1 to i32
      %sign3A_327 = arith.subi %sign3A_323, %sign3A_326 : i32
      %sign3A_328 = arith.constant 0 : i32
      %sign3A_329 = arith.cmpi sgt, %jit3A_321, %sign3A_328 : i32
      %sign3A_330 = arith.extui %sign3A_329 : i1 to i32
      %sign3A_331 = arith.constant 0 : i32
      %sign3A_332 = arith.cmpi slt, %jit3A_321, %sign3A_331 : i32
      %sign3A_333 = arith.extui %sign3A_332 : i1 to i32
      %sign3A_334 = arith.subi %sign3A_330, %sign3A_333 : i32
      %ne3A_335 = arith.cmpi ne, %sign3A_327, %sign3A_334 : i32
      %rem3A_336 = arith.remsi %add3A_320, %jit3A_321 : i32
      %ne3A_337 = arith.constant 0 : i32
      %ne3A_338 = arith.cmpi ne, %rem3A_336, %ne3A_337 : i32
      %and3A_339 = arith.andi %ne3A_335, %ne3A_338 : i1
      %sub3A = arith.constant 1 : i32
      %sub3A_340 = arith.subi %div3A, %sub3A : i32
      %select_n3A_341 = arith.select %and3A_339, %sub3A_340, %div3A : i32
      %jit3A_342 = arith.constant 8 : i32
      %eq3A_343 = arith.constant 0 : i32
      %eq3A_344 = arith.cmpi eq, %jit3A_342, %eq3A_343 : i32
      %jit3A_345 = arith.constant 1 : i32
      %select_n3A_346 = arith.select %eq3A_344, %jit3A_345, %jit3A_342 : i32
      %rem3A_347 = arith.remsi %add3A_320, %select_n3A_346 : i32
      %ne3A_348 = arith.constant 0 : i32
      %ne3A_349 = arith.cmpi ne, %rem3A_347, %ne3A_348 : i32
      %lt3A_350 = arith.constant 0 : i32
      %lt3A_351 = arith.cmpi slt, %rem3A_347, %lt3A_350 : i32
      %lt3A_352 = arith.constant 0 : i32
      %lt3A_353 = arith.cmpi slt, %select_n3A_346, %lt3A_352 : i32
      %ne3A_354 = arith.xori %lt3A_351, %lt3A_353 : i1
      %and3A_355 = arith.andi %ne3A_354, %ne3A_349 : i1
      %add3A_356 = arith.addi %rem3A_347, %select_n3A_346 : i32
      %select_n3A_357 = arith.select %and3A_355, %add3A_356, %rem3A_347 : i32
      %dma_wait3A_358 = arith.constant 0 : i32
      %dma_wait3A_359 = arith.constant 0 : i32
      %dma_wait3A_360 = arith.constant 0 : i32
      %dma_wait3A_361 = tpu.memref_slice %arg7[%select_n3A_307, %dma_wait3A_358, %dma_wait3A_359, %dma_wait3A_360] : memref<3x4x128x32xf32, #tpu.memory_space<vmem>> -> memref<1x1x128x32xf32, #tpu.memory_space<vmem>>
      %dma_wait3A_362 = tpu.memref_squeeze %dma_wait3A_361 : memref<1x1x128x32xf32, #tpu.memory_space<vmem>> -> memref<128x32xf32, #tpu.memory_space<vmem>>
      %dma_wait3A_363 = arith.constant 0 : i32
      %dma_wait3A_364 = tpu.memref_slice %arg6[%select_n3A_341, %select_n3A_357, %dma_wait3A_363] : memref<25x8x128xi32, #tpu.memory_space<vmem>> -> memref<1x1x128xi32, #tpu.memory_space<vmem>>
      %dma_wait3A_365 = tpu.memref_squeeze %dma_wait3A_364 : memref<1x1x128xi32, #tpu.memory_space<vmem>> -> memref<128xi32, #tpu.memory_space<vmem>>
      %dma_wait3A_366 = arith.constant 0 : i32
      %dma_wait3A_367 = arith.constant 0 : i32
      %dma_wait3A_368 = tpu.memref_slice %arg4[%dma_wait3A_366, %dma_wait3A_367] : memref<1007616x32xf32, #tpu.memory_space<hbm>> -> memref<1007616x32xf32, #tpu.memory_space<hbm>>
      tpu.wait_indirect_dma semaphore(%arg9 : memref<!tpu.dma_semaphore, #tpu.memory_space<semaphore_mem>>) src(%dma_wait3A_368 : memref<1007616x32xf32, #tpu.memory_space<hbm>>) dst(%dma_wait3A_362 : memref<128x32xf32, #tpu.memory_space<vmem>>)
      %dma_wait3A_369 = arith.constant 0 : i32
      %dma_wait3A_370 = arith.constant 0 : i32
      %dma_wait3A_371 = arith.constant 0 : i32
      %dma_wait3A_372 = arith.constant 0 : i32
      %dma_wait3A_373 = arith.constant 0 : i32
      %dma_wait3A_374 = tpu.memref_slice %arg8[%select_n3A_307, %dma_wait3A_371, %dma_wait3A_372, %dma_wait3A_373] : memref<3x4x4x1024xf32, #tpu.memory_space<vmem>> -> memref<1x1x4x1024xf32, #tpu.memory_space<vmem>>
      %dma_wait3A_375 = tpu.memref_squeeze %dma_wait3A_374 : memref<1x1x4x1024xf32, #tpu.memory_space<vmem>> -> memref<4x1024xf32, #tpu.memory_space<vmem>>
      %dma_wait3A_376 = arith.constant 0 : i32
      %dma_wait3A_377 = arith.constant 0 : i32
      %dma_wait3A_378 = tpu.memref_slice %arg2[%dma_wait3A_369, %dma_wait3A_376, %dma_wait3A_370, %dma_wait3A_377] : memref<200x4x32x1024xf32, #tpu.memory_space<hbm>> -> memref<1x4x1x1024xf32, #tpu.memory_space<hbm>>
      %dma_wait3A_379 = tpu.memref_squeeze %dma_wait3A_378 : memref<1x4x1x1024xf32, #tpu.memory_space<hbm>> -> memref<4x1024xf32, #tpu.memory_space<hbm>>
      %dma_wait3A_380 = arith.constant 0 : i32
      %dma_wait3A_381 = arith.constant 0 : i32
      %dma_wait3A_382 = tpu.memref_slice %arg8[%select_n3A_307, %dma_wait3A_371, %dma_wait3A_380, %dma_wait3A_381] : memref<3x4x4x1024xf32, #tpu.memory_space<vmem>> -> memref<1x1x4x1024xf32, #tpu.memory_space<vmem>>
      %dma_wait3A_383 = tpu.memref_squeeze %dma_wait3A_382 : memref<1x1x4x1024xf32, #tpu.memory_space<vmem>> -> memref<4x1024xf32, #tpu.memory_space<vmem>>
      %dma_wait3A_384 = arith.constant 0 : i32
      %dma_wait3A_385 = arith.constant 0 : i32
      %dma_wait3A_386 = tpu.memref_slice %arg2[%dma_wait3A_369, %dma_wait3A_384, %dma_wait3A_370, %dma_wait3A_385] : memref<200x4x32x1024xf32, #tpu.memory_space<hbm>> -> memref<1x4x1x1024xf32, #tpu.memory_space<hbm>>
      %dma_wait3A_387 = tpu.memref_squeeze %dma_wait3A_386 : memref<1x4x1x1024xf32, #tpu.memory_space<hbm>> -> memref<4x1024xf32, #tpu.memory_space<hbm>>
      tpu.wait_dma2 semaphore(%arg10 : memref<!tpu.dma_semaphore, #tpu.memory_space<semaphore_mem>>) src(%dma_wait3A_387 : memref<4x1024xf32, #tpu.memory_space<hbm>>) dst(%dma_wait3A_383 : memref<4x1024xf32, #tpu.memory_space<vmem>>)
      %parallel_loop3A_388 = arith.constant 0 : i32
      %parallel_loop3A_389 = arith.constant 32 : i32
      %parallel_loop3A_390 = arith.constant 1 : i32
      %parallel_loop3A_391 = arith.constant 0 : i32
      %parallel_loop3A_392 = arith.constant 0 : i32
      scf.for %parallel_loop3A_714 = %parallel_loop3A_388 to %parallel_loop3A_389 step %parallel_loop3A_390  : i32 {
        %parallel_loop3A_715 = vector.broadcast %parallel_loop3A_714 : i32 to vector<16xi32>
        %parallel_loop3A_716 = arith.addi %parallel_loop3A_715, %iota3A : vector<16xi32>
        %parallel_loop3A_717 = arith.constant 31 : i32
        %parallel_loop3A_718 = vector.broadcast %parallel_loop3A_717 : i32 to vector<16xi32>
        %parallel_loop3A_719 = arith.andi %parallel_loop3A_716, %parallel_loop3A_718 : vector<16xi32>
        %parallel_loop3A_720 = arith.constant 3 : i32
        %parallel_loop3A_721 = vector.broadcast %parallel_loop3A_720 : i32 to vector<16xi32>
        %parallel_loop3A_722 = arith.shrsi %parallel_loop3A_719, %parallel_loop3A_721 : vector<16xi32>
        %parallel_loop3A_723 = arith.constant 7 : i32
        %parallel_loop3A_724 = vector.broadcast %parallel_loop3A_723 : i32 to vector<16xi32>
        %parallel_loop3A_725 = arith.andi %parallel_loop3A_719, %parallel_loop3A_724 : vector<16xi32>
        %parallel_loop3A_726 = arith.constant 128 : i32
        %parallel_loop3A_727 = vector.broadcast %parallel_loop3A_726 : i32 to vector<16xi32>
        %parallel_loop3A_728 = arith.muli %parallel_loop3A_725, %parallel_loop3A_727 : vector<16xi32>
        %parallel_loop3A_729 = arith.constant 0 : i32
        %parallel_loop3A_730 = vector.broadcast %parallel_loop3A_729 : i32 to vector<16xi32>
        %parallel_loop3A_731 = arith.addi %parallel_loop3A_730, %iota3A : vector<16xi32>
        %parallel_loop3A_732 = arith.addi %parallel_loop3A_728, %parallel_loop3A_731 : vector<16xi32>
        %parallel_loop3A_733 = arith.constant 0 : i32
        %parallel_loop3A_734 = arith.constant 0 : i32
        %parallel_loop3A_735 = tpu.memref_slice %arg7[%select_n3A_307, %parallel_loop3A_391, %parallel_loop3A_733, %parallel_loop3A_734] : memref<3x4x128x32xf32, #tpu.memory_space<vmem>> -> memref<1x1x128x32xf32, #tpu.memory_space<vmem>>
        %parallel_loop3A_736 = tpu.memref_squeeze %parallel_loop3A_735 : memref<1x1x128x32xf32, #tpu.memory_space<vmem>> -> memref<128x32xf32, #tpu.memory_space<vmem>>
        %parallel_loop3A_737 = tpu.vector_load_idx %parallel_loop3A_736[%parallel_loop3A_731, %parallel_loop3A_719] : memref<128x32xf32, #tpu.memory_space<vmem>>[vector<16xi32>, vector<16xi32>], vector<16xf32>,
        %parallel_loop3A_738 = arith.constant 0 : i32
        %parallel_loop3A_739 = arith.constant 0 : i32
        %parallel_loop3A_740 = tpu.memref_slice %arg8[%select_n3A_307, %parallel_loop3A_392, %parallel_loop3A_738, %parallel_loop3A_739] : memref<3x4x4x1024xf32, #tpu.memory_space<vmem>> -> memref<1x1x4x1024xf32, #tpu.memory_space<vmem>>
        %parallel_loop3A_741 = tpu.memref_squeeze %parallel_loop3A_740 : memref<1x1x4x1024xf32, #tpu.memory_space<vmem>> -> memref<4x1024xf32, #tpu.memory_space<vmem>>
        tpu.vector_store_idx %parallel_loop3A_741[%parallel_loop3A_722, %parallel_loop3A_732], %parallel_loop3A_737 {add = true} : memref<4x1024xf32, #tpu.memory_space<vmem>>[vector<16xi32>, vector<16xi32>], vector<16xf32>,
        %parallel_loop3A_742 = arith.constant 16 : i32
        %parallel_loop3A_743 = vector.broadcast %parallel_loop3A_742 : i32 to vector<16xi32>
        %parallel_loop3A_744 = arith.addi %parallel_loop3A_743, %iota3A : vector<16xi32>
        %parallel_loop3A_745 = arith.addi %parallel_loop3A_728, %parallel_loop3A_744 : vector<16xi32>
        %parallel_loop3A_746 = arith.constant 0 : i32
        %parallel_loop3A_747 = arith.constant 0 : i32
        %parallel_loop3A_748 = tpu.memref_slice %arg7[%select_n3A_307, %parallel_loop3A_391, %parallel_loop3A_746, %parallel_loop3A_747] : memref<3x4x128x32xf32, #tpu.memory_space<vmem>> -> memref<1x1x128x32xf32, #tpu.memory_space<vmem>>
        %parallel_loop3A_749 = tpu.memref_squeeze %parallel_loop3A_748 : memref<1x1x128x32xf32, #tpu.memory_space<vmem>> -> memref<128x32xf32, #tpu.memory_space<vmem>>
        %parallel_loop3A_750 = tpu.vector_load_idx %parallel_loop3A_749[%parallel_loop3A_744, %parallel_loop3A_719] : memref<128x32xf32, #tpu.memory_space<vmem>>[vector<16xi32>, vector<16xi32>], vector<16xf32>,
        %parallel_loop3A_751 = arith.constant 0 : i32
        %parallel_loop3A_752 = arith.constant 0 : i32
        %parallel_loop3A_753 = tpu.memref_slice %arg8[%select_n3A_307, %parallel_loop3A_392, %parallel_loop3A_751, %parallel_loop3A_752] : memref<3x4x4x1024xf32, #tpu.memory_space<vmem>> -> memref<1x1x4x1024xf32, #tpu.memory_space<vmem>>
        %parallel_loop3A_754 = tpu.memref_squeeze %parallel_loop3A_753 : memref<1x1x4x1024xf32, #tpu.memory_space<vmem>> -> memref<4x1024xf32, #tpu.memory_space<vmem>>
        tpu.vector_store_idx %parallel_loop3A_754[%parallel_loop3A_722, %parallel_loop3A_745], %parallel_loop3A_750 {add = true} : memref<4x1024xf32, #tpu.memory_space<vmem>>[vector<16xi32>, vector<16xi32>], vector<16xf32>,
        %parallel_loop3A_755 = arith.constant 32 : i32
        %parallel_loop3A_756 = vector.broadcast %parallel_loop3A_755 : i32 to vector<16xi32>
        %parallel_loop3A_757 = arith.addi %parallel_loop3A_756, %iota3A : vector<16xi32>
        %parallel_loop3A_758 = arith.addi %parallel_loop3A_728, %parallel_loop3A_757 : vector<16xi32>
        %parallel_loop3A_759 = arith.constant 0 : i32
        %parallel_loop3A_760 = arith.constant 0 : i32
        %parallel_loop3A_761 = tpu.memref_slice %arg7[%select_n3A_307, %parallel_loop3A_391, %parallel_loop3A_759, %parallel_loop3A_760] : memref<3x4x128x32xf32, #tpu.memory_space<vmem>> -> memref<1x1x128x32xf32, #tpu.memory_space<vmem>>
        %parallel_loop3A_762 = tpu.memref_squeeze %parallel_loop3A_761 : memref<1x1x128x32xf32, #tpu.memory_space<vmem>> -> memref<128x32xf32, #tpu.memory_space<vmem>>
        %parallel_loop3A_763 = tpu.vector_load_idx %parallel_loop3A_762[%parallel_loop3A_757, %parallel_loop3A_719] : memref<128x32xf32, #tpu.memory_space<vmem>>[vector<16xi32>, vector<16xi32>], vector<16xf32>,
        %parallel_loop3A_764 = arith.constant 0 : i32
        %parallel_loop3A_765 = arith.constant 0 : i32
        %parallel_loop3A_766 = tpu.memref_slice %arg8[%select_n3A_307, %parallel_loop3A_392, %parallel_loop3A_764, %parallel_loop3A_765] : memref<3x4x4x1024xf32, #tpu.memory_space<vmem>> -> memref<1x1x4x1024xf32, #tpu.memory_space<vmem>>
        %parallel_loop3A_767 = tpu.memref_squeeze %parallel_loop3A_766 : memref<1x1x4x1024xf32, #tpu.memory_space<vmem>> -> memref<4x1024xf32, #tpu.memory_space<vmem>>
        tpu.vector_store_idx %parallel_loop3A_767[%parallel_loop3A_722, %parallel_loop3A_758], %parallel_loop3A_763 {add = true} : memref<4x1024xf32, #tpu.memory_space<vmem>>[vector<16xi32>, vector<16xi32>], vector<16xf32>,
        %parallel_loop3A_768 = arith.constant 48 : i32
        %parallel_loop3A_769 = vector.broadcast %parallel_loop3A_768 : i32 to vector<16xi32>
        %parallel_loop3A_770 = arith.addi %parallel_loop3A_769, %iota3A : vector<16xi32>
        %parallel_loop3A_771 = arith.addi %parallel_loop3A_728, %parallel_loop3A_770 : vector<16xi32>
        %parallel_loop3A_772 = arith.constant 0 : i32
        %parallel_loop3A_773 = arith.constant 0 : i32
        %parallel_loop3A_774 = tpu.memref_slice %arg7[%select_n3A_307, %parallel_loop3A_391, %parallel_loop3A_772, %parallel_loop3A_773] : memref<3x4x128x32xf32, #tpu.memory_space<vmem>> -> memref<1x1x128x32xf32, #tpu.memory_space<vmem>>
        %parallel_loop3A_775 = tpu.memref_squeeze %parallel_loop3A_774 : memref<1x1x128x32xf32, #tpu.memory_space<vmem>> -> memref<128x32xf32, #tpu.memory_space<vmem>>
        %parallel_loop3A_776 = tpu.vector_load_idx %parallel_loop3A_775[%parallel_loop3A_770, %parallel_loop3A_719] : memref<128x32xf32, #tpu.memory_space<vmem>>[vector<16xi32>, vector<16xi32>], vector<16xf32>,
        %parallel_loop3A_777 = arith.constant 0 : i32
        %parallel_loop3A_778 = arith.constant 0 : i32
        %parallel_loop3A_779 = tpu.memref_slice %arg8[%select_n3A_307, %parallel_loop3A_392, %parallel_loop3A_777, %parallel_loop3A_778] : memref<3x4x4x1024xf32, #tpu.memory_space<vmem>> -> memref<1x1x4x1024xf32, #tpu.memory_space<vmem>>
        %parallel_loop3A_780 = tpu.memref_squeeze %parallel_loop3A_779 : memref<1x1x4x1024xf32, #tpu.memory_space<vmem>> -> memref<4x1024xf32, #tpu.memory_space<vmem>>
        tpu.vector_store_idx %parallel_loop3A_780[%parallel_loop3A_722, %parallel_loop3A_771], %parallel_loop3A_776 {add = true} : memref<4x1024xf32, #tpu.memory_space<vmem>>[vector<16xi32>, vector<16xi32>], vector<16xf32>,
        %parallel_loop3A_781 = arith.constant 64 : i32
        %parallel_loop3A_782 = vector.broadcast %parallel_loop3A_781 : i32 to vector<16xi32>
        %parallel_loop3A_783 = arith.addi %parallel_loop3A_782, %iota3A : vector<16xi32>
        %parallel_loop3A_784 = arith.addi %parallel_loop3A_728, %parallel_loop3A_783 : vector<16xi32>
        %parallel_loop3A_785 = arith.constant 0 : i32
        %parallel_loop3A_786 = arith.constant 0 : i32
        %parallel_loop3A_787 = tpu.memref_slice %arg7[%select_n3A_307, %parallel_loop3A_391, %parallel_loop3A_785, %parallel_loop3A_786] : memref<3x4x128x32xf32, #tpu.memory_space<vmem>> -> memref<1x1x128x32xf32, #tpu.memory_space<vmem>>
        %parallel_loop3A_788 = tpu.memref_squeeze %parallel_loop3A_787 : memref<1x1x128x32xf32, #tpu.memory_space<vmem>> -> memref<128x32xf32, #tpu.memory_space<vmem>>
        %parallel_loop3A_789 = tpu.vector_load_idx %parallel_loop3A_788[%parallel_loop3A_783, %parallel_loop3A_719] : memref<128x32xf32, #tpu.memory_space<vmem>>[vector<16xi32>, vector<16xi32>], vector<16xf32>,
        %parallel_loop3A_790 = arith.constant 0 : i32
        %parallel_loop3A_791 = arith.constant 0 : i32
        %parallel_loop3A_792 = tpu.memref_slice %arg8[%select_n3A_307, %parallel_loop3A_392, %parallel_loop3A_790, %parallel_loop3A_791] : memref<3x4x4x1024xf32, #tpu.memory_space<vmem>> -> memref<1x1x4x1024xf32, #tpu.memory_space<vmem>>
        %parallel_loop3A_793 = tpu.memref_squeeze %parallel_loop3A_792 : memref<1x1x4x1024xf32, #tpu.memory_space<vmem>> -> memref<4x1024xf32, #tpu.memory_space<vmem>>
        tpu.vector_store_idx %parallel_loop3A_793[%parallel_loop3A_722, %parallel_loop3A_784], %parallel_loop3A_789 {add = true} : memref<4x1024xf32, #tpu.memory_space<vmem>>[vector<16xi32>, vector<16xi32>], vector<16xf32>,
        %parallel_loop3A_794 = arith.constant 80 : i32
        %parallel_loop3A_795 = vector.broadcast %parallel_loop3A_794 : i32 to vector<16xi32>
        %parallel_loop3A_796 = arith.addi %parallel_loop3A_795, %iota3A : vector<16xi32>
        %parallel_loop3A_797 = arith.addi %parallel_loop3A_728, %parallel_loop3A_796 : vector<16xi32>
        %parallel_loop3A_798 = arith.constant 0 : i32
        %parallel_loop3A_799 = arith.constant 0 : i32
        %parallel_loop3A_800 = tpu.memref_slice %arg7[%select_n3A_307, %parallel_loop3A_391, %parallel_loop3A_798, %parallel_loop3A_799] : memref<3x4x128x32xf32, #tpu.memory_space<vmem>> -> memref<1x1x128x32xf32, #tpu.memory_space<vmem>>
        %parallel_loop3A_801 = tpu.memref_squeeze %parallel_loop3A_800 : memref<1x1x128x32xf32, #tpu.memory_space<vmem>> -> memref<128x32xf32, #tpu.memory_space<vmem>>
        %parallel_loop3A_802 = tpu.vector_load_idx %parallel_loop3A_801[%parallel_loop3A_796, %parallel_loop3A_719] : memref<128x32xf32, #tpu.memory_space<vmem>>[vector<16xi32>, vector<16xi32>], vector<16xf32>,
        %parallel_loop3A_803 = arith.constant 0 : i32
        %parallel_loop3A_804 = arith.constant 0 : i32
        %parallel_loop3A_805 = tpu.memref_slice %arg8[%select_n3A_307, %parallel_loop3A_392, %parallel_loop3A_803, %parallel_loop3A_804] : memref<3x4x4x1024xf32, #tpu.memory_space<vmem>> -> memref<1x1x4x1024xf32, #tpu.memory_space<vmem>>
        %parallel_loop3A_806 = tpu.memref_squeeze %parallel_loop3A_805 : memref<1x1x4x1024xf32, #tpu.memory_space<vmem>> -> memref<4x1024xf32, #tpu.memory_space<vmem>>
        tpu.vector_store_idx %parallel_loop3A_806[%parallel_loop3A_722, %parallel_loop3A_797], %parallel_loop3A_802 {add = true} : memref<4x1024xf32, #tpu.memory_space<vmem>>[vector<16xi32>, vector<16xi32>], vector<16xf32>,
        %parallel_loop3A_807 = arith.constant 96 : i32
        %parallel_loop3A_808 = vector.broadcast %parallel_loop3A_807 : i32 to vector<16xi32>
        %parallel_loop3A_809 = arith.addi %parallel_loop3A_808, %iota3A : vector<16xi32>
        %parallel_loop3A_810 = arith.addi %parallel_loop3A_728, %parallel_loop3A_809 : vector<16xi32>
        %parallel_loop3A_811 = arith.constant 0 : i32
        %parallel_loop3A_812 = arith.constant 0 : i32
        %parallel_loop3A_813 = tpu.memref_slice %arg7[%select_n3A_307, %parallel_loop3A_391, %parallel_loop3A_811, %parallel_loop3A_812] : memref<3x4x128x32xf32, #tpu.memory_space<vmem>> -> memref<1x1x128x32xf32, #tpu.memory_space<vmem>>
        %parallel_loop3A_814 = tpu.memref_squeeze %parallel_loop3A_813 : memref<1x1x128x32xf32, #tpu.memory_space<vmem>> -> memref<128x32xf32, #tpu.memory_space<vmem>>
        %parallel_loop3A_815 = tpu.vector_load_idx %parallel_loop3A_814[%parallel_loop3A_809, %parallel_loop3A_719] : memref<128x32xf32, #tpu.memory_space<vmem>>[vector<16xi32>, vector<16xi32>], vector<16xf32>,
        %parallel_loop3A_816 = arith.constant 0 : i32
        %parallel_loop3A_817 = arith.constant 0 : i32
        %parallel_loop3A_818 = tpu.memref_slice %arg8[%select_n3A_307, %parallel_loop3A_392, %parallel_loop3A_816, %parallel_loop3A_817] : memref<3x4x4x1024xf32, #tpu.memory_space<vmem>> -> memref<1x1x4x1024xf32, #tpu.memory_space<vmem>>
        %parallel_loop3A_819 = tpu.memref_squeeze %parallel_loop3A_818 : memref<1x1x4x1024xf32, #tpu.memory_space<vmem>> -> memref<4x1024xf32, #tpu.memory_space<vmem>>
        tpu.vector_store_idx %parallel_loop3A_819[%parallel_loop3A_722, %parallel_loop3A_810], %parallel_loop3A_815 {add = true} : memref<4x1024xf32, #tpu.memory_space<vmem>>[vector<16xi32>, vector<16xi32>], vector<16xf32>,
        %parallel_loop3A_820 = arith.constant 112 : i32
        %parallel_loop3A_821 = vector.broadcast %parallel_loop3A_820 : i32 to vector<16xi32>
        %parallel_loop3A_822 = arith.addi %parallel_loop3A_821, %iota3A : vector<16xi32>
        %parallel_loop3A_823 = arith.addi %parallel_loop3A_728, %parallel_loop3A_822 : vector<16xi32>
        %parallel_loop3A_824 = arith.constant 0 : i32
        %parallel_loop3A_825 = arith.constant 0 : i32
        %parallel_loop3A_826 = tpu.memref_slice %arg7[%select_n3A_307, %parallel_loop3A_391, %parallel_loop3A_824, %parallel_loop3A_825] : memref<3x4x128x32xf32, #tpu.memory_space<vmem>> -> memref<1x1x128x32xf32, #tpu.memory_space<vmem>>
        %parallel_loop3A_827 = tpu.memref_squeeze %parallel_loop3A_826 : memref<1x1x128x32xf32, #tpu.memory_space<vmem>> -> memref<128x32xf32, #tpu.memory_space<vmem>>
        %parallel_loop3A_828 = tpu.vector_load_idx %parallel_loop3A_827[%parallel_loop3A_822, %parallel_loop3A_719] : memref<128x32xf32, #tpu.memory_space<vmem>>[vector<16xi32>, vector<16xi32>], vector<16xf32>,
        %parallel_loop3A_829 = arith.constant 0 : i32
        %parallel_loop3A_830 = arith.constant 0 : i32
        %parallel_loop3A_831 = tpu.memref_slice %arg8[%select_n3A_307, %parallel_loop3A_392, %parallel_loop3A_829, %parallel_loop3A_830] : memref<3x4x4x1024xf32, #tpu.memory_space<vmem>> -> memref<1x1x4x1024xf32, #tpu.memory_space<vmem>>
        %parallel_loop3A_832 = tpu.memref_squeeze %parallel_loop3A_831 : memref<1x1x4x1024xf32, #tpu.memory_space<vmem>> -> memref<4x1024xf32, #tpu.memory_space<vmem>>
        tpu.vector_store_idx %parallel_loop3A_832[%parallel_loop3A_722, %parallel_loop3A_823], %parallel_loop3A_828 {add = true} : memref<4x1024xf32, #tpu.memory_space<vmem>>[vector<16xi32>, vector<16xi32>], vector<16xf32>,
      } {sc.loop_unroll_factor = 1 : i64, sc.parallel_access}
      %mul3A_393 = arith.constant 4 : i32
      %mul3A_394 = arith.muli %scan3A_298, %mul3A_393 : i32
      %add3A_395 = arith.constant 1 : i32
      %add3A_396 = arith.addi %mul3A_394, %add3A_395 : i32
      %jit3A_397 = arith.constant 8 : i32
      %div3A_398 = arith.divsi %add3A_396, %jit3A_397 : i32
      %sign3A_399 = arith.constant 0 : i32
      %sign3A_400 = arith.cmpi sgt, %add3A_396, %sign3A_399 : i32
      %sign3A_401 = arith.extui %sign3A_400 : i1 to i32
      %sign3A_402 = arith.constant 0 : i32
      %sign3A_403 = arith.cmpi slt, %add3A_396, %sign3A_402 : i32
      %sign3A_404 = arith.extui %sign3A_403 : i1 to i32
      %sign3A_405 = arith.subi %sign3A_401, %sign3A_404 : i32
      %sign3A_406 = arith.constant 0 : i32
      %sign3A_407 = arith.cmpi sgt, %jit3A_397, %sign3A_406 : i32
      %sign3A_408 = arith.extui %sign3A_407 : i1 to i32
      %sign3A_409 = arith.constant 0 : i32
      %sign3A_410 = arith.cmpi slt, %jit3A_397, %sign3A_409 : i32
      %sign3A_411 = arith.extui %sign3A_410 : i1 to i32
      %sign3A_412 = arith.subi %sign3A_408, %sign3A_411 : i32
      %ne3A_413 = arith.cmpi ne, %sign3A_405, %sign3A_412 : i32
      %rem3A_414 = arith.remsi %add3A_396, %jit3A_397 : i32
      %ne3A_415 = arith.constant 0 : i32
      %ne3A_416 = arith.cmpi ne, %rem3A_414, %ne3A_415 : i32
      %and3A_417 = arith.andi %ne3A_413, %ne3A_416 : i1
      %sub3A_418 = arith.constant 1 : i32
      %sub3A_419 = arith.subi %div3A_398, %sub3A_418 : i32
      %select_n3A_420 = arith.select %and3A_417, %sub3A_419, %div3A_398 : i32
      %jit3A_421 = arith.constant 8 : i32
      %eq3A_422 = arith.constant 0 : i32
      %eq3A_423 = arith.cmpi eq, %jit3A_421, %eq3A_422 : i32
      %jit3A_424 = arith.constant 1 : i32
      %select_n3A_425 = arith.select %eq3A_423, %jit3A_424, %jit3A_421 : i32
      %rem3A_426 = arith.remsi %add3A_396, %select_n3A_425 : i32
      %ne3A_427 = arith.constant 0 : i32
      %ne3A_428 = arith.cmpi ne, %rem3A_426, %ne3A_427 : i32
      %lt3A_429 = arith.constant 0 : i32
      %lt3A_430 = arith.cmpi slt, %rem3A_426, %lt3A_429 : i32
      %lt3A_431 = arith.constant 0 : i32
      %lt3A_432 = arith.cmpi slt, %select_n3A_425, %lt3A_431 : i32
      %ne3A_433 = arith.xori %lt3A_430, %lt3A_432 : i1
      %and3A_434 = arith.andi %ne3A_433, %ne3A_428 : i1
      %add3A_435 = arith.addi %rem3A_426, %select_n3A_425 : i32
      %select_n3A_436 = arith.select %and3A_434, %add3A_435, %rem3A_426 : i32
      %dma_wait3A_437 = arith.constant 1 : i32
      %dma_wait3A_438 = arith.constant 0 : i32
      %dma_wait3A_439 = arith.constant 0 : i32
      %dma_wait3A_440 = tpu.memref_slice %arg7[%select_n3A_307, %dma_wait3A_437, %dma_wait3A_438, %dma_wait3A_439] : memref<3x4x128x32xf32, #tpu.memory_space<vmem>> -> memref<1x1x128x32xf32, #tpu.memory_space<vmem>>
      %dma_wait3A_441 = tpu.memref_squeeze %dma_wait3A_440 : memref<1x1x128x32xf32, #tpu.memory_space<vmem>> -> memref<128x32xf32, #tpu.memory_space<vmem>>
      %dma_wait3A_442 = arith.constant 0 : i32
      %dma_wait3A_443 = tpu.memref_slice %arg6[%select_n3A_420, %select_n3A_436, %dma_wait3A_442] : memref<25x8x128xi32, #tpu.memory_space<vmem>> -> memref<1x1x128xi32, #tpu.memory_space<vmem>>
      %dma_wait3A_444 = tpu.memref_squeeze %dma_wait3A_443 : memref<1x1x128xi32, #tpu.memory_space<vmem>> -> memref<128xi32, #tpu.memory_space<vmem>>
      %dma_wait3A_445 = arith.constant 0 : i32
      %dma_wait3A_446 = arith.constant 0 : i32
      %dma_wait3A_447 = tpu.memref_slice %arg4[%dma_wait3A_445, %dma_wait3A_446] : memref<1007616x32xf32, #tpu.memory_space<hbm>> -> memref<1007616x32xf32, #tpu.memory_space<hbm>>
      tpu.wait_indirect_dma semaphore(%arg9 : memref<!tpu.dma_semaphore, #tpu.memory_space<semaphore_mem>>) src(%dma_wait3A_447 : memref<1007616x32xf32, #tpu.memory_space<hbm>>) dst(%dma_wait3A_441 : memref<128x32xf32, #tpu.memory_space<vmem>>)
      %dma_wait3A_448 = arith.constant 0 : i32
      %dma_wait3A_449 = arith.constant 0 : i32
      %dma_wait3A_450 = arith.constant 1 : i32
      %dma_wait3A_451 = arith.constant 0 : i32
      %dma_wait3A_452 = arith.constant 0 : i32
      %dma_wait3A_453 = tpu.memref_slice %arg8[%select_n3A_307, %dma_wait3A_450, %dma_wait3A_451, %dma_wait3A_452] : memref<3x4x4x1024xf32, #tpu.memory_space<vmem>> -> memref<1x1x4x1024xf32, #tpu.memory_space<vmem>>
      %dma_wait3A_454 = tpu.memref_squeeze %dma_wait3A_453 : memref<1x1x4x1024xf32, #tpu.memory_space<vmem>> -> memref<4x1024xf32, #tpu.memory_space<vmem>>
      %dma_wait3A_455 = arith.constant 0 : i32
      %dma_wait3A_456 = arith.constant 0 : i32
      %dma_wait3A_457 = tpu.memref_slice %arg2[%dma_wait3A_448, %dma_wait3A_455, %dma_wait3A_449, %dma_wait3A_456] : memref<200x4x32x1024xf32, #tpu.memory_space<hbm>> -> memref<1x4x1x1024xf32, #tpu.memory_space<hbm>>
      %dma_wait3A_458 = tpu.memref_squeeze %dma_wait3A_457 : memref<1x4x1x1024xf32, #tpu.memory_space<hbm>> -> memref<4x1024xf32, #tpu.memory_space<hbm>>
      %dma_wait3A_459 = arith.constant 0 : i32
      %dma_wait3A_460 = arith.constant 0 : i32
      %dma_wait3A_461 = tpu.memref_slice %arg8[%select_n3A_307, %dma_wait3A_450, %dma_wait3A_459, %dma_wait3A_460] : memref<3x4x4x1024xf32, #tpu.memory_space<vmem>> -> memref<1x1x4x1024xf32, #tpu.memory_space<vmem>>
      %dma_wait3A_462 = tpu.memref_squeeze %dma_wait3A_461 : memref<1x1x4x1024xf32, #tpu.memory_space<vmem>> -> memref<4x1024xf32, #tpu.memory_space<vmem>>
      %dma_wait3A_463 = arith.constant 0 : i32
      %dma_wait3A_464 = arith.constant 0 : i32
      %dma_wait3A_465 = tpu.memref_slice %arg2[%dma_wait3A_448, %dma_wait3A_463, %dma_wait3A_449, %dma_wait3A_464] : memref<200x4x32x1024xf32, #tpu.memory_space<hbm>> -> memref<1x4x1x1024xf32, #tpu.memory_space<hbm>>
      %dma_wait3A_466 = tpu.memref_squeeze %dma_wait3A_465 : memref<1x4x1x1024xf32, #tpu.memory_space<hbm>> -> memref<4x1024xf32, #tpu.memory_space<hbm>>
      tpu.wait_dma2 semaphore(%arg10 : memref<!tpu.dma_semaphore, #tpu.memory_space<semaphore_mem>>) src(%dma_wait3A_466 : memref<4x1024xf32, #tpu.memory_space<hbm>>) dst(%dma_wait3A_462 : memref<4x1024xf32, #tpu.memory_space<vmem>>)
      %parallel_loop3A_467 = arith.constant 0 : i32
      %parallel_loop3A_468 = arith.constant 32 : i32
      %parallel_loop3A_469 = arith.constant 1 : i32
      %parallel_loop3A_470 = arith.constant 1 : i32
      %parallel_loop3A_471 = arith.constant 1 : i32
      scf.for %parallel_loop3A_714 = %parallel_loop3A_467 to %parallel_loop3A_468 step %parallel_loop3A_469  : i32 {
        %parallel_loop3A_715 = vector.broadcast %parallel_loop3A_714 : i32 to vector<16xi32>
        %parallel_loop3A_716 = arith.addi %parallel_loop3A_715, %iota3A : vector<16xi32>
        %parallel_loop3A_717 = arith.constant 31 : i32
        %parallel_loop3A_718 = vector.broadcast %parallel_loop3A_717 : i32 to vector<16xi32>
        %parallel_loop3A_719 = arith.andi %parallel_loop3A_716, %parallel_loop3A_718 : vector<16xi32>
        %parallel_loop3A_720 = arith.constant 3 : i32
        %parallel_loop3A_721 = vector.broadcast %parallel_loop3A_720 : i32 to vector<16xi32>
        %parallel_loop3A_722 = arith.shrsi %parallel_loop3A_719, %parallel_loop3A_721 : vector<16xi32>
        %parallel_loop3A_723 = arith.constant 7 : i32
        %parallel_loop3A_724 = vector.broadcast %parallel_loop3A_723 : i32 to vector<16xi32>
        %parallel_loop3A_725 = arith.andi %parallel_loop3A_719, %parallel_loop3A_724 : vector<16xi32>
        %parallel_loop3A_726 = arith.constant 128 : i32
        %parallel_loop3A_727 = vector.broadcast %parallel_loop3A_726 : i32 to vector<16xi32>
        %parallel_loop3A_728 = arith.muli %parallel_loop3A_725, %parallel_loop3A_727 : vector<16xi32>
        %parallel_loop3A_729 = arith.constant 0 : i32
        %parallel_loop3A_730 = vector.broadcast %parallel_loop3A_729 : i32 to vector<16xi32>
        %parallel_loop3A_731 = arith.addi %parallel_loop3A_730, %iota3A : vector<16xi32>
        %parallel_loop3A_732 = arith.addi %parallel_loop3A_728, %parallel_loop3A_731 : vector<16xi32>
        %parallel_loop3A_733 = arith.constant 0 : i32
        %parallel_loop3A_734 = arith.constant 0 : i32
        %parallel_loop3A_735 = tpu.memref_slice %arg7[%select_n3A_307, %parallel_loop3A_470, %parallel_loop3A_733, %parallel_loop3A_734] : memref<3x4x128x32xf32, #tpu.memory_space<vmem>> -> memref<1x1x128x32xf32, #tpu.memory_space<vmem>>
        %parallel_loop3A_736 = tpu.memref_squeeze %parallel_loop3A_735 : memref<1x1x128x32xf32, #tpu.memory_space<vmem>> -> memref<128x32xf32, #tpu.memory_space<vmem>>
        %parallel_loop3A_737 = tpu.vector_load_idx %parallel_loop3A_736[%parallel_loop3A_731, %parallel_loop3A_719] : memref<128x32xf32, #tpu.memory_space<vmem>>[vector<16xi32>, vector<16xi32>], vector<16xf32>,
        %parallel_loop3A_738 = arith.constant 0 : i32
        %parallel_loop3A_739 = arith.constant 0 : i32
        %parallel_loop3A_740 = tpu.memref_slice %arg8[%select_n3A_307, %parallel_loop3A_471, %parallel_loop3A_738, %parallel_loop3A_739] : memref<3x4x4x1024xf32, #tpu.memory_space<vmem>> -> memref<1x1x4x1024xf32, #tpu.memory_space<vmem>>
        %parallel_loop3A_741 = tpu.memref_squeeze %parallel_loop3A_740 : memref<1x1x4x1024xf32, #tpu.memory_space<vmem>> -> memref<4x1024xf32, #tpu.memory_space<vmem>>
        tpu.vector_store_idx %parallel_loop3A_741[%parallel_loop3A_722, %parallel_loop3A_732], %parallel_loop3A_737 {add = true} : memref<4x1024xf32, #tpu.memory_space<vmem>>[vector<16xi32>, vector<16xi32>], vector<16xf32>,
        %parallel_loop3A_742 = arith.constant 16 : i32
        %parallel_loop3A_743 = vector.broadcast %parallel_loop3A_742 : i32 to vector<16xi32>
        %parallel_loop3A_744 = arith.addi %parallel_loop3A_743, %iota3A : vector<16xi32>
        %parallel_loop3A_745 = arith.addi %parallel_loop3A_728, %parallel_loop3A_744 : vector<16xi32>
        %parallel_loop3A_746 = arith.constant 0 : i32
        %parallel_loop3A_747 = arith.constant 0 : i32
        %parallel_loop3A_748 = tpu.memref_slice %arg7[%select_n3A_307, %parallel_loop3A_470, %parallel_loop3A_746, %parallel_loop3A_747] : memref<3x4x128x32xf32, #tpu.memory_space<vmem>> -> memref<1x1x128x32xf32, #tpu.memory_space<vmem>>
        %parallel_loop3A_749 = tpu.memref_squeeze %parallel_loop3A_748 : memref<1x1x128x32xf32, #tpu.memory_space<vmem>> -> memref<128x32xf32, #tpu.memory_space<vmem>>
        %parallel_loop3A_750 = tpu.vector_load_idx %parallel_loop3A_749[%parallel_loop3A_744, %parallel_loop3A_719] : memref<128x32xf32, #tpu.memory_space<vmem>>[vector<16xi32>, vector<16xi32>], vector<16xf32>,
        %parallel_loop3A_751 = arith.constant 0 : i32
        %parallel_loop3A_752 = arith.constant 0 : i32
        %parallel_loop3A_753 = tpu.memref_slice %arg8[%select_n3A_307, %parallel_loop3A_471, %parallel_loop3A_751, %parallel_loop3A_752] : memref<3x4x4x1024xf32, #tpu.memory_space<vmem>> -> memref<1x1x4x1024xf32, #tpu.memory_space<vmem>>
        %parallel_loop3A_754 = tpu.memref_squeeze %parallel_loop3A_753 : memref<1x1x4x1024xf32, #tpu.memory_space<vmem>> -> memref<4x1024xf32, #tpu.memory_space<vmem>>
        tpu.vector_store_idx %parallel_loop3A_754[%parallel_loop3A_722, %parallel_loop3A_745], %parallel_loop3A_750 {add = true} : memref<4x1024xf32, #tpu.memory_space<vmem>>[vector<16xi32>, vector<16xi32>], vector<16xf32>,
        %parallel_loop3A_755 = arith.constant 32 : i32
        %parallel_loop3A_756 = vector.broadcast %parallel_loop3A_755 : i32 to vector<16xi32>
        %parallel_loop3A_757 = arith.addi %parallel_loop3A_756, %iota3A : vector<16xi32>
        %parallel_loop3A_758 = arith.addi %parallel_loop3A_728, %parallel_loop3A_757 : vector<16xi32>
        %parallel_loop3A_759 = arith.constant 0 : i32
        %parallel_loop3A_760 = arith.constant 0 : i32
        %parallel_loop3A_761 = tpu.memref_slice %arg7[%select_n3A_307, %parallel_loop3A_470, %parallel_loop3A_759, %parallel_loop3A_760] : memref<3x4x128x32xf32, #tpu.memory_space<vmem>> -> memref<1x1x128x32xf32, #tpu.memory_space<vmem>>
        %parallel_loop3A_762 = tpu.memref_squeeze %parallel_loop3A_761 : memref<1x1x128x32xf32, #tpu.memory_space<vmem>> -> memref<128x32xf32, #tpu.memory_space<vmem>>
        %parallel_loop3A_763 = tpu.vector_load_idx %parallel_loop3A_762[%parallel_loop3A_757, %parallel_loop3A_719] : memref<128x32xf32, #tpu.memory_space<vmem>>[vector<16xi32>, vector<16xi32>], vector<16xf32>,
        %parallel_loop3A_764 = arith.constant 0 : i32
        %parallel_loop3A_765 = arith.constant 0 : i32
        %parallel_loop3A_766 = tpu.memref_slice %arg8[%select_n3A_307, %parallel_loop3A_471, %parallel_loop3A_764, %parallel_loop3A_765] : memref<3x4x4x1024xf32, #tpu.memory_space<vmem>> -> memref<1x1x4x1024xf32, #tpu.memory_space<vmem>>
        %parallel_loop3A_767 = tpu.memref_squeeze %parallel_loop3A_766 : memref<1x1x4x1024xf32, #tpu.memory_space<vmem>> -> memref<4x1024xf32, #tpu.memory_space<vmem>>
        tpu.vector_store_idx %parallel_loop3A_767[%parallel_loop3A_722, %parallel_loop3A_758], %parallel_loop3A_763 {add = true} : memref<4x1024xf32, #tpu.memory_space<vmem>>[vector<16xi32>, vector<16xi32>], vector<16xf32>,
        %parallel_loop3A_768 = arith.constant 48 : i32
        %parallel_loop3A_769 = vector.broadcast %parallel_loop3A_768 : i32 to vector<16xi32>
        %parallel_loop3A_770 = arith.addi %parallel_loop3A_769, %iota3A : vector<16xi32>
        %parallel_loop3A_771 = arith.addi %parallel_loop3A_728, %parallel_loop3A_770 : vector<16xi32>
        %parallel_loop3A_772 = arith.constant 0 : i32
        %parallel_loop3A_773 = arith.constant 0 : i32
        %parallel_loop3A_774 = tpu.memref_slice %arg7[%select_n3A_307, %parallel_loop3A_470, %parallel_loop3A_772, %parallel_loop3A_773] : memref<3x4x128x32xf32, #tpu.memory_space<vmem>> -> memref<1x1x128x32xf32, #tpu.memory_space<vmem>>
        %parallel_loop3A_775 = tpu.memref_squeeze %parallel_loop3A_774 : memref<1x1x128x32xf32, #tpu.memory_space<vmem>> -> memref<128x32xf32, #tpu.memory_space<vmem>>
        %parallel_loop3A_776 = tpu.vector_load_idx %parallel_loop3A_775[%parallel_loop3A_770, %parallel_loop3A_719] : memref<128x32xf32, #tpu.memory_space<vmem>>[vector<16xi32>, vector<16xi32>], vector<16xf32>,
        %parallel_loop3A_777 = arith.constant 0 : i32
        %parallel_loop3A_778 = arith.constant 0 : i32
        %parallel_loop3A_779 = tpu.memref_slice %arg8[%select_n3A_307, %parallel_loop3A_471, %parallel_loop3A_777, %parallel_loop3A_778] : memref<3x4x4x1024xf32, #tpu.memory_space<vmem>> -> memref<1x1x4x1024xf32, #tpu.memory_space<vmem>>
        %parallel_loop3A_780 = tpu.memref_squeeze %parallel_loop3A_779 : memref<1x1x4x1024xf32, #tpu.memory_space<vmem>> -> memref<4x1024xf32, #tpu.memory_space<vmem>>
        tpu.vector_store_idx %parallel_loop3A_780[%parallel_loop3A_722, %parallel_loop3A_771], %parallel_loop3A_776 {add = true} : memref<4x1024xf32, #tpu.memory_space<vmem>>[vector<16xi32>, vector<16xi32>], vector<16xf32>,
        %parallel_loop3A_781 = arith.constant 64 : i32
        %parallel_loop3A_782 = vector.broadcast %parallel_loop3A_781 : i32 to vector<16xi32>
        %parallel_loop3A_783 = arith.addi %parallel_loop3A_782, %iota3A : vector<16xi32>
        %parallel_loop3A_784 = arith.addi %parallel_loop3A_728, %parallel_loop3A_783 : vector<16xi32>
        %parallel_loop3A_785 = arith.constant 0 : i32
        %parallel_loop3A_786 = arith.constant 0 : i32
        %parallel_loop3A_787 = tpu.memref_slice %arg7[%select_n3A_307, %parallel_loop3A_470, %parallel_loop3A_785, %parallel_loop3A_786] : memref<3x4x128x32xf32, #tpu.memory_space<vmem>> -> memref<1x1x128x32xf32, #tpu.memory_space<vmem>>
        %parallel_loop3A_788 = tpu.memref_squeeze %parallel_loop3A_787 : memref<1x1x128x32xf32, #tpu.memory_space<vmem>> -> memref<128x32xf32, #tpu.memory_space<vmem>>
        %parallel_loop3A_789 = tpu.vector_load_idx %parallel_loop3A_788[%parallel_loop3A_783, %parallel_loop3A_719] : memref<128x32xf32, #tpu.memory_space<vmem>>[vector<16xi32>, vector<16xi32>], vector<16xf32>,
        %parallel_loop3A_790 = arith.constant 0 : i32
        %parallel_loop3A_791 = arith.constant 0 : i32
        %parallel_loop3A_792 = tpu.memref_slice %arg8[%select_n3A_307, %parallel_loop3A_471, %parallel_loop3A_790, %parallel_loop3A_791] : memref<3x4x4x1024xf32, #tpu.memory_space<vmem>> -> memref<1x1x4x1024xf32, #tpu.memory_space<vmem>>
        %parallel_loop3A_793 = tpu.memref_squeeze %parallel_loop3A_792 : memref<1x1x4x1024xf32, #tpu.memory_space<vmem>> -> memref<4x1024xf32, #tpu.memory_space<vmem>>
        tpu.vector_store_idx %parallel_loop3A_793[%parallel_loop3A_722, %parallel_loop3A_784], %parallel_loop3A_789 {add = true} : memref<4x1024xf32, #tpu.memory_space<vmem>>[vector<16xi32>, vector<16xi32>], vector<16xf32>,
        %parallel_loop3A_794 = arith.constant 80 : i32
        %parallel_loop3A_795 = vector.broadcast %parallel_loop3A_794 : i32 to vector<16xi32>
        %parallel_loop3A_796 = arith.addi %parallel_loop3A_795, %iota3A : vector<16xi32>
        %parallel_loop3A_797 = arith.addi %parallel_loop3A_728, %parallel_loop3A_796 : vector<16xi32>
        %parallel_loop3A_798 = arith.constant 0 : i32
        %parallel_loop3A_799 = arith.constant 0 : i32
        %parallel_loop3A_800 = tpu.memref_slice %arg7[%select_n3A_307, %parallel_loop3A_470, %parallel_loop3A_798, %parallel_loop3A_799] : memref<3x4x128x32xf32, #tpu.memory_space<vmem>> -> memref<1x1x128x32xf32, #tpu.memory_space<vmem>>
        %parallel_loop3A_801 = tpu.memref_squeeze %parallel_loop3A_800 : memref<1x1x128x32xf32, #tpu.memory_space<vmem>> -> memref<128x32xf32, #tpu.memory_space<vmem>>
        %parallel_loop3A_802 = tpu.vector_load_idx %parallel_loop3A_801[%parallel_loop3A_796, %parallel_loop3A_719] : memref<128x32xf32, #tpu.memory_space<vmem>>[vector<16xi32>, vector<16xi32>], vector<16xf32>,
        %parallel_loop3A_803 = arith.constant 0 : i32
        %parallel_loop3A_804 = arith.constant 0 : i32
        %parallel_loop3A_805 = tpu.memref_slice %arg8[%select_n3A_307, %parallel_loop3A_471, %parallel_loop3A_803, %parallel_loop3A_804] : memref<3x4x4x1024xf32, #tpu.memory_space<vmem>> -> memref<1x1x4x1024xf32, #tpu.memory_space<vmem>>
        %parallel_loop3A_806 = tpu.memref_squeeze %parallel_loop3A_805 : memref<1x1x4x1024xf32, #tpu.memory_space<vmem>> -> memref<4x1024xf32, #tpu.memory_space<vmem>>
        tpu.vector_store_idx %parallel_loop3A_806[%parallel_loop3A_722, %parallel_loop3A_797], %parallel_loop3A_802 {add = true} : memref<4x1024xf32, #tpu.memory_space<vmem>>[vector<16xi32>, vector<16xi32>], vector<16xf32>,
        %parallel_loop3A_807 = arith.constant 96 : i32
        %parallel_loop3A_808 = vector.broadcast %parallel_loop3A_807 : i32 to vector<16xi32>
        %parallel_loop3A_809 = arith.addi %parallel_loop3A_808, %iota3A : vector<16xi32>
        %parallel_loop3A_810 = arith.addi %parallel_loop3A_728, %parallel_loop3A_809 : vector<16xi32>
        %parallel_loop3A_811 = arith.constant 0 : i32
        %parallel_loop3A_812 = arith.constant 0 : i32
        %parallel_loop3A_813 = tpu.memref_slice %arg7[%select_n3A_307, %parallel_loop3A_470, %parallel_loop3A_811, %parallel_loop3A_812] : memref<3x4x128x32xf32, #tpu.memory_space<vmem>> -> memref<1x1x128x32xf32, #tpu.memory_space<vmem>>
        %parallel_loop3A_814 = tpu.memref_squeeze %parallel_loop3A_813 : memref<1x1x128x32xf32, #tpu.memory_space<vmem>> -> memref<128x32xf32, #tpu.memory_space<vmem>>
        %parallel_loop3A_815 = tpu.vector_load_idx %parallel_loop3A_814[%parallel_loop3A_809, %parallel_loop3A_719] : memref<128x32xf32, #tpu.memory_space<vmem>>[vector<16xi32>, vector<16xi32>], vector<16xf32>,
        %parallel_loop3A_816 = arith.constant 0 : i32
        %parallel_loop3A_817 = arith.constant 0 : i32
        %parallel_loop3A_818 = tpu.memref_slice %arg8[%select_n3A_307, %parallel_loop3A_471, %parallel_loop3A_816, %parallel_loop3A_817] : memref<3x4x4x1024xf32, #tpu.memory_space<vmem>> -> memref<1x1x4x1024xf32, #tpu.memory_space<vmem>>
        %parallel_loop3A_819 = tpu.memref_squeeze %parallel_loop3A_818 : memref<1x1x4x1024xf32, #tpu.memory_space<vmem>> -> memref<4x1024xf32, #tpu.memory_space<vmem>>
        tpu.vector_store_idx %parallel_loop3A_819[%parallel_loop3A_722, %parallel_loop3A_810], %parallel_loop3A_815 {add = true} : memref<4x1024xf32, #tpu.memory_space<vmem>>[vector<16xi32>, vector<16xi32>], vector<16xf32>,
        %parallel_loop3A_820 = arith.constant 112 : i32
        %parallel_loop3A_821 = vector.broadcast %parallel_loop3A_820 : i32 to vector<16xi32>
        %parallel_loop3A_822 = arith.addi %parallel_loop3A_821, %iota3A : vector<16xi32>
        %parallel_loop3A_823 = arith.addi %parallel_loop3A_728, %parallel_loop3A_822 : vector<16xi32>
        %parallel_loop3A_824 = arith.constant 0 : i32
        %parallel_loop3A_825 = arith.constant 0 : i32
        %parallel_loop3A_826 = tpu.memref_slice %arg7[%select_n3A_307, %parallel_loop3A_470, %parallel_loop3A_824, %parallel_loop3A_825] : memref<3x4x128x32xf32, #tpu.memory_space<vmem>> -> memref<1x1x128x32xf32, #tpu.memory_space<vmem>>
        %parallel_loop3A_827 = tpu.memref_squeeze %parallel_loop3A_826 : memref<1x1x128x32xf32, #tpu.memory_space<vmem>> -> memref<128x32xf32, #tpu.memory_space<vmem>>
        %parallel_loop3A_828 = tpu.vector_load_idx %parallel_loop3A_827[%parallel_loop3A_822, %parallel_loop3A_719] : memref<128x32xf32, #tpu.memory_space<vmem>>[vector<16xi32>, vector<16xi32>], vector<16xf32>,
        %parallel_loop3A_829 = arith.constant 0 : i32
        %parallel_loop3A_830 = arith.constant 0 : i32
        %parallel_loop3A_831 = tpu.memref_slice %arg8[%select_n3A_307, %parallel_loop3A_471, %parallel_loop3A_829, %parallel_loop3A_830] : memref<3x4x4x1024xf32, #tpu.memory_space<vmem>> -> memref<1x1x4x1024xf32, #tpu.memory_space<vmem>>
        %parallel_loop3A_832 = tpu.memref_squeeze %parallel_loop3A_831 : memref<1x1x4x1024xf32, #tpu.memory_space<vmem>> -> memref<4x1024xf32, #tpu.memory_space<vmem>>
        tpu.vector_store_idx %parallel_loop3A_832[%parallel_loop3A_722, %parallel_loop3A_823], %parallel_loop3A_828 {add = true} : memref<4x1024xf32, #tpu.memory_space<vmem>>[vector<16xi32>, vector<16xi32>], vector<16xf32>,
      } {sc.loop_unroll_factor = 1 : i64, sc.parallel_access}
      %mul3A_472 = arith.constant 4 : i32
      %mul3A_473 = arith.muli %scan3A_298, %mul3A_472 : i32
      %add3A_474 = arith.constant 2 : i32
      %add3A_475 = arith.addi %mul3A_473, %add3A_474 : i32
      %jit3A_476 = arith.constant 8 : i32
      %div3A_477 = arith.divsi %add3A_475, %jit3A_476 : i32
      %sign3A_478 = arith.constant 0 : i32
      %sign3A_479 = arith.cmpi sgt, %add3A_475, %sign3A_478 : i32
      %sign3A_480 = arith.extui %sign3A_479 : i1 to i32
      %sign3A_481 = arith.constant 0 : i32
      %sign3A_482 = arith.cmpi slt, %add3A_475, %sign3A_481 : i32
      %sign3A_483 = arith.extui %sign3A_482 : i1 to i32
      %sign3A_484 = arith.subi %sign3A_480, %sign3A_483 : i32
      %sign3A_485 = arith.constant 0 : i32
      %sign3A_486 = arith.cmpi sgt, %jit3A_476, %sign3A_485 : i32
      %sign3A_487 = arith.extui %sign3A_486 : i1 to i32
      %sign3A_488 = arith.constant 0 : i32
      %sign3A_489 = arith.cmpi slt, %jit3A_476, %sign3A_488 : i32
      %sign3A_490 = arith.extui %sign3A_489 : i1 to i32
      %sign3A_491 = arith.subi %sign3A_487, %sign3A_490 : i32
      %ne3A_492 = arith.cmpi ne, %sign3A_484, %sign3A_491 : i32
      %rem3A_493 = arith.remsi %add3A_475, %jit3A_476 : i32
      %ne3A_494 = arith.constant 0 : i32
      %ne3A_495 = arith.cmpi ne, %rem3A_493, %ne3A_494 : i32
      %and3A_496 = arith.andi %ne3A_492, %ne3A_495 : i1
      %sub3A_497 = arith.constant 1 : i32
      %sub3A_498 = arith.subi %div3A_477, %sub3A_497 : i32
      %select_n3A_499 = arith.select %and3A_496, %sub3A_498, %div3A_477 : i32
      %jit3A_500 = arith.constant 8 : i32
      %eq3A_501 = arith.constant 0 : i32
      %eq3A_502 = arith.cmpi eq, %jit3A_500, %eq3A_501 : i32
      %jit3A_503 = arith.constant 1 : i32
      %select_n3A_504 = arith.select %eq3A_502, %jit3A_503, %jit3A_500 : i32
      %rem3A_505 = arith.remsi %add3A_475, %select_n3A_504 : i32
      %ne3A_506 = arith.constant 0 : i32
      %ne3A_507 = arith.cmpi ne, %rem3A_505, %ne3A_506 : i32
      %lt3A_508 = arith.constant 0 : i32
      %lt3A_509 = arith.cmpi slt, %rem3A_505, %lt3A_508 : i32
      %lt3A_510 = arith.constant 0 : i32
      %lt3A_511 = arith.cmpi slt, %select_n3A_504, %lt3A_510 : i32
      %ne3A_512 = arith.xori %lt3A_509, %lt3A_511 : i1
      %and3A_513 = arith.andi %ne3A_512, %ne3A_507 : i1
      %add3A_514 = arith.addi %rem3A_505, %select_n3A_504 : i32
      %select_n3A_515 = arith.select %and3A_513, %add3A_514, %rem3A_505 : i32
      %dma_wait3A_516 = arith.constant 2 : i32
      %dma_wait3A_517 = arith.constant 0 : i32
      %dma_wait3A_518 = arith.constant 0 : i32
      %dma_wait3A_519 = tpu.memref_slice %arg7[%select_n3A_307, %dma_wait3A_516, %dma_wait3A_517, %dma_wait3A_518] : memref<3x4x128x32xf32, #tpu.memory_space<vmem>> -> memref<1x1x128x32xf32, #tpu.memory_space<vmem>>
      %dma_wait3A_520 = tpu.memref_squeeze %dma_wait3A_519 : memref<1x1x128x32xf32, #tpu.memory_space<vmem>> -> memref<128x32xf32, #tpu.memory_space<vmem>>
      %dma_wait3A_521 = arith.constant 0 : i32
      %dma_wait3A_522 = tpu.memref_slice %arg6[%select_n3A_499, %select_n3A_515, %dma_wait3A_521] : memref<25x8x128xi32, #tpu.memory_space<vmem>> -> memref<1x1x128xi32, #tpu.memory_space<vmem>>
      %dma_wait3A_523 = tpu.memref_squeeze %dma_wait3A_522 : memref<1x1x128xi32, #tpu.memory_space<vmem>> -> memref<128xi32, #tpu.memory_space<vmem>>
      %dma_wait3A_524 = arith.constant 0 : i32
      %dma_wait3A_525 = arith.constant 0 : i32
      %dma_wait3A_526 = tpu.memref_slice %arg4[%dma_wait3A_524, %dma_wait3A_525] : memref<1007616x32xf32, #tpu.memory_space<hbm>> -> memref<1007616x32xf32, #tpu.memory_space<hbm>>
      tpu.wait_indirect_dma semaphore(%arg9 : memref<!tpu.dma_semaphore, #tpu.memory_space<semaphore_mem>>) src(%dma_wait3A_526 : memref<1007616x32xf32, #tpu.memory_space<hbm>>) dst(%dma_wait3A_520 : memref<128x32xf32, #tpu.memory_space<vmem>>)
      %dma_wait3A_527 = arith.constant 0 : i32
      %dma_wait3A_528 = arith.constant 0 : i32
      %dma_wait3A_529 = arith.constant 2 : i32
      %dma_wait3A_530 = arith.constant 0 : i32
      %dma_wait3A_531 = arith.constant 0 : i32
      %dma_wait3A_532 = tpu.memref_slice %arg8[%select_n3A_307, %dma_wait3A_529, %dma_wait3A_530, %dma_wait3A_531] : memref<3x4x4x1024xf32, #tpu.memory_space<vmem>> -> memref<1x1x4x1024xf32, #tpu.memory_space<vmem>>
      %dma_wait3A_533 = tpu.memref_squeeze %dma_wait3A_532 : memref<1x1x4x1024xf32, #tpu.memory_space<vmem>> -> memref<4x1024xf32, #tpu.memory_space<vmem>>
      %dma_wait3A_534 = arith.constant 0 : i32
      %dma_wait3A_535 = arith.constant 0 : i32
      %dma_wait3A_536 = tpu.memref_slice %arg2[%dma_wait3A_527, %dma_wait3A_534, %dma_wait3A_528, %dma_wait3A_535] : memref<200x4x32x1024xf32, #tpu.memory_space<hbm>> -> memref<1x4x1x1024xf32, #tpu.memory_space<hbm>>
      %dma_wait3A_537 = tpu.memref_squeeze %dma_wait3A_536 : memref<1x4x1x1024xf32, #tpu.memory_space<hbm>> -> memref<4x1024xf32, #tpu.memory_space<hbm>>
      %dma_wait3A_538 = arith.constant 0 : i32
      %dma_wait3A_539 = arith.constant 0 : i32
      %dma_wait3A_540 = tpu.memref_slice %arg8[%select_n3A_307, %dma_wait3A_529, %dma_wait3A_538, %dma_wait3A_539] : memref<3x4x4x1024xf32, #tpu.memory_space<vmem>> -> memref<1x1x4x1024xf32, #tpu.memory_space<vmem>>
      %dma_wait3A_541 = tpu.memref_squeeze %dma_wait3A_540 : memref<1x1x4x1024xf32, #tpu.memory_space<vmem>> -> memref<4x1024xf32, #tpu.memory_space<vmem>>
      %dma_wait3A_542 = arith.constant 0 : i32
      %dma_wait3A_543 = arith.constant 0 : i32
      %dma_wait3A_544 = tpu.memref_slice %arg2[%dma_wait3A_527, %dma_wait3A_542, %dma_wait3A_528, %dma_wait3A_543] : memref<200x4x32x1024xf32, #tpu.memory_space<hbm>> -> memref<1x4x1x1024xf32, #tpu.memory_space<hbm>>
      %dma_wait3A_545 = tpu.memref_squeeze %dma_wait3A_544 : memref<1x4x1x1024xf32, #tpu.memory_space<hbm>> -> memref<4x1024xf32, #tpu.memory_space<hbm>>
      tpu.wait_dma2 semaphore(%arg10 : memref<!tpu.dma_semaphore, #tpu.memory_space<semaphore_mem>>) src(%dma_wait3A_545 : memref<4x1024xf32, #tpu.memory_space<hbm>>) dst(%dma_wait3A_541 : memref<4x1024xf32, #tpu.memory_space<vmem>>)
      %parallel_loop3A_546 = arith.constant 0 : i32
      %parallel_loop3A_547 = arith.constant 32 : i32
      %parallel_loop3A_548 = arith.constant 1 : i32
      %parallel_loop3A_549 = arith.constant 2 : i32
      %parallel_loop3A_550 = arith.constant 2 : i32
      scf.for %parallel_loop3A_714 = %parallel_loop3A_546 to %parallel_loop3A_547 step %parallel_loop3A_548  : i32 {
        %parallel_loop3A_715 = vector.broadcast %parallel_loop3A_714 : i32 to vector<16xi32>
        %parallel_loop3A_716 = arith.addi %parallel_loop3A_715, %iota3A : vector<16xi32>
        %parallel_loop3A_717 = arith.constant 31 : i32
        %parallel_loop3A_718 = vector.broadcast %parallel_loop3A_717 : i32 to vector<16xi32>
        %parallel_loop3A_719 = arith.andi %parallel_loop3A_716, %parallel_loop3A_718 : vector<16xi32>
        %parallel_loop3A_720 = arith.constant 3 : i32
        %parallel_loop3A_721 = vector.broadcast %parallel_loop3A_720 : i32 to vector<16xi32>
        %parallel_loop3A_722 = arith.shrsi %parallel_loop3A_719, %parallel_loop3A_721 : vector<16xi32>
        %parallel_loop3A_723 = arith.constant 7 : i32
        %parallel_loop3A_724 = vector.broadcast %parallel_loop3A_723 : i32 to vector<16xi32>
        %parallel_loop3A_725 = arith.andi %parallel_loop3A_719, %parallel_loop3A_724 : vector<16xi32>
        %parallel_loop3A_726 = arith.constant 128 : i32
        %parallel_loop3A_727 = vector.broadcast %parallel_loop3A_726 : i32 to vector<16xi32>
        %parallel_loop3A_728 = arith.muli %parallel_loop3A_725, %parallel_loop3A_727 : vector<16xi32>
        %parallel_loop3A_729 = arith.constant 0 : i32
        %parallel_loop3A_730 = vector.broadcast %parallel_loop3A_729 : i32 to vector<16xi32>
        %parallel_loop3A_731 = arith.addi %parallel_loop3A_730, %iota3A : vector<16xi32>
        %parallel_loop3A_732 = arith.addi %parallel_loop3A_728, %parallel_loop3A_731 : vector<16xi32>
        %parallel_loop3A_733 = arith.constant 0 : i32
        %parallel_loop3A_734 = arith.constant 0 : i32
        %parallel_loop3A_735 = tpu.memref_slice %arg7[%select_n3A_307, %parallel_loop3A_549, %parallel_loop3A_733, %parallel_loop3A_734] : memref<3x4x128x32xf32, #tpu.memory_space<vmem>> -> memref<1x1x128x32xf32, #tpu.memory_space<vmem>>
        %parallel_loop3A_736 = tpu.memref_squeeze %parallel_loop3A_735 : memref<1x1x128x32xf32, #tpu.memory_space<vmem>> -> memref<128x32xf32, #tpu.memory_space<vmem>>
        %parallel_loop3A_737 = tpu.vector_load_idx %parallel_loop3A_736[%parallel_loop3A_731, %parallel_loop3A_719] : memref<128x32xf32, #tpu.memory_space<vmem>>[vector<16xi32>, vector<16xi32>], vector<16xf32>,
        %parallel_loop3A_738 = arith.constant 0 : i32
        %parallel_loop3A_739 = arith.constant 0 : i32
        %parallel_loop3A_740 = tpu.memref_slice %arg8[%select_n3A_307, %parallel_loop3A_550, %parallel_loop3A_738, %parallel_loop3A_739] : memref<3x4x4x1024xf32, #tpu.memory_space<vmem>> -> memref<1x1x4x1024xf32, #tpu.memory_space<vmem>>
        %parallel_loop3A_741 = tpu.memref_squeeze %parallel_loop3A_740 : memref<1x1x4x1024xf32, #tpu.memory_space<vmem>> -> memref<4x1024xf32, #tpu.memory_space<vmem>>
        tpu.vector_store_idx %parallel_loop3A_741[%parallel_loop3A_722, %parallel_loop3A_732], %parallel_loop3A_737 {add = true} : memref<4x1024xf32, #tpu.memory_space<vmem>>[vector<16xi32>, vector<16xi32>], vector<16xf32>,
        %parallel_loop3A_742 = arith.constant 16 : i32
        %parallel_loop3A_743 = vector.broadcast %parallel_loop3A_742 : i32 to vector<16xi32>
        %parallel_loop3A_744 = arith.addi %parallel_loop3A_743, %iota3A : vector<16xi32>
        %parallel_loop3A_745 = arith.addi %parallel_loop3A_728, %parallel_loop3A_744 : vector<16xi32>
        %parallel_loop3A_746 = arith.constant 0 : i32
        %parallel_loop3A_747 = arith.constant 0 : i32
        %parallel_loop3A_748 = tpu.memref_slice %arg7[%select_n3A_307, %parallel_loop3A_549, %parallel_loop3A_746, %parallel_loop3A_747] : memref<3x4x128x32xf32, #tpu.memory_space<vmem>> -> memref<1x1x128x32xf32, #tpu.memory_space<vmem>>
        %parallel_loop3A_749 = tpu.memref_squeeze %parallel_loop3A_748 : memref<1x1x128x32xf32, #tpu.memory_space<vmem>> -> memref<128x32xf32, #tpu.memory_space<vmem>>
        %parallel_loop3A_750 = tpu.vector_load_idx %parallel_loop3A_749[%parallel_loop3A_744, %parallel_loop3A_719] : memref<128x32xf32, #tpu.memory_space<vmem>>[vector<16xi32>, vector<16xi32>], vector<16xf32>,
        %parallel_loop3A_751 = arith.constant 0 : i32
        %parallel_loop3A_752 = arith.constant 0 : i32
        %parallel_loop3A_753 = tpu.memref_slice %arg8[%select_n3A_307, %parallel_loop3A_550, %parallel_loop3A_751, %parallel_loop3A_752] : memref<3x4x4x1024xf32, #tpu.memory_space<vmem>> -> memref<1x1x4x1024xf32, #tpu.memory_space<vmem>>
        %parallel_loop3A_754 = tpu.memref_squeeze %parallel_loop3A_753 : memref<1x1x4x1024xf32, #tpu.memory_space<vmem>> -> memref<4x1024xf32, #tpu.memory_space<vmem>>
        tpu.vector_store_idx %parallel_loop3A_754[%parallel_loop3A_722, %parallel_loop3A_745], %parallel_loop3A_750 {add = true} : memref<4x1024xf32, #tpu.memory_space<vmem>>[vector<16xi32>, vector<16xi32>], vector<16xf32>,
        %parallel_loop3A_755 = arith.constant 32 : i32
        %parallel_loop3A_756 = vector.broadcast %parallel_loop3A_755 : i32 to vector<16xi32>
        %parallel_loop3A_757 = arith.addi %parallel_loop3A_756, %iota3A : vector<16xi32>
        %parallel_loop3A_758 = arith.addi %parallel_loop3A_728, %parallel_loop3A_757 : vector<16xi32>
        %parallel_loop3A_759 = arith.constant 0 : i32
        %parallel_loop3A_760 = arith.constant 0 : i32
        %parallel_loop3A_761 = tpu.memref_slice %arg7[%select_n3A_307, %parallel_loop3A_549, %parallel_loop3A_759, %parallel_loop3A_760] : memref<3x4x128x32xf32, #tpu.memory_space<vmem>> -> memref<1x1x128x32xf32, #tpu.memory_space<vmem>>
        %parallel_loop3A_762 = tpu.memref_squeeze %parallel_loop3A_761 : memref<1x1x128x32xf32, #tpu.memory_space<vmem>> -> memref<128x32xf32, #tpu.memory_space<vmem>>
        %parallel_loop3A_763 = tpu.vector_load_idx %parallel_loop3A_762[%parallel_loop3A_757, %parallel_loop3A_719] : memref<128x32xf32, #tpu.memory_space<vmem>>[vector<16xi32>, vector<16xi32>], vector<16xf32>,
        %parallel_loop3A_764 = arith.constant 0 : i32
        %parallel_loop3A_765 = arith.constant 0 : i32
        %parallel_loop3A_766 = tpu.memref_slice %arg8[%select_n3A_307, %parallel_loop3A_550, %parallel_loop3A_764, %parallel_loop3A_765] : memref<3x4x4x1024xf32, #tpu.memory_space<vmem>> -> memref<1x1x4x1024xf32, #tpu.memory_space<vmem>>
        %parallel_loop3A_767 = tpu.memref_squeeze %parallel_loop3A_766 : memref<1x1x4x1024xf32, #tpu.memory_space<vmem>> -> memref<4x1024xf32, #tpu.memory_space<vmem>>
        tpu.vector_store_idx %parallel_loop3A_767[%parallel_loop3A_722, %parallel_loop3A_758], %parallel_loop3A_763 {add = true} : memref<4x1024xf32, #tpu.memory_space<vmem>>[vector<16xi32>, vector<16xi32>], vector<16xf32>,
        %parallel_loop3A_768 = arith.constant 48 : i32
        %parallel_loop3A_769 = vector.broadcast %parallel_loop3A_768 : i32 to vector<16xi32>
        %parallel_loop3A_770 = arith.addi %parallel_loop3A_769, %iota3A : vector<16xi32>
        %parallel_loop3A_771 = arith.addi %parallel_loop3A_728, %parallel_loop3A_770 : vector<16xi32>
        %parallel_loop3A_772 = arith.constant 0 : i32
        %parallel_loop3A_773 = arith.constant 0 : i32
        %parallel_loop3A_774 = tpu.memref_slice %arg7[%select_n3A_307, %parallel_loop3A_549, %parallel_loop3A_772, %parallel_loop3A_773] : memref<3x4x128x32xf32, #tpu.memory_space<vmem>> -> memref<1x1x128x32xf32, #tpu.memory_space<vmem>>
        %parallel_loop3A_775 = tpu.memref_squeeze %parallel_loop3A_774 : memref<1x1x128x32xf32, #tpu.memory_space<vmem>> -> memref<128x32xf32, #tpu.memory_space<vmem>>
        %parallel_loop3A_776 = tpu.vector_load_idx %parallel_loop3A_775[%parallel_loop3A_770, %parallel_loop3A_719] : memref<128x32xf32, #tpu.memory_space<vmem>>[vector<16xi32>, vector<16xi32>], vector<16xf32>,
        %parallel_loop3A_777 = arith.constant 0 : i32
        %parallel_loop3A_778 = arith.constant 0 : i32
        %parallel_loop3A_779 = tpu.memref_slice %arg8[%select_n3A_307, %parallel_loop3A_550, %parallel_loop3A_777, %parallel_loop3A_778] : memref<3x4x4x1024xf32, #tpu.memory_space<vmem>> -> memref<1x1x4x1024xf32, #tpu.memory_space<vmem>>
        %parallel_loop3A_780 = tpu.memref_squeeze %parallel_loop3A_779 : memref<1x1x4x1024xf32, #tpu.memory_space<vmem>> -> memref<4x1024xf32, #tpu.memory_space<vmem>>
        tpu.vector_store_idx %parallel_loop3A_780[%parallel_loop3A_722, %parallel_loop3A_771], %parallel_loop3A_776 {add = true} : memref<4x1024xf32, #tpu.memory_space<vmem>>[vector<16xi32>, vector<16xi32>], vector<16xf32>,
        %parallel_loop3A_781 = arith.constant 64 : i32
        %parallel_loop3A_782 = vector.broadcast %parallel_loop3A_781 : i32 to vector<16xi32>
        %parallel_loop3A_783 = arith.addi %parallel_loop3A_782, %iota3A : vector<16xi32>
        %parallel_loop3A_784 = arith.addi %parallel_loop3A_728, %parallel_loop3A_783 : vector<16xi32>
        %parallel_loop3A_785 = arith.constant 0 : i32
        %parallel_loop3A_786 = arith.constant 0 : i32
        %parallel_loop3A_787 = tpu.memref_slice %arg7[%select_n3A_307, %parallel_loop3A_549, %parallel_loop3A_785, %parallel_loop3A_786] : memref<3x4x128x32xf32, #tpu.memory_space<vmem>> -> memref<1x1x128x32xf32, #tpu.memory_space<vmem>>
        %parallel_loop3A_788 = tpu.memref_squeeze %parallel_loop3A_787 : memref<1x1x128x32xf32, #tpu.memory_space<vmem>> -> memref<128x32xf32, #tpu.memory_space<vmem>>
        %parallel_loop3A_789 = tpu.vector_load_idx %parallel_loop3A_788[%parallel_loop3A_783, %parallel_loop3A_719] : memref<128x32xf32, #tpu.memory_space<vmem>>[vector<16xi32>, vector<16xi32>], vector<16xf32>,
        %parallel_loop3A_790 = arith.constant 0 : i32
        %parallel_loop3A_791 = arith.constant 0 : i32
        %parallel_loop3A_792 = tpu.memref_slice %arg8[%select_n3A_307, %parallel_loop3A_550, %parallel_loop3A_790, %parallel_loop3A_791] : memref<3x4x4x1024xf32, #tpu.memory_space<vmem>> -> memref<1x1x4x1024xf32, #tpu.memory_space<vmem>>
        %parallel_loop3A_793 = tpu.memref_squeeze %parallel_loop3A_792 : memref<1x1x4x1024xf32, #tpu.memory_space<vmem>> -> memref<4x1024xf32, #tpu.memory_space<vmem>>
        tpu.vector_store_idx %parallel_loop3A_793[%parallel_loop3A_722, %parallel_loop3A_784], %parallel_loop3A_789 {add = true} : memref<4x1024xf32, #tpu.memory_space<vmem>>[vector<16xi32>, vector<16xi32>], vector<16xf32>,
        %parallel_loop3A_794 = arith.constant 80 : i32
        %parallel_loop3A_795 = vector.broadcast %parallel_loop3A_794 : i32 to vector<16xi32>
        %parallel_loop3A_796 = arith.addi %parallel_loop3A_795, %iota3A : vector<16xi32>
        %parallel_loop3A_797 = arith.addi %parallel_loop3A_728, %parallel_loop3A_796 : vector<16xi32>
        %parallel_loop3A_798 = arith.constant 0 : i32
        %parallel_loop3A_799 = arith.constant 0 : i32
        %parallel_loop3A_800 = tpu.memref_slice %arg7[%select_n3A_307, %parallel_loop3A_549, %parallel_loop3A_798, %parallel_loop3A_799] : memref<3x4x128x32xf32, #tpu.memory_space<vmem>> -> memref<1x1x128x32xf32, #tpu.memory_space<vmem>>
        %parallel_loop3A_801 = tpu.memref_squeeze %parallel_loop3A_800 : memref<1x1x128x32xf32, #tpu.memory_space<vmem>> -> memref<128x32xf32, #tpu.memory_space<vmem>>
        %parallel_loop3A_802 = tpu.vector_load_idx %parallel_loop3A_801[%parallel_loop3A_796, %parallel_loop3A_719] : memref<128x32xf32, #tpu.memory_space<vmem>>[vector<16xi32>, vector<16xi32>], vector<16xf32>,
        %parallel_loop3A_803 = arith.constant 0 : i32
        %parallel_loop3A_804 = arith.constant 0 : i32
        %parallel_loop3A_805 = tpu.memref_slice %arg8[%select_n3A_307, %parallel_loop3A_550, %parallel_loop3A_803, %parallel_loop3A_804] : memref<3x4x4x1024xf32, #tpu.memory_space<vmem>> -> memref<1x1x4x1024xf32, #tpu.memory_space<vmem>>
        %parallel_loop3A_806 = tpu.memref_squeeze %parallel_loop3A_805 : memref<1x1x4x1024xf32, #tpu.memory_space<vmem>> -> memref<4x1024xf32, #tpu.memory_space<vmem>>
        tpu.vector_store_idx %parallel_loop3A_806[%parallel_loop3A_722, %parallel_loop3A_797], %parallel_loop3A_802 {add = true} : memref<4x1024xf32, #tpu.memory_space<vmem>>[vector<16xi32>, vector<16xi32>], vector<16xf32>,
        %parallel_loop3A_807 = arith.constant 96 : i32
        %parallel_loop3A_808 = vector.broadcast %parallel_loop3A_807 : i32 to vector<16xi32>
        %parallel_loop3A_809 = arith.addi %parallel_loop3A_808, %iota3A : vector<16xi32>
        %parallel_loop3A_810 = arith.addi %parallel_loop3A_728, %parallel_loop3A_809 : vector<16xi32>
        %parallel_loop3A_811 = arith.constant 0 : i32
        %parallel_loop3A_812 = arith.constant 0 : i32
        %parallel_loop3A_813 = tpu.memref_slice %arg7[%select_n3A_307, %parallel_loop3A_549, %parallel_loop3A_811, %parallel_loop3A_812] : memref<3x4x128x32xf32, #tpu.memory_space<vmem>> -> memref<1x1x128x32xf32, #tpu.memory_space<vmem>>
        %parallel_loop3A_814 = tpu.memref_squeeze %parallel_loop3A_813 : memref<1x1x128x32xf32, #tpu.memory_space<vmem>> -> memref<128x32xf32, #tpu.memory_space<vmem>>
        %parallel_loop3A_815 = tpu.vector_load_idx %parallel_loop3A_814[%parallel_loop3A_809, %parallel_loop3A_719] : memref<128x32xf32, #tpu.memory_space<vmem>>[vector<16xi32>, vector<16xi32>], vector<16xf32>,
        %parallel_loop3A_816 = arith.constant 0 : i32
        %parallel_loop3A_817 = arith.constant 0 : i32
        %parallel_loop3A_818 = tpu.memref_slice %arg8[%select_n3A_307, %parallel_loop3A_550, %parallel_loop3A_816, %parallel_loop3A_817] : memref<3x4x4x1024xf32, #tpu.memory_space<vmem>> -> memref<1x1x4x1024xf32, #tpu.memory_space<vmem>>
        %parallel_loop3A_819 = tpu.memref_squeeze %parallel_loop3A_818 : memref<1x1x4x1024xf32, #tpu.memory_space<vmem>> -> memref<4x1024xf32, #tpu.memory_space<vmem>>
        tpu.vector_store_idx %parallel_loop3A_819[%parallel_loop3A_722, %parallel_loop3A_810], %parallel_loop3A_815 {add = true} : memref<4x1024xf32, #tpu.memory_space<vmem>>[vector<16xi32>, vector<16xi32>], vector<16xf32>,
        %parallel_loop3A_820 = arith.constant 112 : i32
        %parallel_loop3A_821 = vector.broadcast %parallel_loop3A_820 : i32 to vector<16xi32>
        %parallel_loop3A_822 = arith.addi %parallel_loop3A_821, %iota3A : vector<16xi32>
        %parallel_loop3A_823 = arith.addi %parallel_loop3A_728, %parallel_loop3A_822 : vector<16xi32>
        %parallel_loop3A_824 = arith.constant 0 : i32
        %parallel_loop3A_825 = arith.constant 0 : i32
        %parallel_loop3A_826 = tpu.memref_slice %arg7[%select_n3A_307, %parallel_loop3A_549, %parallel_loop3A_824, %parallel_loop3A_825] : memref<3x4x128x32xf32, #tpu.memory_space<vmem>> -> memref<1x1x128x32xf32, #tpu.memory_space<vmem>>
        %parallel_loop3A_827 = tpu.memref_squeeze %parallel_loop3A_826 : memref<1x1x128x32xf32, #tpu.memory_space<vmem>> -> memref<128x32xf32, #tpu.memory_space<vmem>>
        %parallel_loop3A_828 = tpu.vector_load_idx %parallel_loop3A_827[%parallel_loop3A_822, %parallel_loop3A_719] : memref<128x32xf32, #tpu.memory_space<vmem>>[vector<16xi32>, vector<16xi32>], vector<16xf32>,
        %parallel_loop3A_829 = arith.constant 0 : i32
        %parallel_loop3A_830 = arith.constant 0 : i32
        %parallel_loop3A_831 = tpu.memref_slice %arg8[%select_n3A_307, %parallel_loop3A_550, %parallel_loop3A_829, %parallel_loop3A_830] : memref<3x4x4x1024xf32, #tpu.memory_space<vmem>> -> memref<1x1x4x1024xf32, #tpu.memory_space<vmem>>
        %parallel_loop3A_832 = tpu.memref_squeeze %parallel_loop3A_831 : memref<1x1x4x1024xf32, #tpu.memory_space<vmem>> -> memref<4x1024xf32, #tpu.memory_space<vmem>>
        tpu.vector_store_idx %parallel_loop3A_832[%parallel_loop3A_722, %parallel_loop3A_823], %parallel_loop3A_828 {add = true} : memref<4x1024xf32, #tpu.memory_space<vmem>>[vector<16xi32>, vector<16xi32>], vector<16xf32>,
      } {sc.loop_unroll_factor = 1 : i64, sc.parallel_access}
      %mul3A_551 = arith.constant 4 : i32
      %mul3A_552 = arith.muli %scan3A_298, %mul3A_551 : i32
      %add3A_553 = arith.constant 3 : i32
      %add3A_554 = arith.addi %mul3A_552, %add3A_553 : i32
      %jit3A_555 = arith.constant 8 : i32
      %div3A_556 = arith.divsi %add3A_554, %jit3A_555 : i32
      %sign3A_557 = arith.constant 0 : i32
      %sign3A_558 = arith.cmpi sgt, %add3A_554, %sign3A_557 : i32
      %sign3A_559 = arith.extui %sign3A_558 : i1 to i32
      %sign3A_560 = arith.constant 0 : i32
      %sign3A_561 = arith.cmpi slt, %add3A_554, %sign3A_560 : i32
      %sign3A_562 = arith.extui %sign3A_561 : i1 to i32
      %sign3A_563 = arith.subi %sign3A_559, %sign3A_562 : i32
      %sign3A_564 = arith.constant 0 : i32
      %sign3A_565 = arith.cmpi sgt, %jit3A_555, %sign3A_564 : i32
      %sign3A_566 = arith.extui %sign3A_565 : i1 to i32
      %sign3A_567 = arith.constant 0 : i32
      %sign3A_568 = arith.cmpi slt, %jit3A_555, %sign3A_567 : i32
      %sign3A_569 = arith.extui %sign3A_568 : i1 to i32
      %sign3A_570 = arith.subi %sign3A_566, %sign3A_569 : i32
      %ne3A_571 = arith.cmpi ne, %sign3A_563, %sign3A_570 : i32
      %rem3A_572 = arith.remsi %add3A_554, %jit3A_555 : i32
      %ne3A_573 = arith.constant 0 : i32
      %ne3A_574 = arith.cmpi ne, %rem3A_572, %ne3A_573 : i32
      %and3A_575 = arith.andi %ne3A_571, %ne3A_574 : i1
      %sub3A_576 = arith.constant 1 : i32
      %sub3A_577 = arith.subi %div3A_556, %sub3A_576 : i32
      %select_n3A_578 = arith.select %and3A_575, %sub3A_577, %div3A_556 : i32
      %jit3A_579 = arith.constant 8 : i32
      %eq3A_580 = arith.constant 0 : i32
      %eq3A_581 = arith.cmpi eq, %jit3A_579, %eq3A_580 : i32
      %jit3A_582 = arith.constant 1 : i32
      %select_n3A_583 = arith.select %eq3A_581, %jit3A_582, %jit3A_579 : i32
      %rem3A_584 = arith.remsi %add3A_554, %select_n3A_583 : i32
      %ne3A_585 = arith.constant 0 : i32
      %ne3A_586 = arith.cmpi ne, %rem3A_584, %ne3A_585 : i32
      %lt3A_587 = arith.constant 0 : i32
      %lt3A_588 = arith.cmpi slt, %rem3A_584, %lt3A_587 : i32
      %lt3A_589 = arith.constant 0 : i32
      %lt3A_590 = arith.cmpi slt, %select_n3A_583, %lt3A_589 : i32
      %ne3A_591 = arith.xori %lt3A_588, %lt3A_590 : i1
      %and3A_592 = arith.andi %ne3A_591, %ne3A_586 : i1
      %add3A_593 = arith.addi %rem3A_584, %select_n3A_583 : i32
      %select_n3A_594 = arith.select %and3A_592, %add3A_593, %rem3A_584 : i32
      %dma_wait3A_595 = arith.constant 3 : i32
      %dma_wait3A_596 = arith.constant 0 : i32
      %dma_wait3A_597 = arith.constant 0 : i32
      %dma_wait3A_598 = tpu.memref_slice %arg7[%select_n3A_307, %dma_wait3A_595, %dma_wait3A_596, %dma_wait3A_597] : memref<3x4x128x32xf32, #tpu.memory_space<vmem>> -> memref<1x1x128x32xf32, #tpu.memory_space<vmem>>
      %dma_wait3A_599 = tpu.memref_squeeze %dma_wait3A_598 : memref<1x1x128x32xf32, #tpu.memory_space<vmem>> -> memref<128x32xf32, #tpu.memory_space<vmem>>
      %dma_wait3A_600 = arith.constant 0 : i32
      %dma_wait3A_601 = tpu.memref_slice %arg6[%select_n3A_578, %select_n3A_594, %dma_wait3A_600] : memref<25x8x128xi32, #tpu.memory_space<vmem>> -> memref<1x1x128xi32, #tpu.memory_space<vmem>>
      %dma_wait3A_602 = tpu.memref_squeeze %dma_wait3A_601 : memref<1x1x128xi32, #tpu.memory_space<vmem>> -> memref<128xi32, #tpu.memory_space<vmem>>
      %dma_wait3A_603 = arith.constant 0 : i32
      %dma_wait3A_604 = arith.constant 0 : i32
      %dma_wait3A_605 = tpu.memref_slice %arg4[%dma_wait3A_603, %dma_wait3A_604] : memref<1007616x32xf32, #tpu.memory_space<hbm>> -> memref<1007616x32xf32, #tpu.memory_space<hbm>>
      tpu.wait_indirect_dma semaphore(%arg9 : memref<!tpu.dma_semaphore, #tpu.memory_space<semaphore_mem>>) src(%dma_wait3A_605 : memref<1007616x32xf32, #tpu.memory_space<hbm>>) dst(%dma_wait3A_599 : memref<128x32xf32, #tpu.memory_space<vmem>>)
      %dma_wait3A_606 = arith.constant 0 : i32
      %dma_wait3A_607 = arith.constant 0 : i32
      %dma_wait3A_608 = arith.constant 3 : i32
      %dma_wait3A_609 = arith.constant 0 : i32
      %dma_wait3A_610 = arith.constant 0 : i32
      %dma_wait3A_611 = tpu.memref_slice %arg8[%select_n3A_307, %dma_wait3A_608, %dma_wait3A_609, %dma_wait3A_610] : memref<3x4x4x1024xf32, #tpu.memory_space<vmem>> -> memref<1x1x4x1024xf32, #tpu.memory_space<vmem>>
      %dma_wait3A_612 = tpu.memref_squeeze %dma_wait3A_611 : memref<1x1x4x1024xf32, #tpu.memory_space<vmem>> -> memref<4x1024xf32, #tpu.memory_space<vmem>>
      %dma_wait3A_613 = arith.constant 0 : i32
      %dma_wait3A_614 = arith.constant 0 : i32
      %dma_wait3A_615 = tpu.memref_slice %arg2[%dma_wait3A_606, %dma_wait3A_613, %dma_wait3A_607, %dma_wait3A_614] : memref<200x4x32x1024xf32, #tpu.memory_space<hbm>> -> memref<1x4x1x1024xf32, #tpu.memory_space<hbm>>
      %dma_wait3A_616 = tpu.memref_squeeze %dma_wait3A_615 : memref<1x4x1x1024xf32, #tpu.memory_space<hbm>> -> memref<4x1024xf32, #tpu.memory_space<hbm>>
      %dma_wait3A_617 = arith.constant 0 : i32
      %dma_wait3A_618 = arith.constant 0 : i32
      %dma_wait3A_619 = tpu.memref_slice %arg8[%select_n3A_307, %dma_wait3A_608, %dma_wait3A_617, %dma_wait3A_618] : memref<3x4x4x1024xf32, #tpu.memory_space<vmem>> -> memref<1x1x4x1024xf32, #tpu.memory_space<vmem>>
      %dma_wait3A_620 = tpu.memref_squeeze %dma_wait3A_619 : memref<1x1x4x1024xf32, #tpu.memory_space<vmem>> -> memref<4x1024xf32, #tpu.memory_space<vmem>>
      %dma_wait3A_621 = arith.constant 0 : i32
      %dma_wait3A_622 = arith.constant 0 : i32
      %dma_wait3A_623 = tpu.memref_slice %arg2[%dma_wait3A_606, %dma_wait3A_621, %dma_wait3A_607, %dma_wait3A_622] : memref<200x4x32x1024xf32, #tpu.memory_space<hbm>> -> memref<1x4x1x1024xf32, #tpu.memory_space<hbm>>
      %dma_wait3A_624 = tpu.memref_squeeze %dma_wait3A_623 : memref<1x4x1x1024xf32, #tpu.memory_space<hbm>> -> memref<4x1024xf32, #tpu.memory_space<hbm>>
      tpu.wait_dma2 semaphore(%arg10 : memref<!tpu.dma_semaphore, #tpu.memory_space<semaphore_mem>>) src(%dma_wait3A_624 : memref<4x1024xf32, #tpu.memory_space<hbm>>) dst(%dma_wait3A_620 : memref<4x1024xf32, #tpu.memory_space<vmem>>)
      %parallel_loop3A_625 = arith.constant 0 : i32
      %parallel_loop3A_626 = arith.constant 32 : i32
      %parallel_loop3A_627 = arith.constant 1 : i32
      %parallel_loop3A_628 = arith.constant 3 : i32
      %parallel_loop3A_629 = arith.constant 3 : i32
      scf.for %parallel_loop3A_714 = %parallel_loop3A_625 to %parallel_loop3A_626 step %parallel_loop3A_627  : i32 {
        %parallel_loop3A_715 = vector.broadcast %parallel_loop3A_714 : i32 to vector<16xi32>
        %parallel_loop3A_716 = arith.addi %parallel_loop3A_715, %iota3A : vector<16xi32>
        %parallel_loop3A_717 = arith.constant 31 : i32
        %parallel_loop3A_718 = vector.broadcast %parallel_loop3A_717 : i32 to vector<16xi32>
        %parallel_loop3A_719 = arith.andi %parallel_loop3A_716, %parallel_loop3A_718 : vector<16xi32>
        %parallel_loop3A_720 = arith.constant 3 : i32
        %parallel_loop3A_721 = vector.broadcast %parallel_loop3A_720 : i32 to vector<16xi32>
        %parallel_loop3A_722 = arith.shrsi %parallel_loop3A_719, %parallel_loop3A_721 : vector<16xi32>
        %parallel_loop3A_723 = arith.constant 7 : i32
        %parallel_loop3A_724 = vector.broadcast %parallel_loop3A_723 : i32 to vector<16xi32>
        %parallel_loop3A_725 = arith.andi %parallel_loop3A_719, %parallel_loop3A_724 : vector<16xi32>
        %parallel_loop3A_726 = arith.constant 128 : i32
        %parallel_loop3A_727 = vector.broadcast %parallel_loop3A_726 : i32 to vector<16xi32>
        %parallel_loop3A_728 = arith.muli %parallel_loop3A_725, %parallel_loop3A_727 : vector<16xi32>
        %parallel_loop3A_729 = arith.constant 0 : i32
        %parallel_loop3A_730 = vector.broadcast %parallel_loop3A_729 : i32 to vector<16xi32>
        %parallel_loop3A_731 = arith.addi %parallel_loop3A_730, %iota3A : vector<16xi32>
        %parallel_loop3A_732 = arith.addi %parallel_loop3A_728, %parallel_loop3A_731 : vector<16xi32>
        %parallel_loop3A_733 = arith.constant 0 : i32
        %parallel_loop3A_734 = arith.constant 0 : i32
        %parallel_loop3A_735 = tpu.memref_slice %arg7[%select_n3A_307, %parallel_loop3A_628, %parallel_loop3A_733, %parallel_loop3A_734] : memref<3x4x128x32xf32, #tpu.memory_space<vmem>> -> memref<1x1x128x32xf32, #tpu.memory_space<vmem>>
        %parallel_loop3A_736 = tpu.memref_squeeze %parallel_loop3A_735 : memref<1x1x128x32xf32, #tpu.memory_space<vmem>> -> memref<128x32xf32, #tpu.memory_space<vmem>>
        %parallel_loop3A_737 = tpu.vector_load_idx %parallel_loop3A_736[%parallel_loop3A_731, %parallel_loop3A_719] : memref<128x32xf32, #tpu.memory_space<vmem>>[vector<16xi32>, vector<16xi32>], vector<16xf32>,
        %parallel_loop3A_738 = arith.constant 0 : i32
        %parallel_loop3A_739 = arith.constant 0 : i32
        %parallel_loop3A_740 = tpu.memref_slice %arg8[%select_n3A_307, %parallel_loop3A_629, %parallel_loop3A_738, %parallel_loop3A_739] : memref<3x4x4x1024xf32, #tpu.memory_space<vmem>> -> memref<1x1x4x1024xf32, #tpu.memory_space<vmem>>
        %parallel_loop3A_741 = tpu.memref_squeeze %parallel_loop3A_740 : memref<1x1x4x1024xf32, #tpu.memory_space<vmem>> -> memref<4x1024xf32, #tpu.memory_space<vmem>>
        tpu.vector_store_idx %parallel_loop3A_741[%parallel_loop3A_722, %parallel_loop3A_732], %parallel_loop3A_737 {add = true} : memref<4x1024xf32, #tpu.memory_space<vmem>>[vector<16xi32>, vector<16xi32>], vector<16xf32>,
        %parallel_loop3A_742 = arith.constant 16 : i32
        %parallel_loop3A_743 = vector.broadcast %parallel_loop3A_742 : i32 to vector<16xi32>
        %parallel_loop3A_744 = arith.addi %parallel_loop3A_743, %iota3A : vector<16xi32>
        %parallel_loop3A_745 = arith.addi %parallel_loop3A_728, %parallel_loop3A_744 : vector<16xi32>
        %parallel_loop3A_746 = arith.constant 0 : i32
        %parallel_loop3A_747 = arith.constant 0 : i32
        %parallel_loop3A_748 = tpu.memref_slice %arg7[%select_n3A_307, %parallel_loop3A_628, %parallel_loop3A_746, %parallel_loop3A_747] : memref<3x4x128x32xf32, #tpu.memory_space<vmem>> -> memref<1x1x128x32xf32, #tpu.memory_space<vmem>>
        %parallel_loop3A_749 = tpu.memref_squeeze %parallel_loop3A_748 : memref<1x1x128x32xf32, #tpu.memory_space<vmem>> -> memref<128x32xf32, #tpu.memory_space<vmem>>
        %parallel_loop3A_750 = tpu.vector_load_idx %parallel_loop3A_749[%parallel_loop3A_744, %parallel_loop3A_719] : memref<128x32xf32, #tpu.memory_space<vmem>>[vector<16xi32>, vector<16xi32>], vector<16xf32>,
        %parallel_loop3A_751 = arith.constant 0 : i32
        %parallel_loop3A_752 = arith.constant 0 : i32
        %parallel_loop3A_753 = tpu.memref_slice %arg8[%select_n3A_307, %parallel_loop3A_629, %parallel_loop3A_751, %parallel_loop3A_752] : memref<3x4x4x1024xf32, #tpu.memory_space<vmem>> -> memref<1x1x4x1024xf32, #tpu.memory_space<vmem>>
        %parallel_loop3A_754 = tpu.memref_squeeze %parallel_loop3A_753 : memref<1x1x4x1024xf32, #tpu.memory_space<vmem>> -> memref<4x1024xf32, #tpu.memory_space<vmem>>
        tpu.vector_store_idx %parallel_loop3A_754[%parallel_loop3A_722, %parallel_loop3A_745], %parallel_loop3A_750 {add = true} : memref<4x1024xf32, #tpu.memory_space<vmem>>[vector<16xi32>, vector<16xi32>], vector<16xf32>,
        %parallel_loop3A_755 = arith.constant 32 : i32
        %parallel_loop3A_756 = vector.broadcast %parallel_loop3A_755 : i32 to vector<16xi32>
        %parallel_loop3A_757 = arith.addi %parallel_loop3A_756, %iota3A : vector<16xi32>
        %parallel_loop3A_758 = arith.addi %parallel_loop3A_728, %parallel_loop3A_757 : vector<16xi32>
        %parallel_loop3A_759 = arith.constant 0 : i32
        %parallel_loop3A_760 = arith.constant 0 : i32
        %parallel_loop3A_761 = tpu.memref_slice %arg7[%select_n3A_307, %parallel_loop3A_628, %parallel_loop3A_759, %parallel_loop3A_760] : memref<3x4x128x32xf32, #tpu.memory_space<vmem>> -> memref<1x1x128x32xf32, #tpu.memory_space<vmem>>
        %parallel_loop3A_762 = tpu.memref_squeeze %parallel_loop3A_761 : memref<1x1x128x32xf32, #tpu.memory_space<vmem>> -> memref<128x32xf32, #tpu.memory_space<vmem>>
        %parallel_loop3A_763 = tpu.vector_load_idx %parallel_loop3A_762[%parallel_loop3A_757, %parallel_loop3A_719] : memref<128x32xf32, #tpu.memory_space<vmem>>[vector<16xi32>, vector<16xi32>], vector<16xf32>,
        %parallel_loop3A_764 = arith.constant 0 : i32
        %parallel_loop3A_765 = arith.constant 0 : i32
        %parallel_loop3A_766 = tpu.memref_slice %arg8[%select_n3A_307, %parallel_loop3A_629, %parallel_loop3A_764, %parallel_loop3A_765] : memref<3x4x4x1024xf32, #tpu.memory_space<vmem>> -> memref<1x1x4x1024xf32, #tpu.memory_space<vmem>>
        %parallel_loop3A_767 = tpu.memref_squeeze %parallel_loop3A_766 : memref<1x1x4x1024xf32, #tpu.memory_space<vmem>> -> memref<4x1024xf32, #tpu.memory_space<vmem>>
        tpu.vector_store_idx %parallel_loop3A_767[%parallel_loop3A_722, %parallel_loop3A_758], %parallel_loop3A_763 {add = true} : memref<4x1024xf32, #tpu.memory_space<vmem>>[vector<16xi32>, vector<16xi32>], vector<16xf32>,
        %parallel_loop3A_768 = arith.constant 48 : i32
        %parallel_loop3A_769 = vector.broadcast %parallel_loop3A_768 : i32 to vector<16xi32>
        %parallel_loop3A_770 = arith.addi %parallel_loop3A_769, %iota3A : vector<16xi32>
        %parallel_loop3A_771 = arith.addi %parallel_loop3A_728, %parallel_loop3A_770 : vector<16xi32>
        %parallel_loop3A_772 = arith.constant 0 : i32
        %parallel_loop3A_773 = arith.constant 0 : i32
        %parallel_loop3A_774 = tpu.memref_slice %arg7[%select_n3A_307, %parallel_loop3A_628, %parallel_loop3A_772, %parallel_loop3A_773] : memref<3x4x128x32xf32, #tpu.memory_space<vmem>> -> memref<1x1x128x32xf32, #tpu.memory_space<vmem>>
        %parallel_loop3A_775 = tpu.memref_squeeze %parallel_loop3A_774 : memref<1x1x128x32xf32, #tpu.memory_space<vmem>> -> memref<128x32xf32, #tpu.memory_space<vmem>>
        %parallel_loop3A_776 = tpu.vector_load_idx %parallel_loop3A_775[%parallel_loop3A_770, %parallel_loop3A_719] : memref<128x32xf32, #tpu.memory_space<vmem>>[vector<16xi32>, vector<16xi32>], vector<16xf32>,
        %parallel_loop3A_777 = arith.constant 0 : i32
        %parallel_loop3A_778 = arith.constant 0 : i32
        %parallel_loop3A_779 = tpu.memref_slice %arg8[%select_n3A_307, %parallel_loop3A_629, %parallel_loop3A_777, %parallel_loop3A_778] : memref<3x4x4x1024xf32, #tpu.memory_space<vmem>> -> memref<1x1x4x1024xf32, #tpu.memory_space<vmem>>
        %parallel_loop3A_780 = tpu.memref_squeeze %parallel_loop3A_779 : memref<1x1x4x1024xf32, #tpu.memory_space<vmem>> -> memref<4x1024xf32, #tpu.memory_space<vmem>>
        tpu.vector_store_idx %parallel_loop3A_780[%parallel_loop3A_722, %parallel_loop3A_771], %parallel_loop3A_776 {add = true} : memref<4x1024xf32, #tpu.memory_space<vmem>>[vector<16xi32>, vector<16xi32>], vector<16xf32>,
        %parallel_loop3A_781 = arith.constant 64 : i32
        %parallel_loop3A_782 = vector.broadcast %parallel_loop3A_781 : i32 to vector<16xi32>
        %parallel_loop3A_783 = arith.addi %parallel_loop3A_782, %iota3A : vector<16xi32>
        %parallel_loop3A_784 = arith.addi %parallel_loop3A_728, %parallel_loop3A_783 : vector<16xi32>
        %parallel_loop3A_785 = arith.constant 0 : i32
        %parallel_loop3A_786 = arith.constant 0 : i32
        %parallel_loop3A_787 = tpu.memref_slice %arg7[%select_n3A_307, %parallel_loop3A_628, %parallel_loop3A_785, %parallel_loop3A_786] : memref<3x4x128x32xf32, #tpu.memory_space<vmem>> -> memref<1x1x128x32xf32, #tpu.memory_space<vmem>>
        %parallel_loop3A_788 = tpu.memref_squeeze %parallel_loop3A_787 : memref<1x1x128x32xf32, #tpu.memory_space<vmem>> -> memref<128x32xf32, #tpu.memory_space<vmem>>
        %parallel_loop3A_789 = tpu.vector_load_idx %parallel_loop3A_788[%parallel_loop3A_783, %parallel_loop3A_719] : memref<128x32xf32, #tpu.memory_space<vmem>>[vector<16xi32>, vector<16xi32>], vector<16xf32>,
        %parallel_loop3A_790 = arith.constant 0 : i32
        %parallel_loop3A_791 = arith.constant 0 : i32
        %parallel_loop3A_792 = tpu.memref_slice %arg8[%select_n3A_307, %parallel_loop3A_629, %parallel_loop3A_790, %parallel_loop3A_791] : memref<3x4x4x1024xf32, #tpu.memory_space<vmem>> -> memref<1x1x4x1024xf32, #tpu.memory_space<vmem>>
        %parallel_loop3A_793 = tpu.memref_squeeze %parallel_loop3A_792 : memref<1x1x4x1024xf32, #tpu.memory_space<vmem>> -> memref<4x1024xf32, #tpu.memory_space<vmem>>
        tpu.vector_store_idx %parallel_loop3A_793[%parallel_loop3A_722, %parallel_loop3A_784], %parallel_loop3A_789 {add = true} : memref<4x1024xf32, #tpu.memory_space<vmem>>[vector<16xi32>, vector<16xi32>], vector<16xf32>,
        %parallel_loop3A_794 = arith.constant 80 : i32
        %parallel_loop3A_795 = vector.broadcast %parallel_loop3A_794 : i32 to vector<16xi32>
        %parallel_loop3A_796 = arith.addi %parallel_loop3A_795, %iota3A : vector<16xi32>
        %parallel_loop3A_797 = arith.addi %parallel_loop3A_728, %parallel_loop3A_796 : vector<16xi32>
        %parallel_loop3A_798 = arith.constant 0 : i32
        %parallel_loop3A_799 = arith.constant 0 : i32
        %parallel_loop3A_800 = tpu.memref_slice %arg7[%select_n3A_307, %parallel_loop3A_628, %parallel_loop3A_798, %parallel_loop3A_799] : memref<3x4x128x32xf32, #tpu.memory_space<vmem>> -> memref<1x1x128x32xf32, #tpu.memory_space<vmem>>
        %parallel_loop3A_801 = tpu.memref_squeeze %parallel_loop3A_800 : memref<1x1x128x32xf32, #tpu.memory_space<vmem>> -> memref<128x32xf32, #tpu.memory_space<vmem>>
        %parallel_loop3A_802 = tpu.vector_load_idx %parallel_loop3A_801[%parallel_loop3A_796, %parallel_loop3A_719] : memref<128x32xf32, #tpu.memory_space<vmem>>[vector<16xi32>, vector<16xi32>], vector<16xf32>,
        %parallel_loop3A_803 = arith.constant 0 : i32
        %parallel_loop3A_804 = arith.constant 0 : i32
        %parallel_loop3A_805 = tpu.memref_slice %arg8[%select_n3A_307, %parallel_loop3A_629, %parallel_loop3A_803, %parallel_loop3A_804] : memref<3x4x4x1024xf32, #tpu.memory_space<vmem>> -> memref<1x1x4x1024xf32, #tpu.memory_space<vmem>>
        %parallel_loop3A_806 = tpu.memref_squeeze %parallel_loop3A_805 : memref<1x1x4x1024xf32, #tpu.memory_space<vmem>> -> memref<4x1024xf32, #tpu.memory_space<vmem>>
        tpu.vector_store_idx %parallel_loop3A_806[%parallel_loop3A_722, %parallel_loop3A_797], %parallel_loop3A_802 {add = true} : memref<4x1024xf32, #tpu.memory_space<vmem>>[vector<16xi32>, vector<16xi32>], vector<16xf32>,
        %parallel_loop3A_807 = arith.constant 96 : i32
        %parallel_loop3A_808 = vector.broadcast %parallel_loop3A_807 : i32 to vector<16xi32>
        %parallel_loop3A_809 = arith.addi %parallel_loop3A_808, %iota3A : vector<16xi32>
        %parallel_loop3A_810 = arith.addi %parallel_loop3A_728, %parallel_loop3A_809 : vector<16xi32>
        %parallel_loop3A_811 = arith.constant 0 : i32
        %parallel_loop3A_812 = arith.constant 0 : i32
        %parallel_loop3A_813 = tpu.memref_slice %arg7[%select_n3A_307, %parallel_loop3A_628, %parallel_loop3A_811, %parallel_loop3A_812] : memref<3x4x128x32xf32, #tpu.memory_space<vmem>> -> memref<1x1x128x32xf32, #tpu.memory_space<vmem>>
        %parallel_loop3A_814 = tpu.memref_squeeze %parallel_loop3A_813 : memref<1x1x128x32xf32, #tpu.memory_space<vmem>> -> memref<128x32xf32, #tpu.memory_space<vmem>>
        %parallel_loop3A_815 = tpu.vector_load_idx %parallel_loop3A_814[%parallel_loop3A_809, %parallel_loop3A_719] : memref<128x32xf32, #tpu.memory_space<vmem>>[vector<16xi32>, vector<16xi32>], vector<16xf32>,
        %parallel_loop3A_816 = arith.constant 0 : i32
        %parallel_loop3A_817 = arith.constant 0 : i32
        %parallel_loop3A_818 = tpu.memref_slice %arg8[%select_n3A_307, %parallel_loop3A_629, %parallel_loop3A_816, %parallel_loop3A_817] : memref<3x4x4x1024xf32, #tpu.memory_space<vmem>> -> memref<1x1x4x1024xf32, #tpu.memory_space<vmem>>
        %parallel_loop3A_819 = tpu.memref_squeeze %parallel_loop3A_818 : memref<1x1x4x1024xf32, #tpu.memory_space<vmem>> -> memref<4x1024xf32, #tpu.memory_space<vmem>>
        tpu.vector_store_idx %parallel_loop3A_819[%parallel_loop3A_722, %parallel_loop3A_810], %parallel_loop3A_815 {add = true} : memref<4x1024xf32, #tpu.memory_space<vmem>>[vector<16xi32>, vector<16xi32>], vector<16xf32>,
        %parallel_loop3A_820 = arith.constant 112 : i32
        %parallel_loop3A_821 = vector.broadcast %parallel_loop3A_820 : i32 to vector<16xi32>
        %parallel_loop3A_822 = arith.addi %parallel_loop3A_821, %iota3A : vector<16xi32>
        %parallel_loop3A_823 = arith.addi %parallel_loop3A_728, %parallel_loop3A_822 : vector<16xi32>
        %parallel_loop3A_824 = arith.constant 0 : i32
        %parallel_loop3A_825 = arith.constant 0 : i32
        %parallel_loop3A_826 = tpu.memref_slice %arg7[%select_n3A_307, %parallel_loop3A_628, %parallel_loop3A_824, %parallel_loop3A_825] : memref<3x4x128x32xf32, #tpu.memory_space<vmem>> -> memref<1x1x128x32xf32, #tpu.memory_space<vmem>>
        %parallel_loop3A_827 = tpu.memref_squeeze %parallel_loop3A_826 : memref<1x1x128x32xf32, #tpu.memory_space<vmem>> -> memref<128x32xf32, #tpu.memory_space<vmem>>
        %parallel_loop3A_828 = tpu.vector_load_idx %parallel_loop3A_827[%parallel_loop3A_822, %parallel_loop3A_719] : memref<128x32xf32, #tpu.memory_space<vmem>>[vector<16xi32>, vector<16xi32>], vector<16xf32>,
        %parallel_loop3A_829 = arith.constant 0 : i32
        %parallel_loop3A_830 = arith.constant 0 : i32
        %parallel_loop3A_831 = tpu.memref_slice %arg8[%select_n3A_307, %parallel_loop3A_629, %parallel_loop3A_829, %parallel_loop3A_830] : memref<3x4x4x1024xf32, #tpu.memory_space<vmem>> -> memref<1x1x4x1024xf32, #tpu.memory_space<vmem>>
        %parallel_loop3A_832 = tpu.memref_squeeze %parallel_loop3A_831 : memref<1x1x4x1024xf32, #tpu.memory_space<vmem>> -> memref<4x1024xf32, #tpu.memory_space<vmem>>
        tpu.vector_store_idx %parallel_loop3A_832[%parallel_loop3A_722, %parallel_loop3A_823], %parallel_loop3A_828 {add = true} : memref<4x1024xf32, #tpu.memory_space<vmem>>[vector<16xi32>, vector<16xi32>], vector<16xf32>,
      } {sc.loop_unroll_factor = 1 : i64, sc.parallel_access}
      %mul3A_630 = arith.constant 4 : i32
      %mul3A_631 = arith.muli %scan3A_298, %mul3A_630 : i32
      %add3A_632 = arith.constant 0 : i32
      %add3A_633 = arith.addi %mul3A_631, %add3A_632 : i32
      %dma_start3A_634 = arith.constant 0 : i32
      %dma_start3A_635 = arith.constant 0 : i32
      %dma_start3A_636 = arith.constant 0 : i32
      %dma_start3A_637 = tpu.memref_slice %arg8[%select_n3A_307, %dma_start3A_634, %dma_start3A_635, %dma_start3A_636] : memref<3x4x4x1024xf32, #tpu.memory_space<vmem>> -> memref<1x1x4x1024xf32, #tpu.memory_space<vmem>>
      %dma_start3A_638 = tpu.memref_squeeze %dma_start3A_637 : memref<1x1x4x1024xf32, #tpu.memory_space<vmem>> -> memref<4x1024xf32, #tpu.memory_space<vmem>>
      %dma_start3A_639 = arith.constant 0 : i32
      %dma_start3A_640 = arith.constant 0 : i32
      %dma_start3A_641 = tpu.memref_slice %arg5[%add3A_633, %dma_start3A_639, %add3A, %dma_start3A_640] : memref<200x4x32x1024xf32, #tpu.memory_space<hbm>> -> memref<1x4x1x1024xf32, #tpu.memory_space<hbm>>
      %dma_start3A_642 = tpu.memref_squeeze %dma_start3A_641 : memref<1x4x1x1024xf32, #tpu.memory_space<hbm>> -> memref<4x1024xf32, #tpu.memory_space<hbm>>
      %dma_start3A_643 = arith.constant 0 : i32
      %dma_start3A_644 = arith.constant 0 : i32
      %dma_start3A_645 = tpu.memref_slice %arg5[%add3A_633, %dma_start3A_643, %add3A, %dma_start3A_644] : memref<200x4x32x1024xf32, #tpu.memory_space<hbm>> -> memref<1x4x1x1024xf32, #tpu.memory_space<hbm>>
      %dma_start3A_646 = tpu.memref_squeeze %dma_start3A_645 : memref<1x4x1x1024xf32, #tpu.memory_space<hbm>> -> memref<4x1024xf32, #tpu.memory_space<hbm>>
      %dma_start3A_647 = arith.constant 0 : i32
      %dma_start3A_648 = arith.constant 0 : i32
      %dma_start3A_649 = tpu.memref_slice %arg8[%select_n3A_307, %dma_start3A_634, %dma_start3A_647, %dma_start3A_648] : memref<3x4x4x1024xf32, #tpu.memory_space<vmem>> -> memref<1x1x4x1024xf32, #tpu.memory_space<vmem>>
      %dma_start3A_650 = tpu.memref_squeeze %dma_start3A_649 : memref<1x1x4x1024xf32, #tpu.memory_space<vmem>> -> memref<4x1024xf32, #tpu.memory_space<vmem>>
      tpu.enqueue_dma source(%dma_start3A_650 : memref<4x1024xf32, #tpu.memory_space<vmem>>) target(%dma_start3A_646 : memref<4x1024xf32, #tpu.memory_space<hbm>>) target_semaphore(%arg11 : memref<!tpu.dma_semaphore, #tpu.memory_space<semaphore_mem>>)
      %mul3A_651 = arith.constant 4 : i32
      %mul3A_652 = arith.muli %scan3A_298, %mul3A_651 : i32
      %add3A_653 = arith.constant 1 : i32
      %add3A_654 = arith.addi %mul3A_652, %add3A_653 : i32
      %dma_start3A_655 = arith.constant 1 : i32
      %dma_start3A_656 = arith.constant 0 : i32
      %dma_start3A_657 = arith.constant 0 : i32
      %dma_start3A_658 = tpu.memref_slice %arg8[%select_n3A_307, %dma_start3A_655, %dma_start3A_656, %dma_start3A_657] : memref<3x4x4x1024xf32, #tpu.memory_space<vmem>> -> memref<1x1x4x1024xf32, #tpu.memory_space<vmem>>
      %dma_start3A_659 = tpu.memref_squeeze %dma_start3A_658 : memref<1x1x4x1024xf32, #tpu.memory_space<vmem>> -> memref<4x1024xf32, #tpu.memory_space<vmem>>
      %dma_start3A_660 = arith.constant 0 : i32
      %dma_start3A_661 = arith.constant 0 : i32
      %dma_start3A_662 = tpu.memref_slice %arg5[%add3A_654, %dma_start3A_660, %add3A, %dma_start3A_661] : memref<200x4x32x1024xf32, #tpu.memory_space<hbm>> -> memref<1x4x1x1024xf32, #tpu.memory_space<hbm>>
      %dma_start3A_663 = tpu.memref_squeeze %dma_start3A_662 : memref<1x4x1x1024xf32, #tpu.memory_space<hbm>> -> memref<4x1024xf32, #tpu.memory_space<hbm>>
      %dma_start3A_664 = arith.constant 0 : i32
      %dma_start3A_665 = arith.constant 0 : i32
      %dma_start3A_666 = tpu.memref_slice %arg5[%add3A_654, %dma_start3A_664, %add3A, %dma_start3A_665] : memref<200x4x32x1024xf32, #tpu.memory_space<hbm>> -> memref<1x4x1x1024xf32, #tpu.memory_space<hbm>>
      %dma_start3A_667 = tpu.memref_squeeze %dma_start3A_666 : memref<1x4x1x1024xf32, #tpu.memory_space<hbm>> -> memref<4x1024xf32, #tpu.memory_space<hbm>>
      %dma_start3A_668 = arith.constant 0 : i32
      %dma_start3A_669 = arith.constant 0 : i32
      %dma_start3A_670 = tpu.memref_slice %arg8[%select_n3A_307, %dma_start3A_655, %dma_start3A_668, %dma_start3A_669] : memref<3x4x4x1024xf32, #tpu.memory_space<vmem>> -> memref<1x1x4x1024xf32, #tpu.memory_space<vmem>>
      %dma_start3A_671 = tpu.memref_squeeze %dma_start3A_670 : memref<1x1x4x1024xf32, #tpu.memory_space<vmem>> -> memref<4x1024xf32, #tpu.memory_space<vmem>>
      tpu.enqueue_dma source(%dma_start3A_671 : memref<4x1024xf32, #tpu.memory_space<vmem>>) target(%dma_start3A_667 : memref<4x1024xf32, #tpu.memory_space<hbm>>) target_semaphore(%arg11 : memref<!tpu.dma_semaphore, #tpu.memory_space<semaphore_mem>>)
      %mul3A_672 = arith.constant 4 : i32
      %mul3A_673 = arith.muli %scan3A_298, %mul3A_672 : i32
      %add3A_674 = arith.constant 2 : i32
      %add3A_675 = arith.addi %mul3A_673, %add3A_674 : i32
      %dma_start3A_676 = arith.constant 2 : i32
      %dma_start3A_677 = arith.constant 0 : i32
      %dma_start3A_678 = arith.constant 0 : i32
      %dma_start3A_679 = tpu.memref_slice %arg8[%select_n3A_307, %dma_start3A_676, %dma_start3A_677, %dma_start3A_678] : memref<3x4x4x1024xf32, #tpu.memory_space<vmem>> -> memref<1x1x4x1024xf32, #tpu.memory_space<vmem>>
      %dma_start3A_680 = tpu.memref_squeeze %dma_start3A_679 : memref<1x1x4x1024xf32, #tpu.memory_space<vmem>> -> memref<4x1024xf32, #tpu.memory_space<vmem>>
      %dma_start3A_681 = arith.constant 0 : i32
      %dma_start3A_682 = arith.constant 0 : i32
      %dma_start3A_683 = tpu.memref_slice %arg5[%add3A_675, %dma_start3A_681, %add3A, %dma_start3A_682] : memref<200x4x32x1024xf32, #tpu.memory_space<hbm>> -> memref<1x4x1x1024xf32, #tpu.memory_space<hbm>>
      %dma_start3A_684 = tpu.memref_squeeze %dma_start3A_683 : memref<1x4x1x1024xf32, #tpu.memory_space<hbm>> -> memref<4x1024xf32, #tpu.memory_space<hbm>>
      %dma_start3A_685 = arith.constant 0 : i32
      %dma_start3A_686 = arith.constant 0 : i32
      %dma_start3A_687 = tpu.memref_slice %arg5[%add3A_675, %dma_start3A_685, %add3A, %dma_start3A_686] : memref<200x4x32x1024xf32, #tpu.memory_space<hbm>> -> memref<1x4x1x1024xf32, #tpu.memory_space<hbm>>
      %dma_start3A_688 = tpu.memref_squeeze %dma_start3A_687 : memref<1x4x1x1024xf32, #tpu.memory_space<hbm>> -> memref<4x1024xf32, #tpu.memory_space<hbm>>
      %dma_start3A_689 = arith.constant 0 : i32
      %dma_start3A_690 = arith.constant 0 : i32
      %dma_start3A_691 = tpu.memref_slice %arg8[%select_n3A_307, %dma_start3A_676, %dma_start3A_689, %dma_start3A_690] : memref<3x4x4x1024xf32, #tpu.memory_space<vmem>> -> memref<1x1x4x1024xf32, #tpu.memory_space<vmem>>
      %dma_start3A_692 = tpu.memref_squeeze %dma_start3A_691 : memref<1x1x4x1024xf32, #tpu.memory_space<vmem>> -> memref<4x1024xf32, #tpu.memory_space<vmem>>
      tpu.enqueue_dma source(%dma_start3A_692 : memref<4x1024xf32, #tpu.memory_space<vmem>>) target(%dma_start3A_688 : memref<4x1024xf32, #tpu.memory_space<hbm>>) target_semaphore(%arg11 : memref<!tpu.dma_semaphore, #tpu.memory_space<semaphore_mem>>)
      %mul3A_693 = arith.constant 4 : i32
      %mul3A_694 = arith.muli %scan3A_298, %mul3A_693 : i32
      %add3A_695 = arith.constant 3 : i32
      %add3A_696 = arith.addi %mul3A_694, %add3A_695 : i32
      %dma_start3A_697 = arith.constant 3 : i32
      %dma_start3A_698 = arith.constant 0 : i32
      %dma_start3A_699 = arith.constant 0 : i32
      %dma_start3A_700 = tpu.memref_slice %arg8[%select_n3A_307, %dma_start3A_697, %dma_start3A_698, %dma_start3A_699] : memref<3x4x4x1024xf32, #tpu.memory_space<vmem>> -> memref<1x1x4x1024xf32, #tpu.memory_space<vmem>>
      %dma_start3A_701 = tpu.memref_squeeze %dma_start3A_700 : memref<1x1x4x1024xf32, #tpu.memory_space<vmem>> -> memref<4x1024xf32, #tpu.memory_space<vmem>>
      %dma_start3A_702 = arith.constant 0 : i32
      %dma_start3A_703 = arith.constant 0 : i32
      %dma_start3A_704 = tpu.memref_slice %arg5[%add3A_696, %dma_start3A_702, %add3A, %dma_start3A_703] : memref<200x4x32x1024xf32, #tpu.memory_space<hbm>> -> memref<1x4x1x1024xf32, #tpu.memory_space<hbm>>
      %dma_start3A_705 = tpu.memref_squeeze %dma_start3A_704 : memref<1x4x1x1024xf32, #tpu.memory_space<hbm>> -> memref<4x1024xf32, #tpu.memory_space<hbm>>
      %dma_start3A_706 = arith.constant 0 : i32
      %dma_start3A_707 = arith.constant 0 : i32
      %dma_start3A_708 = tpu.memref_slice %arg5[%add3A_696, %dma_start3A_706, %add3A, %dma_start3A_707] : memref<200x4x32x1024xf32, #tpu.memory_space<hbm>> -> memref<1x4x1x1024xf32, #tpu.memory_space<hbm>>
      %dma_start3A_709 = tpu.memref_squeeze %dma_start3A_708 : memref<1x4x1x1024xf32, #tpu.memory_space<hbm>> -> memref<4x1024xf32, #tpu.memory_space<hbm>>
      %dma_start3A_710 = arith.constant 0 : i32
      %dma_start3A_711 = arith.constant 0 : i32
      %dma_start3A_712 = tpu.memref_slice %arg8[%select_n3A_307, %dma_start3A_697, %dma_start3A_710, %dma_start3A_711] : memref<3x4x4x1024xf32, #tpu.memory_space<vmem>> -> memref<1x1x4x1024xf32, #tpu.memory_space<vmem>>
      %dma_start3A_713 = tpu.memref_squeeze %dma_start3A_712 : memref<1x1x4x1024xf32, #tpu.memory_space<vmem>> -> memref<4x1024xf32, #tpu.memory_space<vmem>>
      tpu.enqueue_dma source(%dma_start3A_713 : memref<4x1024xf32, #tpu.memory_space<vmem>>) target(%dma_start3A_709 : memref<4x1024xf32, #tpu.memory_space<hbm>>) target_semaphore(%arg11 : memref<!tpu.dma_semaphore, #tpu.memory_space<semaphore_mem>>)
    }
    %scan3A_138 = arith.constant 50 : i32
    %dma_wait3A = arith.constant 0 : i32
    %dma_wait3A_139 = arith.constant 0 : i32
    %dma_wait3A_140 = arith.constant 0 : i32
    %dma_wait3A_141 = arith.constant 0 : i32
    %dma_wait3A_142 = arith.constant 0 : i32
    %dma_wait3A_143 = arith.constant 0 : i32
    %dma_wait3A_144 = tpu.memref_slice %arg8[%dma_wait3A, %dma_wait3A_139, %dma_wait3A_142, %dma_wait3A_143] : memref<3x4x4x1024xf32, #tpu.memory_space<vmem>> -> memref<1x1x4x1024xf32, #tpu.memory_space<vmem>>
    %dma_wait3A_145 = tpu.memref_squeeze %dma_wait3A_144 : memref<1x1x4x1024xf32, #tpu.memory_space<vmem>> -> memref<4x1024xf32, #tpu.memory_space<vmem>>
    %dma_wait3A_146 = arith.constant 0 : i32
    %dma_wait3A_147 = arith.constant 0 : i32
    %dma_wait3A_148 = tpu.memref_slice %arg5[%dma_wait3A_140, %dma_wait3A_146, %dma_wait3A_141, %dma_wait3A_147] : memref<200x4x32x1024xf32, #tpu.memory_space<hbm>> -> memref<1x4x1x1024xf32, #tpu.memory_space<hbm>>
    %dma_wait3A_149 = tpu.memref_squeeze %dma_wait3A_148 : memref<1x4x1x1024xf32, #tpu.memory_space<hbm>> -> memref<4x1024xf32, #tpu.memory_space<hbm>>
    %dma_wait3A_150 = arith.constant 0 : i32
    %dma_wait3A_151 = arith.constant 0 : i32
    %dma_wait3A_152 = tpu.memref_slice %arg5[%dma_wait3A_140, %dma_wait3A_150, %dma_wait3A_141, %dma_wait3A_151] : memref<200x4x32x1024xf32, #tpu.memory_space<hbm>> -> memref<1x4x1x1024xf32, #tpu.memory_space<hbm>>
    %dma_wait3A_153 = tpu.memref_squeeze %dma_wait3A_152 : memref<1x4x1x1024xf32, #tpu.memory_space<hbm>> -> memref<4x1024xf32, #tpu.memory_space<hbm>>
    %dma_wait3A_154 = arith.constant 0 : i32
    %dma_wait3A_155 = arith.constant 0 : i32
    %dma_wait3A_156 = tpu.memref_slice %arg8[%dma_wait3A, %dma_wait3A_139, %dma_wait3A_154, %dma_wait3A_155] : memref<3x4x4x1024xf32, #tpu.memory_space<vmem>> -> memref<1x1x4x1024xf32, #tpu.memory_space<vmem>>
    %dma_wait3A_157 = tpu.memref_squeeze %dma_wait3A_156 : memref<1x1x4x1024xf32, #tpu.memory_space<vmem>> -> memref<4x1024xf32, #tpu.memory_space<vmem>>
    tpu.wait_dma2 semaphore(%arg11 : memref<!tpu.dma_semaphore, #tpu.memory_space<semaphore_mem>>) src(%dma_wait3A_157 : memref<4x1024xf32, #tpu.memory_space<vmem>>) dst(%dma_wait3A_153 : memref<4x1024xf32, #tpu.memory_space<hbm>>)
    %dma_wait3A_158 = arith.constant 0 : i32
    %dma_wait3A_159 = arith.constant 1 : i32
    %dma_wait3A_160 = arith.constant 0 : i32
    %dma_wait3A_161 = arith.constant 0 : i32
    %dma_wait3A_162 = arith.constant 0 : i32
    %dma_wait3A_163 = arith.constant 0 : i32
    %dma_wait3A_164 = tpu.memref_slice %arg8[%dma_wait3A_158, %dma_wait3A_159, %dma_wait3A_162, %dma_wait3A_163] : memref<3x4x4x1024xf32, #tpu.memory_space<vmem>> -> memref<1x1x4x1024xf32, #tpu.memory_space<vmem>>
    %dma_wait3A_165 = tpu.memref_squeeze %dma_wait3A_164 : memref<1x1x4x1024xf32, #tpu.memory_space<vmem>> -> memref<4x1024xf32, #tpu.memory_space<vmem>>
    %dma_wait3A_166 = arith.constant 0 : i32
    %dma_wait3A_167 = arith.constant 0 : i32
    %dma_wait3A_168 = tpu.memref_slice %arg5[%dma_wait3A_160, %dma_wait3A_166, %dma_wait3A_161, %dma_wait3A_167] : memref<200x4x32x1024xf32, #tpu.memory_space<hbm>> -> memref<1x4x1x1024xf32, #tpu.memory_space<hbm>>
    %dma_wait3A_169 = tpu.memref_squeeze %dma_wait3A_168 : memref<1x4x1x1024xf32, #tpu.memory_space<hbm>> -> memref<4x1024xf32, #tpu.memory_space<hbm>>
    %dma_wait3A_170 = arith.constant 0 : i32
    %dma_wait3A_171 = arith.constant 0 : i32
    %dma_wait3A_172 = tpu.memref_slice %arg5[%dma_wait3A_160, %dma_wait3A_170, %dma_wait3A_161, %dma_wait3A_171] : memref<200x4x32x1024xf32, #tpu.memory_space<hbm>> -> memref<1x4x1x1024xf32, #tpu.memory_space<hbm>>
    %dma_wait3A_173 = tpu.memref_squeeze %dma_wait3A_172 : memref<1x4x1x1024xf32, #tpu.memory_space<hbm>> -> memref<4x1024xf32, #tpu.memory_space<hbm>>
    %dma_wait3A_174 = arith.constant 0 : i32
    %dma_wait3A_175 = arith.constant 0 : i32
    %dma_wait3A_176 = tpu.memref_slice %arg8[%dma_wait3A_158, %dma_wait3A_159, %dma_wait3A_174, %dma_wait3A_175] : memref<3x4x4x1024xf32, #tpu.memory_space<vmem>> -> memref<1x1x4x1024xf32, #tpu.memory_space<vmem>>
    %dma_wait3A_177 = tpu.memref_squeeze %dma_wait3A_176 : memref<1x1x4x1024xf32, #tpu.memory_space<vmem>> -> memref<4x1024xf32, #tpu.memory_space<vmem>>
    tpu.wait_dma2 semaphore(%arg11 : memref<!tpu.dma_semaphore, #tpu.memory_space<semaphore_mem>>) src(%dma_wait3A_177 : memref<4x1024xf32, #tpu.memory_space<vmem>>) dst(%dma_wait3A_173 : memref<4x1024xf32, #tpu.memory_space<hbm>>)
    %dma_wait3A_178 = arith.constant 0 : i32
    %dma_wait3A_179 = arith.constant 2 : i32
    %dma_wait3A_180 = arith.constant 0 : i32
    %dma_wait3A_181 = arith.constant 0 : i32
    %dma_wait3A_182 = arith.constant 0 : i32
    %dma_wait3A_183 = arith.constant 0 : i32
    %dma_wait3A_184 = tpu.memref_slice %arg8[%dma_wait3A_178, %dma_wait3A_179, %dma_wait3A_182, %dma_wait3A_183] : memref<3x4x4x1024xf32, #tpu.memory_space<vmem>> -> memref<1x1x4x1024xf32, #tpu.memory_space<vmem>>
    %dma_wait3A_185 = tpu.memref_squeeze %dma_wait3A_184 : memref<1x1x4x1024xf32, #tpu.memory_space<vmem>> -> memref<4x1024xf32, #tpu.memory_space<vmem>>
    %dma_wait3A_186 = arith.constant 0 : i32
    %dma_wait3A_187 = arith.constant 0 : i32
    %dma_wait3A_188 = tpu.memref_slice %arg5[%dma_wait3A_180, %dma_wait3A_186, %dma_wait3A_181, %dma_wait3A_187] : memref<200x4x32x1024xf32, #tpu.memory_space<hbm>> -> memref<1x4x1x1024xf32, #tpu.memory_space<hbm>>
    %dma_wait3A_189 = tpu.memref_squeeze %dma_wait3A_188 : memref<1x4x1x1024xf32, #tpu.memory_space<hbm>> -> memref<4x1024xf32, #tpu.memory_space<hbm>>
    %dma_wait3A_190 = arith.constant 0 : i32
    %dma_wait3A_191 = arith.constant 0 : i32
    %dma_wait3A_192 = tpu.memref_slice %arg5[%dma_wait3A_180, %dma_wait3A_190, %dma_wait3A_181, %dma_wait3A_191] : memref<200x4x32x1024xf32, #tpu.memory_space<hbm>> -> memref<1x4x1x1024xf32, #tpu.memory_space<hbm>>
    %dma_wait3A_193 = tpu.memref_squeeze %dma_wait3A_192 : memref<1x4x1x1024xf32, #tpu.memory_space<hbm>> -> memref<4x1024xf32, #tpu.memory_space<hbm>>
    %dma_wait3A_194 = arith.constant 0 : i32
    %dma_wait3A_195 = arith.constant 0 : i32
    %dma_wait3A_196 = tpu.memref_slice %arg8[%dma_wait3A_178, %dma_wait3A_179, %dma_wait3A_194, %dma_wait3A_195] : memref<3x4x4x1024xf32, #tpu.memory_space<vmem>> -> memref<1x1x4x1024xf32, #tpu.memory_space<vmem>>
    %dma_wait3A_197 = tpu.memref_squeeze %dma_wait3A_196 : memref<1x1x4x1024xf32, #tpu.memory_space<vmem>> -> memref<4x1024xf32, #tpu.memory_space<vmem>>
    tpu.wait_dma2 semaphore(%arg11 : memref<!tpu.dma_semaphore, #tpu.memory_space<semaphore_mem>>) src(%dma_wait3A_197 : memref<4x1024xf32, #tpu.memory_space<vmem>>) dst(%dma_wait3A_193 : memref<4x1024xf32, #tpu.memory_space<hbm>>)
    %dma_wait3A_198 = arith.constant 0 : i32
    %dma_wait3A_199 = arith.constant 3 : i32
    %dma_wait3A_200 = arith.constant 0 : i32
    %dma_wait3A_201 = arith.constant 0 : i32
    %dma_wait3A_202 = arith.constant 0 : i32
    %dma_wait3A_203 = arith.constant 0 : i32
    %dma_wait3A_204 = tpu.memref_slice %arg8[%dma_wait3A_198, %dma_wait3A_199, %dma_wait3A_202, %dma_wait3A_203] : memref<3x4x4x1024xf32, #tpu.memory_space<vmem>> -> memref<1x1x4x1024xf32, #tpu.memory_space<vmem>>
    %dma_wait3A_205 = tpu.memref_squeeze %dma_wait3A_204 : memref<1x1x4x1024xf32, #tpu.memory_space<vmem>> -> memref<4x1024xf32, #tpu.memory_space<vmem>>
    %dma_wait3A_206 = arith.constant 0 : i32
    %dma_wait3A_207 = arith.constant 0 : i32
    %dma_wait3A_208 = tpu.memref_slice %arg5[%dma_wait3A_200, %dma_wait3A_206, %dma_wait3A_201, %dma_wait3A_207] : memref<200x4x32x1024xf32, #tpu.memory_space<hbm>> -> memref<1x4x1x1024xf32, #tpu.memory_space<hbm>>
    %dma_wait3A_209 = tpu.memref_squeeze %dma_wait3A_208 : memref<1x4x1x1024xf32, #tpu.memory_space<hbm>> -> memref<4x1024xf32, #tpu.memory_space<hbm>>
    %dma_wait3A_210 = arith.constant 0 : i32
    %dma_wait3A_211 = arith.constant 0 : i32
    %dma_wait3A_212 = tpu.memref_slice %arg5[%dma_wait3A_200, %dma_wait3A_210, %dma_wait3A_201, %dma_wait3A_211] : memref<200x4x32x1024xf32, #tpu.memory_space<hbm>> -> memref<1x4x1x1024xf32, #tpu.memory_space<hbm>>
    %dma_wait3A_213 = tpu.memref_squeeze %dma_wait3A_212 : memref<1x4x1x1024xf32, #tpu.memory_space<hbm>> -> memref<4x1024xf32, #tpu.memory_space<hbm>>
    %dma_wait3A_214 = arith.constant 0 : i32
    %dma_wait3A_215 = arith.constant 0 : i32
    %dma_wait3A_216 = tpu.memref_slice %arg8[%dma_wait3A_198, %dma_wait3A_199, %dma_wait3A_214, %dma_wait3A_215] : memref<3x4x4x1024xf32, #tpu.memory_space<vmem>> -> memref<1x1x4x1024xf32, #tpu.memory_space<vmem>>
    %dma_wait3A_217 = tpu.memref_squeeze %dma_wait3A_216 : memref<1x1x4x1024xf32, #tpu.memory_space<vmem>> -> memref<4x1024xf32, #tpu.memory_space<vmem>>
    tpu.wait_dma2 semaphore(%arg11 : memref<!tpu.dma_semaphore, #tpu.memory_space<semaphore_mem>>) src(%dma_wait3A_217 : memref<4x1024xf32, #tpu.memory_space<vmem>>) dst(%dma_wait3A_213 : memref<4x1024xf32, #tpu.memory_space<hbm>>)
    %dma_wait3A_218 = arith.constant 1 : i32
    %dma_wait3A_219 = arith.constant 0 : i32
    %dma_wait3A_220 = arith.constant 0 : i32
    %dma_wait3A_221 = arith.constant 0 : i32
    %dma_wait3A_222 = arith.constant 0 : i32
    %dma_wait3A_223 = arith.constant 0 : i32
    %dma_wait3A_224 = tpu.memref_slice %arg8[%dma_wait3A_218, %dma_wait3A_219, %dma_wait3A_222, %dma_wait3A_223] : memref<3x4x4x1024xf32, #tpu.memory_space<vmem>> -> memref<1x1x4x1024xf32, #tpu.memory_space<vmem>>
    %dma_wait3A_225 = tpu.memref_squeeze %dma_wait3A_224 : memref<1x1x4x1024xf32, #tpu.memory_space<vmem>> -> memref<4x1024xf32, #tpu.memory_space<vmem>>
    %dma_wait3A_226 = arith.constant 0 : i32
    %dma_wait3A_227 = arith.constant 0 : i32
    %dma_wait3A_228 = tpu.memref_slice %arg5[%dma_wait3A_220, %dma_wait3A_226, %dma_wait3A_221, %dma_wait3A_227] : memref<200x4x32x1024xf32, #tpu.memory_space<hbm>> -> memref<1x4x1x1024xf32, #tpu.memory_space<hbm>>
    %dma_wait3A_229 = tpu.memref_squeeze %dma_wait3A_228 : memref<1x4x1x1024xf32, #tpu.memory_space<hbm>> -> memref<4x1024xf32, #tpu.memory_space<hbm>>
    %dma_wait3A_230 = arith.constant 0 : i32
    %dma_wait3A_231 = arith.constant 0 : i32
    %dma_wait3A_232 = tpu.memref_slice %arg5[%dma_wait3A_220, %dma_wait3A_230, %dma_wait3A_221, %dma_wait3A_231] : memref<200x4x32x1024xf32, #tpu.memory_space<hbm>> -> memref<1x4x1x1024xf32, #tpu.memory_space<hbm>>
    %dma_wait3A_233 = tpu.memref_squeeze %dma_wait3A_232 : memref<1x4x1x1024xf32, #tpu.memory_space<hbm>> -> memref<4x1024xf32, #tpu.memory_space<hbm>>
    %dma_wait3A_234 = arith.constant 0 : i32
    %dma_wait3A_235 = arith.constant 0 : i32
    %dma_wait3A_236 = tpu.memref_slice %arg8[%dma_wait3A_218, %dma_wait3A_219, %dma_wait3A_234, %dma_wait3A_235] : memref<3x4x4x1024xf32, #tpu.memory_space<vmem>> -> memref<1x1x4x1024xf32, #tpu.memory_space<vmem>>
    %dma_wait3A_237 = tpu.memref_squeeze %dma_wait3A_236 : memref<1x1x4x1024xf32, #tpu.memory_space<vmem>> -> memref<4x1024xf32, #tpu.memory_space<vmem>>
    tpu.wait_dma2 semaphore(%arg11 : memref<!tpu.dma_semaphore, #tpu.memory_space<semaphore_mem>>) src(%dma_wait3A_237 : memref<4x1024xf32, #tpu.memory_space<vmem>>) dst(%dma_wait3A_233 : memref<4x1024xf32, #tpu.memory_space<hbm>>)
    %dma_wait3A_238 = arith.constant 1 : i32
    %dma_wait3A_239 = arith.constant 1 : i32
    %dma_wait3A_240 = arith.constant 0 : i32
    %dma_wait3A_241 = arith.constant 0 : i32
    %dma_wait3A_242 = arith.constant 0 : i32
    %dma_wait3A_243 = arith.constant 0 : i32
    %dma_wait3A_244 = tpu.memref_slice %arg8[%dma_wait3A_238, %dma_wait3A_239, %dma_wait3A_242, %dma_wait3A_243] : memref<3x4x4x1024xf32, #tpu.memory_space<vmem>> -> memref<1x1x4x1024xf32, #tpu.memory_space<vmem>>
    %dma_wait3A_245 = tpu.memref_squeeze %dma_wait3A_244 : memref<1x1x4x1024xf32, #tpu.memory_space<vmem>> -> memref<4x1024xf32, #tpu.memory_space<vmem>>
    %dma_wait3A_246 = arith.constant 0 : i32
    %dma_wait3A_247 = arith.constant 0 : i32
    %dma_wait3A_248 = tpu.memref_slice %arg5[%dma_wait3A_240, %dma_wait3A_246, %dma_wait3A_241, %dma_wait3A_247] : memref<200x4x32x1024xf32, #tpu.memory_space<hbm>> -> memref<1x4x1x1024xf32, #tpu.memory_space<hbm>>
    %dma_wait3A_249 = tpu.memref_squeeze %dma_wait3A_248 : memref<1x4x1x1024xf32, #tpu.memory_space<hbm>> -> memref<4x1024xf32, #tpu.memory_space<hbm>>
    %dma_wait3A_250 = arith.constant 0 : i32
    %dma_wait3A_251 = arith.constant 0 : i32
    %dma_wait3A_252 = tpu.memref_slice %arg5[%dma_wait3A_240, %dma_wait3A_250, %dma_wait3A_241, %dma_wait3A_251] : memref<200x4x32x1024xf32, #tpu.memory_space<hbm>> -> memref<1x4x1x1024xf32, #tpu.memory_space<hbm>>
    %dma_wait3A_253 = tpu.memref_squeeze %dma_wait3A_252 : memref<1x4x1x1024xf32, #tpu.memory_space<hbm>> -> memref<4x1024xf32, #tpu.memory_space<hbm>>
    %dma_wait3A_254 = arith.constant 0 : i32
    %dma_wait3A_255 = arith.constant 0 : i32
    %dma_wait3A_256 = tpu.memref_slice %arg8[%dma_wait3A_238, %dma_wait3A_239, %dma_wait3A_254, %dma_wait3A_255] : memref<3x4x4x1024xf32, #tpu.memory_space<vmem>> -> memref<1x1x4x1024xf32, #tpu.memory_space<vmem>>
    %dma_wait3A_257 = tpu.memref_squeeze %dma_wait3A_256 : memref<1x1x4x1024xf32, #tpu.memory_space<vmem>> -> memref<4x1024xf32, #tpu.memory_space<vmem>>
    tpu.wait_dma2 semaphore(%arg11 : memref<!tpu.dma_semaphore, #tpu.memory_space<semaphore_mem>>) src(%dma_wait3A_257 : memref<4x1024xf32, #tpu.memory_space<vmem>>) dst(%dma_wait3A_253 : memref<4x1024xf32, #tpu.memory_space<hbm>>)
    %dma_wait3A_258 = arith.constant 1 : i32
    %dma_wait3A_259 = arith.constant 2 : i32
    %dma_wait3A_260 = arith.constant 0 : i32
    %dma_wait3A_261 = arith.constant 0 : i32
    %dma_wait3A_262 = arith.constant 0 : i32
    %dma_wait3A_263 = arith.constant 0 : i32
    %dma_wait3A_264 = tpu.memref_slice %arg8[%dma_wait3A_258, %dma_wait3A_259, %dma_wait3A_262, %dma_wait3A_263] : memref<3x4x4x1024xf32, #tpu.memory_space<vmem>> -> memref<1x1x4x1024xf32, #tpu.memory_space<vmem>>
    %dma_wait3A_265 = tpu.memref_squeeze %dma_wait3A_264 : memref<1x1x4x1024xf32, #tpu.memory_space<vmem>> -> memref<4x1024xf32, #tpu.memory_space<vmem>>
    %dma_wait3A_266 = arith.constant 0 : i32
    %dma_wait3A_267 = arith.constant 0 : i32
    %dma_wait3A_268 = tpu.memref_slice %arg5[%dma_wait3A_260, %dma_wait3A_266, %dma_wait3A_261, %dma_wait3A_267] : memref<200x4x32x1024xf32, #tpu.memory_space<hbm>> -> memref<1x4x1x1024xf32, #tpu.memory_space<hbm>>
    %dma_wait3A_269 = tpu.memref_squeeze %dma_wait3A_268 : memref<1x4x1x1024xf32, #tpu.memory_space<hbm>> -> memref<4x1024xf32, #tpu.memory_space<hbm>>
    %dma_wait3A_270 = arith.constant 0 : i32
    %dma_wait3A_271 = arith.constant 0 : i32
    %dma_wait3A_272 = tpu.memref_slice %arg5[%dma_wait3A_260, %dma_wait3A_270, %dma_wait3A_261, %dma_wait3A_271] : memref<200x4x32x1024xf32, #tpu.memory_space<hbm>> -> memref<1x4x1x1024xf32, #tpu.memory_space<hbm>>
    %dma_wait3A_273 = tpu.memref_squeeze %dma_wait3A_272 : memref<1x4x1x1024xf32, #tpu.memory_space<hbm>> -> memref<4x1024xf32, #tpu.memory_space<hbm>>
    %dma_wait3A_274 = arith.constant 0 : i32
    %dma_wait3A_275 = arith.constant 0 : i32
    %dma_wait3A_276 = tpu.memref_slice %arg8[%dma_wait3A_258, %dma_wait3A_259, %dma_wait3A_274, %dma_wait3A_275] : memref<3x4x4x1024xf32, #tpu.memory_space<vmem>> -> memref<1x1x4x1024xf32, #tpu.memory_space<vmem>>
    %dma_wait3A_277 = tpu.memref_squeeze %dma_wait3A_276 : memref<1x1x4x1024xf32, #tpu.memory_space<vmem>> -> memref<4x1024xf32, #tpu.memory_space<vmem>>
    tpu.wait_dma2 semaphore(%arg11 : memref<!tpu.dma_semaphore, #tpu.memory_space<semaphore_mem>>) src(%dma_wait3A_277 : memref<4x1024xf32, #tpu.memory_space<vmem>>) dst(%dma_wait3A_273 : memref<4x1024xf32, #tpu.memory_space<hbm>>)
    %dma_wait3A_278 = arith.constant 1 : i32
    %dma_wait3A_279 = arith.constant 3 : i32
    %dma_wait3A_280 = arith.constant 0 : i32
    %dma_wait3A_281 = arith.constant 0 : i32
    %dma_wait3A_282 = arith.constant 0 : i32
    %dma_wait3A_283 = arith.constant 0 : i32
    %dma_wait3A_284 = tpu.memref_slice %arg8[%dma_wait3A_278, %dma_wait3A_279, %dma_wait3A_282, %dma_wait3A_283] : memref<3x4x4x1024xf32, #tpu.memory_space<vmem>> -> memref<1x1x4x1024xf32, #tpu.memory_space<vmem>>
    %dma_wait3A_285 = tpu.memref_squeeze %dma_wait3A_284 : memref<1x1x4x1024xf32, #tpu.memory_space<vmem>> -> memref<4x1024xf32, #tpu.memory_space<vmem>>
    %dma_wait3A_286 = arith.constant 0 : i32
    %dma_wait3A_287 = arith.constant 0 : i32
    %dma_wait3A_288 = tpu.memref_slice %arg5[%dma_wait3A_280, %dma_wait3A_286, %dma_wait3A_281, %dma_wait3A_287] : memref<200x4x32x1024xf32, #tpu.memory_space<hbm>> -> memref<1x4x1x1024xf32, #tpu.memory_space<hbm>>
    %dma_wait3A_289 = tpu.memref_squeeze %dma_wait3A_288 : memref<1x4x1x1024xf32, #tpu.memory_space<hbm>> -> memref<4x1024xf32, #tpu.memory_space<hbm>>
    %dma_wait3A_290 = arith.constant 0 : i32
    %dma_wait3A_291 = arith.constant 0 : i32
    %dma_wait3A_292 = tpu.memref_slice %arg5[%dma_wait3A_280, %dma_wait3A_290, %dma_wait3A_281, %dma_wait3A_291] : memref<200x4x32x1024xf32, #tpu.memory_space<hbm>> -> memref<1x4x1x1024xf32, #tpu.memory_space<hbm>>
    %dma_wait3A_293 = tpu.memref_squeeze %dma_wait3A_292 : memref<1x4x1x1024xf32, #tpu.memory_space<hbm>> -> memref<4x1024xf32, #tpu.memory_space<hbm>>
    %dma_wait3A_294 = arith.constant 0 : i32
    %dma_wait3A_295 = arith.constant 0 : i32
    %dma_wait3A_296 = tpu.memref_slice %arg8[%dma_wait3A_278, %dma_wait3A_279, %dma_wait3A_294, %dma_wait3A_295] : memref<3x4x4x1024xf32, #tpu.memory_space<vmem>> -> memref<1x1x4x1024xf32, #tpu.memory_space<vmem>>
    %dma_wait3A_297 = tpu.memref_squeeze %dma_wait3A_296 : memref<1x1x4x1024xf32, #tpu.memory_space<vmem>> -> memref<4x1024xf32, #tpu.memory_space<vmem>>
    tpu.wait_dma2 semaphore(%arg11 : memref<!tpu.dma_semaphore, #tpu.memory_space<semaphore_mem>>) src(%dma_wait3A_297 : memref<4x1024xf32, #tpu.memory_space<vmem>>) dst(%dma_wait3A_293 : memref<4x1024xf32, #tpu.memory_space<hbm>>)
    return
  }
}

module attributes {stable_mosaic.version = 14 : i64} {
  func.func @body(%arg0: i32, %arg1: memref<32x8192xf32, #tpu.memory_space<vmem>>, %arg2: memref<2048x128xf32, #tpu.memory_space<vmem>>) attributes {dimension_semantics = [#tpu.dimension_semantics<arbitrary>], iteration_bounds = array<i64: 123>, scalar_prefetch = 0 : i64, scratch_operands = 0 : i64, tpu.core_type = #tpu.core_type<tc>, window_params = [{transform_indices = @transform_0, window_bounds = array<i64: 32, 8192>}, {transform_indices = @transform_1, window_bounds = array<i64: 2048, 128>}]} {
    %get3A = arith.constant 0 : index
    %get3A_0 = arith.constant 0 : index
    %get3A_1 = vector.load %arg1[%get3A, %get3A_0] : memref<32x8192xf32, #tpu.memory_space<vmem>>, vector<32x8192xf32>
    %transpose3A = tpu.transpose %get3A_1, [1, 0] : vector<32x8192xf32> -> vector<8192x32xf32>
    %mul3A = arith.constant 5.65685415 : f32
    %mul3A_2 = vector.broadcast %mul3A : f32 to vector<8192x32xf32>
    %mul3A_3 = arith.mulf %transpose3A, %mul3A_2 : vector<8192x32xf32>
    %slice3A = vector.extract_strided_slice %mul3A_3 {offsets = [0, 0], sizes = [2048, 32], strides = [1, 1]} : vector<8192x32xf32> to vector<2048x32xf32>
    %slice3A_4 = vector.extract_strided_slice %mul3A_3 {offsets = [2048, 0], sizes = [2048, 32], strides = [1, 1]} : vector<8192x32xf32> to vector<2048x32xf32>
    %slice3A_5 = vector.extract_strided_slice %mul3A_3 {offsets = [4096, 0], sizes = [2048, 32], strides = [1, 1]} : vector<8192x32xf32> to vector<2048x32xf32>
    %slice3A_6 = vector.extract_strided_slice %mul3A_3 {offsets = [6144, 0], sizes = [2048, 32], strides = [1, 1]} : vector<8192x32xf32> to vector<2048x32xf32>
    %concatenate3A = tpu.concatenate %slice3A, %slice3A_4, %slice3A_5, %slice3A_6 in 1 : vector<2048x32xf32>, vector<2048x32xf32>, vector<2048x32xf32>, vector<2048x32xf32> -> vector<2048x128xf32>
    %swap3A = arith.constant 0 : index
    %swap3A_7 = arith.constant 0 : index
    %swap3A_8 = vector.load %arg2[%swap3A, %swap3A_7] : memref<2048x128xf32, #tpu.memory_space<vmem>>, vector<2048x128xf32>
    tpu.vector_store %arg2[%swap3A, %swap3A_7], %concatenate3A {strides = array<i32>} : memref<2048x128xf32, #tpu.memory_space<vmem>>, vector<2048x128xf32>,
    return
  }
  func.func @transform_0(%arg0: i32) -> (i32, i32) {
    %c0_i32 = arith.constant 0 : i32
    %c0_i32_0 = arith.constant 0 : i32
    return %c0_i32, %arg0 : i32, i32
  }
  func.func @transform_1(%arg0: i32) -> (i32, i32) {
    %c0_i32 = arith.constant 0 : i32
    %c0_i32_0 = arith.constant 0 : i32
    return %arg0, %c0_i32 : i32, i32
  }
}

</mosaic_0001>

<sc_bundles>
// kernel: kernel.4.cloned.1.call-start
scs
__scs_entry_jumppad:
0x0: {  	(pc) =	sbr.rel $0x88, $3  }
0x1: {  	(tag) =	ssettag $0x0;
	lr =	simm.s32 $0x1  }
0x2: {  	[smem:$0x3F9E] =	sst lr;
	_ =	strace $0xD0000000  }
0x3: {  	_ = 	snop  }
0x4: {  	_ = 	snop  }
0x5: {  	_ = 	snop  }
0x6: {  	_ = 	snop  }
0x7: {  	_ = 	snop  }
__scs_overlays_trampoline_lowered:
0x8: {  	[smem:$0x3FAD] =	sst s0  }
0x9: {  	[smem:$0x3FAE] =	sst s1  }
0xa: {  	[smem:$0x3FAF] =	sst s2  }
0xb: {  	[smem:$0x3FB0] =	sst s3  }
0xc: {  	[smem:$0x3FB1] =	sst s4  }
0xd: {  	[smem:$0x3FB2] =	sst s5  }
0xe: {  	[smem:$0x3FB3] =	sst s6  }
0xf: {  	[smem:$0x3FB4] =	sst s7  }
0x10: {  	[smem:$0x3FB5] =	sst s8  }
0x11: {  	[smem:$0x3FB6] =	sst s9;
	s0 =	simm.s32 @!p0 $0x0  }
0x12: {  	s1 =	sld [smem:$0x3F9C];
	s0 =	simm.s32 @p0 $0x1  }
0x13: {  	[smem:$0x3FB7] =	sst s0;
	s0 =	simm.s32 @!p1 $0x0  }
0x14: {  	s2 =	sld [smem:$0x3F9B];
	s0 =	simm.s32 @p1 $0x1  }
0x15: {  	[smem:$0x3FB8] =	sst s0;
	s0 =	simm.s32 @!p2 $0x0  }
0x16: {  	s3 =	sld [smem:$0x3FDB];
	s0 =	simm.s32 @p2 $0x1  }
0x17: {  	s4 =	simm.s32 $0x1BF5;
	[smem:$0x3FBA] =	sst s0  }
0x18: {  	s0 =	sld [smem:$0x3F9D];
	_ =	swait.ge [sflag:s4], $0x0  }
0x19: {  	s7 =	sld [smem:$0x3F9E]  }
0x1a: {  	s8 =	sadd.s32 $0xFFFFE003, lr  }
0x1b: {  	s9 =	sadd.s32 $0xFFFFFEF7, lr;
	s5 =	simm.s32 $0xFFFFFFFF;
	p2 =	slt.u32 s8, $0xFFFFF086  }
0x1c: {  	p1 =	slt.u32 s9, $0xF7A;
	s5 =	simm.s32 @!p2 $0x0  }
0x1d: {  	s5 =	simm.s32 @p1 $0x1;
	p0 =	seq.s32 s7, s2  }
0x1e: {  	s7 =	smul.u32 @!p0 $0xF7A, s2;
	p2 =	seq.s32 @!p0 s5, $0x0  }
0x1f: {  	s9 =	smul.u32 $0xF7A, s1;
	s8 =	simm.s32 @!p0 $0x1BF5;
	p2 =	por !p2, p0  }
0x20: {  	[sflag:s8] =	ssyncset.s32 @!p0 $0xFFFFF086;
	s6 =	sadd.s32 @!p0 s3, s7;
	s7 =	simm.s32 @!p0 $0x108  }
0x21: {  	s3 =	sadd.s32 s3, s9;
	s6 =	sadd.s32 @!p0 $0x88, s6;
	s7 =	simm.s32 @p2 $0x1082  }
0x22: {  	[simem:s7], [sflag:s8] =	dma.local @!p0 [hbm:s6], $0xF7A  }
0x23: {  	s9 =	sor.u32 $0xD0000000, s2;
	s6 =	simm.s32 $0x108;
	_ =	swait.ge @!p0 [sflag:s8], $0x0  }
0x24: {  	s3 =	sadd.s32 $0x88, s3;
	s6 =	simm.s32 @!p1 $0x1082;
	[sflag:s4] =	ssyncset.s32 $0xFFFFF086  }
0x25: {  	[simem:s6], [sflag:s4] =	dma.local [hbm:s3], $0xF7A  }
0x26: {  	[smem:$0x3F9E] =	sst s1;
	(tag) =	ssettag s2;
	_ =	strace s9  }
0x27: {  	s1 =	sld [smem:$0x3FAE]  }
0x28: {  	s2 =	sld [smem:$0x3FAF]  }
0x29: {  	s4 =	sld [smem:$0x3FB1]  }
0x2a: {  	p0 =	seq.s32 s5, $0x0;
	s5 =	sld [smem:$0x3FB2]  }
0x2b: {  	s6 =	sld [smem:$0x3FB3]  }
0x2c: {  	s7 =	sld [smem:$0x3FB4]  }
0x2d: {  	s3 =	simm.s32 $0x108;
	s8 =	sld [smem:$0x3FB5]  }
0x2e: {  	s3 =	simm.s32 @!p0 $0x1082;
	s9 =	sld [smem:$0x3FB6]  }
0x2f: {  	lr =	sadd.s32 s0, s3;
	s0 =	sld [smem:$0x3FAD]  }
0x30: {  	s3 =	sld [smem:$0x3FB0]  }
0x31: {  	[smem:$0x3FB9] =	sst s10  }
0x32: {  	s10 =	sld [smem:$0x3FB7];
	_ =	sdelay $0x3  }
0x33: {  	p0 =	seq.s32 s10, $0x1;
	s10 =	sld [smem:$0x3FB9];
	_ =	sdelay $0x3  }
0x34: {  	[smem:$0x3FB9] =	sst s10  }
0x35: {  	s10 =	sld [smem:$0x3FB8];
	_ =	sdelay $0x3  }
0x36: {  	p1 =	seq.s32 s10, $0x1;
	s10 =	sld [smem:$0x3FB9];
	_ =	sdelay $0x3  }
0x37: {  	[smem:$0x3FB9] =	sst s10  }
0x38: {  	s10 =	sld [smem:$0x3FBA]  }
0x39: {  	_ = 	snop;
	(pc) =	sbr.ind lr, $3  }
0x3a: {  	_ = 	snop  }
0x3b: {  	_ = 	snop  }
0x3c: {  	p2 =	seq.s32 s10, $0x1;
	s10 =	sld [smem:$0x3FB9]  }
0x3d: {  	_ =	shalt  }
0x3e: {  	_ =	shalt  }
0x3f: {  	_ =	shalt  }
0x40: {  	_ =	shalt  }
0x41: {  	_ =	shalt  }
0x42: {  	_ =	shalt  }
0x43: {  	_ =	shalt  }
0x44: {  	_ =	shalt  }
0x45: {  	_ =	shalt  }
0x46: {  	_ =	shalt  }
0x47: {  	_ =	shalt  }
0x48: {  	_ =	shalt  }
0x49: {  	_ =	shalt  }
0x4a: {  	_ =	shalt  }
0x4b: {  	_ =	shalt  }
0x4c: {  	_ =	shalt  }
0x4d: {  	_ =	shalt  }
0x4e: {  	_ =	shalt  }
0x4f: {  	_ =	shalt  }
0x50: {  	_ =	shalt  }
0x51: {  	_ =	shalt  }
0x52: {  	_ =	shalt  }
0x53: {  	_ =	shalt  }
0x54: {  	_ =	shalt  }
0x55: {  	_ =	shalt  }
0x56: {  	_ =	shalt  }
0x57: {  	_ =	shalt  }
0x58: {  	_ =	shalt  }
0x59: {  	_ =	shalt  }
0x5a: {  	_ =	shalt  }
0x5b: {  	_ =	shalt  }
0x5c: {  	_ =	shalt  }
0x5d: {  	_ =	shalt  }
0x5e: {  	_ =	shalt  }
0x5f: {  	_ =	shalt  }
0x60: {  	_ =	shalt  }
0x61: {  	_ =	shalt  }
0x62: {  	_ =	shalt  }
0x63: {  	_ =	shalt  }
0x64: {  	_ =	shalt  }
0x65: {  	_ =	shalt  }
0x66: {  	_ =	shalt  }
0x67: {  	_ =	shalt  }
0x68: {  	_ =	shalt  }
0x69: {  	_ =	shalt  }
0x6a: {  	_ =	shalt  }
0x6b: {  	_ =	shalt  }
0x6c: {  	_ =	shalt  }
0x6d: {  	_ =	shalt  }
0x6e: {  	_ =	shalt  }
0x6f: {  	_ =	shalt  }
0x70: {  	_ =	shalt  }
0x71: {  	_ =	shalt  }
0x72: {  	_ =	shalt  }
0x73: {  	_ =	shalt  }
0x74: {  	_ =	shalt  }
0x75: {  	_ =	shalt  }
0x76: {  	_ =	shalt  }
0x77: {  	_ =	shalt  }
0x78: {  	_ =	shalt  }
0x79: {  	_ =	shalt  }
0x7a: {  	_ =	shalt  }
0x7b: {  	_ =	shalt  }
0x7c: {  	_ =	shalt  }
0x7d: {  	_ =	shalt  }
0x7e: {  	_ =	shalt  }
0x7f: {  	_ =	shalt  }
0x80: {  	_ =	shalt  }
0x81: {  	_ =	shalt  }
0x82: {  	_ =	shalt  }
0x83: {  	_ =	shalt  }
0x84: {  	_ =	shalt  }
0x85: {  	_ =	shalt  }
0x86: {  	_ =	shalt  }
0x87: {  	_ =	shalt  }
.Lfunc_end0:
.L_simem_size_0:
called_computation_lowered:
.L_overlay_start_0:
0x88: {  	s2 =	sld [smem:$0x3FD9]  }
0x89: {  	s3 =	sld [smem:$0x3FFE];
	_ =	sdelay $0x1  }
0x8a: {  	s1 =	srdreg.scid  }
0x8b: {  	s0 =	sand.u32 $0x1, s1  }
0x8c: {  	s17 =	sshll.u32 s0, $0xA;
	s2 =	sadd.s32 s3, s2  }
0x8d: {  	s2 =	sadd.s32 s2, s17  }
0x8e: {  	[smem:$0x3FC5] =	sst s2  }
0x8f: {  	_ = 	snop  }
0x90: {  	s2 =	sld [smem:$0x3FC9]  }
0x91: {  	s18 =	sld [smem:$0x3FC8]  }
0x92: {  	s4 =	sld [smem:$0x3FD0];
	(tm) =	ssettm $0x1  }
0x93: {  	s5 =	sld [smem:$0x3FFB];
	_ =	sdelay $0x3  }
0x94: {  	_ =	strace s5  }
0x95: {  	s5 =	sld [smem:$0x3FFC];
	_ =	sdelay $0x3  }
0x96: {  	_ =	strace s5  }
0x97: {  	s5 =	sld [smem:$0x3FFD];
	_ =	sdelay $0x3  }
0x98: {  	_ =	strace s5  }
0x99: {  	_ =	strace $0x8FFFFFFF  }
0x9a: {  	s19 =	sld [smem:$0x3FDB];
	_ =	sdelay $0x1  }
0x9b: {  	s6 =	simm.s32 $_scs_section_size  }
0x9c: {  	s7 =	simm.s32 $_size__tile_overlayer_lowered;
	s8 =	simm.s32 $_tile_overlayer_lowered  }
0x9d: {  	s22 =	simm.s32 $0x1BFF;
	s21 =	sshll.u32 s8, $0x1;
	s5 =	sadd.s32 s6, s19  }
0x9e: {  	s9 =	simm.s32 $0x0;
	s20 =	sshll.u32 s7, $0x1;
	s7 =	sadd.s32 s21, s5  }
0x9f: {  	[timem:s9], [sflag:s22] =	dma.local [hbm:s7], s20  }
0xa0: {  	_ =	swait.ge [sflag:s22], s20  }
0xa1: {  	s6 =	ssub.s32 $0x0, s20;
	[sflag:s22] =	ssyncset.done $0x0  }
0xa2: {  	[sflag:s22] =	ssyncadd.s32 s6;
	_ =	sdelay $0x1  }
0xa3: {  	s23 =	simm.s32 $0x1B8B  }
0xa4: {  	_ =	swait.ge [sflag:s23], $0x1  }
0xa5: {  	[sflag:s23] =	ssyncset.done $0x0  }
0xa6: {  	s25 =	simm.s32 $0x1B8E;
	s24 =	sld [smem:$0x3FFE];
	[sflag:s23] =	ssyncadd.s32 $0xFFFFFFFF  }
0xa7: {  	s26 =	simm.s32 $execute0_lowered;
	[smem:$0x3FD2] =	sst s25  }
0xa8: {  	s7 =	sshll.u32 s26, $0x1;
	_ =	strace $0x80000046;
	[dreg:$0x1] =	wrdreg $0xFFFFFFFF  }
0xa9: {  	s28 =	simm.s32 $_size_execute0_lowered;
	s5 =	sadd.s32 s5, s7;
	[dreg:$0x0] =	wrdreg $0x0  }
0xaa: {  	s7 =	sshll.u32 s28, $0x1;
	[dreg:$0x2] =	wrdreg s5  }
0xab: {  	[dreg:$0x3] =	wrdreg s7  }
0xac: {  	[dreg:$0x4] =	wrdreg $0xC0  }
0xad: {  	_ =	task [dreg:s9], $0x5FFFF  }
0xae: {  	[dreg:$0x1] =	wrdreg $0xFFFFFFFF  }
0xaf: {  	[dreg:$0x0] =	wrdreg $0x60  }
0xb0: {  	[dreg:$0x2] =	wrdreg s2  }
0xb1: {  	[dreg:$0x3] =	wrdreg s18  }
0xb2: {  	[dreg:$0x4] =	wrdreg s24  }
0xb3: {  	[dreg:$0x5] =	wrdreg s4  }
0xb4: {  	[dreg:$0x6] =	wrdreg $0x9  }
0xb5: {  	_ =	task.clear_ibuf [dreg:s9], $0x7FFFF;
	_ =	strace $0x90000046  }
0xb6: {  	s29 =	simm.s32 $0x9;
	_ =	strace $0x80000048  }
0xb7: {  	_ =	swait.ge [sflag:s29], $0x1  }
0xb8: {  	[sflag:s29] =	ssyncadd.s32 $0xFFFFFFFF  }
0xb9: {  	_ =	strace $0x90000048  }
0xba: {  	_ =	sfence  }
0xbb: {  	s30 =	sld [smem:$0x0];
	_ =	sdelay $0x2  }
0xbc: {  	s31 =	sshll.u32 s1, $0xD;
	s1 =	sshrl.u32 s1, $0x2  }
0xbd: {  	s3 =	sand.u32 $0x4000, s31;
	s1 =	sadd.s32 s1, s30  }
0xbe: {  	s0 =	sor.u32 s3, s0;
	s1 =	sshll.u32 s1, $0x11  }
0xbf: {  	s0 =	sor.u32 s1, s0  }
0xc0: {  	s0 =	sadd.s32 $0x8F2B, s0  }
0xc1: {  	[sflag:s0] =	ssyncadd.remote.s32 $0x1  }
0xc2: {  	_ =	sfence.sel $0xFFFF  }
0xc3: {  	[dreg:$0x0] =	wrdreg $0xFFFFFFFF;
	(pc) =	sbr.abs _section_cstart, $3  }
0xc4: {  	[dreg:$0x1] =	wrdreg $0xFFFFFFFF  }
0xc5: {  	_ =	task.clear_ibuf [dreg:s9], $0x2FFFF;
	_ =	strace $0x9FFFFFFF  }
0xc6: {  	(tm) =	ssettm $0x7FFFFFFF  }
0xc7: {  	_ =	shalt  }
tec
execute0_lowered:
.L_overlay_start_1:
0x0: {  	(tag) =	ssettag $0x1  }
0x1: {  	s1 =	rddreg [dreg:$0x0]  }
0x2: {  	s0 =	rddreg [dreg:$0x1]  }
0x3: {  	s2 =	rddreg [dreg:$0x2]  }
0x4: {  	s3 =	rddreg [dreg:$0x3]  }
0x5: {  	s4 =	srdreg.scid;
	s5 =	stileid.u32  }
0x6: {  	s16 =	simm.s32 $0x400;
	s17 =	simm.s32 $0x8000;
	s18 =	simm.s32 $0x4  }
0x7: {  	s19 =	simm.s32 $0x80;
	s30 =	simm.s32 $0x15400;
	s31 =	simm.s32 $0x1  }
0x8: {  	s20 =	simm.s32 $0x0;
	s6 =	sand.u32 $0x1, s4;
	s4 =	simm.s32 $0x0  }
0x9: {  	v0 =	vlaneseq.u32;
	s5 =	sshll.u32 s5, $0xB;
	s12 =	sadd.s32 $0x4000, s3;
	s13 =	sadd.s32 $0x8000, s3  }
0xa: {  	s14 =	sadd.s32 $0xC000, s3;
	v1 =	vmul.u32 $0x20, v0;
	s7 =	sshll.u32 s6, $0xA;
	[smem:$0x7FF] =	sst s4  }
0xb: {  	v2 =	vand.u32 $0x7, v0;
	v3 =	vor.u32 $0x10, v0;
	v5 =	vor.u32 $0x20, v0;
	s8 =	ssub.s32 $0x2, s6;
	s6 =	sadd.s32 $0x400, s2;
	s5 =	sor.u32 s7, s5  }
0xc: {  	v7 =	vor.u32 $0x30, v0;
	v9 =	vor.u32 $0x40, v0;
	v11 =	vor.u32 $0x50, v0;
	_ =	strace $0x80000047;
	s29 =	sshrl.u32 s8, $0x1;
	s9 =	sshrl.u32 s5, $0x3  }
0xd: {  	v13 =	vor.u32 $0x60, v0;
	v15 =	vor.u32 $0x70, v0;
	v4 =	vor.u32 $0x200, v1;
	s2 =	ssub.s32 s8, s29;
	s7 =	sadd.s32 s1, s9;
	s8 =	sadd.s32 s0, s9  }
0xe: {  	v6 =	vor.u32 $0x400, v1;
	v8 =	vor.u32 $0x600, v1;
	v10 =	vor.u32 $0x800, v1;
	s15 =	smax.u32 s2, $0x1;
	s0 =	simm.s32 $0x2;
	s2 =	simm.s32 $0x3  }
0xf: {  	v12 =	vor.u32 $0xA00, v1;
	v14 =	vor.u32 $0xC00, v1;
	v16 =	vor.u32 $0xE00, v1;
	s9 =	sadd.s32 $0x4000, s7;
	s10 =	sadd.s32 $0x8000, s7;
	s11 =	sadd.s32 $0xC000, s7  }
.LBB2_1:
0x10: {  	[tilespmem:s4], [sflag:$0x4] =	stream.strided.gather [hbm4b:s8+s16], $0x6400, s17, s16, $0x38;
	[tilespmem:$0x1E400] =	vst v63  }
0x11: {  	_ =	swait.ge [sflag:s18], $0x6400  }
0x12: {  	[sflag:s18] =	ssyncset.done $0x0  }
0x13: {  	s21 =	sand.u32 $0x7FF0, s4;
	[sflag:s18] =	ssyncadd.s32 $0xFFFF9C00  }
0x14: {  	v17 =	vld [tilespmem:s21+$0x0];
	_ =	sdelay $0x2  }
0x15: {  	s22 =	simm.s32 $0x10  }
.LBB2_2:
0x16: {  	p0 =	sne.s32 s22, $0x63F0  }
.Ltmp0:
0x17: {  	s23 =	sand.u32 $0x7FF0, s22;
	s22 =	sadd.s32 $0x10, s22;
	v18 =	vshll.u32 v17, $0x2;
	(pc) =	sbr.rel @p0 .LBB2_2-.Ltmp0, $4  }
0x18: {  	v19 =	vand.u32 $0xFFFFE000, v17;
	v20 =	vshrl.u32 v17, $0xB;
	v18 =	vand.u32 $0x1FFC, v18;
	v17 =	vld [tilespmem:s23+$0x0]  }
0x19: {  	v18 =	vor.u32 v19, v18;
	v19 =	vand.u32 $0x3, v20  }
0x1a: {  	v18 =	vor.u32 v19, v18  }
0x1b: {  	[tilespmem:s21+$0x0] =	vst v18;
	s21 =	smov.u32 s23  }
0x1c: {  	_ = 	snop  }
0x1d: {  	v18 =	vshll.u32 v17, $0x2  }
0x1e: {  	v19 =	vand.u32 $0xFFFFE000, v17;
	v17 =	vshrl.u32 v17, $0xB;
	v18 =	vand.u32 $0x1FFC, v18  }
0x1f: {  	v17 =	vand.u32 $0x3, v17;
	v18 =	vor.u32 v19, v18  }
0x20: {  	v17 =	vor.u32 v17, v18  }
0x21: {  	s22 =	simm.s32 $0x6400;
	[tilespmem:s21+$0x0] =	vst v17;
	s21 =	simm.s32 $0x0  }
0x22: {  	[tilespmem:s22], [sflag:$0x1] =	stream.indirect.gather [hbm4b:s6+s19], $0x20, s21, s19, $0xb8;
	[tilespmem:$0x1E400] =	vst v63  }
0x23: {  	s29 =	simm.s32 $0x12400  }
0x24: {  	[tilespmem:s29], [sflag:$0x2] =	stream.strided.gather [hbm4b:s7+s16], $0x1000, s17, s16, $0x38;
	[tilespmem:$0x1E400] =	vst v63  }
0x25: {  	s23 =	simm.s32 $0x7400  }
0x26: {  	[tilespmem:s23], [sflag:$0x1] =	stream.indirect.gather [hbm4b:s6+s19], $0x20, s19, s19, $0xb8;
	[tilespmem:$0x1E400] =	vst v63  }
0x27: {  	s24 =	simm.s32 $0x13400  }
0x28: {  	[tilespmem:s24], [sflag:$0x2] =	stream.strided.gather [hbm4b:s9+s16], $0x1000, s17, s16, $0x38;
	[tilespmem:$0x1E400] =	vst v63  }
0x29: {  	s25 =	simm.s32 $0x100;
	s23 =	simm.s32 $0x8400  }
0x2a: {  	[tilespmem:s23], [sflag:$0x1] =	stream.indirect.gather [hbm4b:s6+s19], $0x20, s25, s19, $0xb8;
	[tilespmem:$0x1E400] =	vst v63  }
0x2b: {  	s26 =	simm.s32 $0x14400  }
0x2c: {  	[tilespmem:s26], [sflag:$0x2] =	stream.strided.gather [hbm4b:s10+s16], $0x1000, s17, s16, $0x38;
	[tilespmem:$0x1E400] =	vst v63  }
0x2d: {  	s28 =	simm.s32 $0x180;
	s29 =	simm.s32 $0x9400  }
0x2e: {  	[tilespmem:s29], [sflag:$0x1] =	stream.indirect.gather [hbm4b:s6+s19], $0x20, s28, s19, $0xb8;
	[tilespmem:$0x1E400] =	vst v63  }
0x2f: {  	_ = 	snop  }
0x30: {  	[tilespmem:s30], [sflag:$0x2] =	stream.strided.gather [hbm4b:s11+s16], $0x1000, s17, s16, $0x38;
	[tilespmem:$0x1E400] =	vst v63  }
.LBB2_4:
0x31: {  	p0 =	slt.u32 s21, $0x2  }
0x32: {  	s22 =	simm.s32 @!p0 $0x3  }
0x33: {  	_ =	swait.ge @!p0 [sflag:s22], $0x1000  }
0x34: {  	[sflag:s22] =	ssyncset.done @!p0 $0x0  }
0x35: {  	[sflag:s22] =	ssyncadd.s32 @!p0 $0xFFFFF000  }
0x36: {  	_ =	swait.ge @!p0 [sflag:s22], $0x1000  }
0x37: {  	[sflag:s22] =	ssyncset.done @!p0 $0x0  }
0x38: {  	p1 =	seq.s32 @!p0 s21, $0x31;
	[sflag:s22] =	ssyncadd.s32 @!p0 $0xFFFFF000  }
0x39: {  	p1 =	por p0, !p1;
	_ =	swait.ge @!p0 [sflag:s22], $0x1000  }
.Ltmp1:
0x3a: {  	[sflag:s22] =	ssyncset.done @!p0 $0x0;
	(pc) =	sbr.rel @!p1 .LBB2_6-.Ltmp1, $4  }
0x3b: {  	[sflag:s22] =	ssyncadd.s32 @!p0 $0xFFFFF000  }
0x3c: {  	_ =	swait.ge @!p0 [sflag:s22], $0x1000  }
0x3d: {  	[sflag:s22] =	ssyncset.done @!p0 $0x0  }
0x3e: {  	[sflag:s22] =	ssyncadd.s32 @!p0 $0xFFFFF000;
	s22 =	simm.s32 @!p0 $0x32  }
0x3f: {  	s22 =	sadd.s32 $0x1, s21  }
0x40: {  	s23 =	smul.u32 $0xAB, s22;
	_ =	sdelay $0x1  }
0x41: {  	s23 =	sshrl.u32 s23, $0x9  }
0x42: {  	s23 =	sand.u32 $0x7F, s23  }
0x43: {  	s23 =	smul.u32 $0x3, s23;
	_ =	sdelay $0x1  }
0x44: {  	s23 =	ssub.s32 s22, s23  }
0x45: {  	s23 =	sand.u32 $0xFF, s23  }
0x46: {  	s24 =	sshll.u32 s22, $0x9;
	s23 =	sshll.u32 s23, $0xE  }
0x47: {  	s28 =	sshll.u32 s22, $0x13;
	s26 =	sand.u32 $0xFE00, s24;
	s25 =	sadd.s32 $0x6400, s23  }
0x48: {  	[tilespmem:s25], [sflag:$0x1] =	stream.indirect.gather [hbm4b:s6+s19], $0x20, s26, s19, $0xb8;
	[tilespmem:$0x1E400] =	vst v63  }
0x49: {  	s25 =	sor.u32 s5, s28  }
0x4a: {  	s25 =	sshrl.u32 s25, $0x3  }
0x4b: {  	s26 =	sshll.u32 s22, $0x2;
	s28 =	sor.u32 $0x12400, s23;
	s25 =	sadd.s32 s1, s25  }
0x4c: {  	[tilespmem:s28], [sflag:$0x2] =	stream.strided.gather [hbm4b:s25+s16], $0x1000, s17, s16, $0x38;
	[tilespmem:$0x1E400] =	vst v63  }
0x4d: {  	s25 =	sor.u32 $0x1, s26  }
0x4e: {  	s29 =	sshll.u32 s25, $0x7;
	s25 =	sshll.u32 s25, $0x11  }
0x4f: {  	s24 =	sand.u32 $0xFC00, s24;
	s28 =	sand.u32 $0x280, s29;
	s25 =	sor.u32 s5, s25  }
0x50: {  	s29 =	sadd.s32 $0x7400, s23;
	s28 =	sor.u32 s28, s24;
	s25 =	sshrl.u32 s25, $0x3  }
0x51: {  	[tilespmem:s29], [sflag:$0x1] =	stream.indirect.gather [hbm4b:s6+s19], $0x20, s28, s19, $0xb8;
	[tilespmem:$0x1E400] =	vst v63  }
0x52: {  	s29 =	sor.u32 $0x13400, s23;
	s25 =	sadd.s32 s1, s25  }
0x53: {  	[tilespmem:s29], [sflag:$0x2] =	stream.strided.gather [hbm4b:s25+s16], $0x1000, s17, s16, $0x38;
	[tilespmem:$0x1E400] =	vst v63  }
0x54: {  	s25 =	sor.u32 $0x2, s26  }
0x55: {  	s26 =	sshll.u32 s25, $0x7;
	s25 =	sshll.u32 s25, $0x11  }
0x56: {  	s26 =	sand.u32 $0x300, s26;
	s25 =	sor.u32 s5, s25  }
0x57: {  	s29 =	sadd.s32 $0x8400, s23;
	s26 =	sor.u32 s26, s24;
	s25 =	sshrl.u32 s25, $0x3  }
0x58: {  	[tilespmem:s29], [sflag:$0x1] =	stream.indirect.gather [hbm4b:s6+s19], $0x20, s26, s19, $0xb8;
	[tilespmem:$0x1E400] =	vst v63  }
0x59: {  	s29 =	sadd.s32 $0x14400, s23;
	s25 =	sadd.s32 s1, s25  }
0x5a: {  	[tilespmem:s29], [sflag:$0x2] =	stream.strided.gather [hbm4b:s25+s16], $0x1000, s17, s16, $0x38;
	[tilespmem:$0x1E400] =	vst v63  }
0x5b: {  	s25 =	sshllo.u32 s22, $0x2  }
0x5c: {  	s28 =	sshll.u32 s25, $0x7  }
0x5d: {  	s26 =	sand.u32 $0x380, s28  }
0x5e: {  	s29 =	sadd.s32 $0x9400, s23;
	s24 =	sor.u32 s26, s24  }
0x5f: {  	[tilespmem:s29], [sflag:$0x1] =	stream.indirect.gather [hbm4b:s6+s19], $0x20, s24, s19, $0xb8;
	[tilespmem:$0x1E400] =	vst v63  }
0x60: {  	s29 =	sshll.u32 s25, $0x11  }
0x61: {  	s24 =	sor.u32 s5, s29  }
0x62: {  	s24 =	sshrl.u32 s24, $0x3  }
0x63: {  	s23 =	sadd.s32 $0x15400, s23;
	s24 =	sadd.s32 s1, s24  }
0x64: {  	[tilespmem:s23], [sflag:$0x2] =	stream.strided.gather [hbm4b:s24+s16], $0x1000, s17, s16, $0x38;
	[tilespmem:$0x1E400] =	vst v63  }
.LBB2_6:
0x65: {  	s23 =	smul.u32 $0xAB, s21;
	_ =	sdelay $0x1  }
0x66: {  	s24 =	simm.s32 $0x0;
	s23 =	sshrl.u32 s23, $0x9  }
0x67: {  	v17 =	vadd.s32 s24, v0;
	s23 =	sand.u32 $0x7F, s23  }
0x68: {  	_ =	swait.ge [sflag:s31], $0x1000;
	v25 =	vand.u32 $0x1F, v17;
	s23 =	smul.u32 $0x3, s23  }
0x69: {  	[sflag:s31] =	ssyncset.done $0x0;
	v19 =	vor.u32 v1, v25  }
0x6a: {  	[sflag:s31] =	ssyncadd.s32 $0xFFFFF000;
	s23 =	ssub.s32 s21, s23  }
0x6b: {  	v17 =	vshll.u32 v17, $0x7;
	_ =	swait.ge [sflag:s0], $0x1000;
	s23 =	sand.u32 $0xFF, s23  }
0x6c: {  	v18 =	vor.u32 v0, v17;
	v20 =	vand.u32 $0xC00, v17;
	[sflag:s0] =	ssyncset.done $0x0;
	s24 =	sshll.u32 s23, $0xE  }
0x6d: {  	v21 =	vand.u32 $0x388, v18;
	v18 =	vor.u32 v2, v20;
	[sflag:s0] =	ssyncadd.s32 $0xFFFFF000;
	s25 =	sadd.s32 $0x6400, s24  }
0x6e: {  	v20 =	vor.u32 v21, v18;
	v19 =	vld.idx.msk [tilespmem:v19+s25+$0x0], $0xffff  }
0x6f: {  	v21 =	vor.u32 v4, v25;
	_ =	sdelay $0x2  }
0x70: {  	v22 =	vor.u32 v3, v17;
	s23 =	sadd.s32 $0x12400, s24  }
0x71: {  	[tilespmem:v20+s23+$0x0] =	vst.idx.add.f32.msk $0xffff, v19;
	v19 =	vand.u32 $0x398, v22  }
0x72: {  	s26 =	simm.s32 $0x1;
	v22 =	vld.idx.msk [tilespmem:v21+s25+$0x0], $0xffff;
	v19 =	vor.u32 v19, v18  }
0x73: {  	v23 =	vor.u32 v6, v25;
	v20 =	vadd.s32 s26, v0  }
0x74: {  	v21 =	vand.u32 $0x1F, v20  }
0x75: {  	v24 =	vor.u32 v1, v21  }
0x76: {  	v26 =	vor.u32 v5, v17  }
0x77: {  	v20 =	vshll.u32 v20, $0x7;
	[tilespmem:v19+s23+$0x0] =	vst.idx.add.f32.msk $0xffff, v22;
	v19 =	vand.u32 $0x3A8, v26  }
0x78: {  	v22 =	vor.u32 v0, v20;
	v26 =	vand.u32 $0xC00, v20;
	v27 =	vld.idx.msk [tilespmem:v23+s25+$0x0], $0xffff;
	v28 =	vor.u32 v19, v18  }
0x79: {  	v22 =	vand.u32 $0x388, v22;
	v19 =	vor.u32 v2, v26;
	v26 =	vor.u32 v8, v25  }
0x7a: {  	s28 =	simm.s32 $0x2;
	v24 =	vld.idx.msk [tilespmem:v24+s25+$0x0], $0xffff;
	v22 =	vor.u32 v22, v19  }
0x7b: {  	v29 =	vadd.s32 s28, v0;
	v30 =	vor.u32 v4, v21  }
0x7c: {  	v31 =	vor.u32 v7, v17;
	v23 =	vand.u32 $0x1F, v29  }
0x7d: {  	v32 =	vor.u32 v1, v23;
	[tilespmem:v28+s23+$0x0] =	vst.idx.add.f32.msk $0xffff, v27;
	v27 =	vand.u32 $0x3B8, v31  }
0x7e: {  	v28 =	vor.u32 v3, v20;
	v26 =	vld.idx.msk [tilespmem:v26+s25+$0x0], $0xffff;
	v27 =	vor.u32 v27, v18  }
0x7f: {  	[tilespmem:v22+s23+$0x0] =	vst.idx.add.f32.msk $0xffff, v24;
	v24 =	vand.u32 $0x398, v28;
	v28 =	vor.u32 v10, v25  }
0x80: {  	v22 =	vshll.u32 v29, $0x7;
	v29 =	vld.idx.msk [tilespmem:v30+s25+$0x0], $0xffff;
	v30 =	vor.u32 v24, v19  }
0x81: {  	v33 =	vor.u32 v6, v21;
	v24 =	vor.u32 v0, v22;
	v31 =	vand.u32 $0xC00, v22  }
0x82: {  	v32 =	vld.idx.msk [tilespmem:v32+s25+$0x0], $0xffff;
	v34 =	vand.u32 $0x388, v24;
	v24 =	vor.u32 v2, v31;
	v31 =	vor.u32 v9, v17  }
0x83: {  	v34 =	vor.u32 v34, v24;
	[tilespmem:v27+s23+$0x0] =	vst.idx.add.f32.msk $0xffff, v26;
	v26 =	vand.u32 $0x3C8, v31  }
0x84: {  	v27 =	vor.u32 v5, v20;
	v28 =	vld.idx.msk [tilespmem:v28+s25+$0x0], $0xffff;
	v26 =	vor.u32 v26, v18  }
0x85: {  	[tilespmem:v30+s23+$0x0] =	vst.idx.add.f32.msk $0xffff, v29;
	v27 =	vand.u32 $0x3A8, v27;
	v29 =	vor.u32 v12, v25  }
0x86: {  	s29 =	simm.s32 $0x3;
	v30 =	vld.idx.msk [tilespmem:v33+s25+$0x0], $0xffff;
	v31 =	vor.u32 v27, v19  }
0x87: {  	v36 =	vadd.s32 s29, v0;
	v35 =	vor.u32 v8, v21  }
0x88: {  	v61 =	vor.u32 v11, v17;
	v60 =	vor.u32 v4, v23;
	v27 =	vand.u32 $0x1F, v36;
	[tilespmem:v34+s23+$0x0] =	vst.idx.add.f32.msk $0xffff, v32  }
0x89: {  	[tilespmem:v26+s23+$0x0] =	vst.idx.add.f32.msk $0xffff, v28;
	v28 =	vor.u32 v1, v27;
	v26 =	vand.u32 $0x3D8, v61  }
0x8a: {  	v39 =	vld.idx.msk [tilespmem:v29+s25+$0x0], $0xffff;
	v29 =	vor.u32 v7, v20;
	v40 =	vor.u32 v26, v18  }
0x8b: {  	v62 =	vor.u32 v3, v22;
	v33 =	vor.u32 v14, v25;
	[tilespmem:v31+s23+$0x0] =	vst.idx.add.f32.msk $0xffff, v30;
	v30 =	vand.u32 $0x3B8, v29  }
0x8c: {  	v63 =	vand.u32 $0x398, v62;
	v29 =	vld.idx.msk [tilespmem:v35+s25+$0x0], $0xffff;
	v31 =	vor.u32 v30, v19  }
0x8d: {  	v34 =	vor.u32 v13, v17;
	v32 =	vld.idx.msk [tilespmem:v60+s25+$0x0], $0xffff;
	v26 =	vshll.u32 v36, $0x7;
	v30 =	vor.u32 v10, v21  }
0x8e: {  	v36 =	vor.u32 v63, v24;
	v37 =	vor.u32 v0, v26;
	v35 =	vld.idx.msk [tilespmem:v28+s25+$0x0], $0xffff;
	v28 =	vand.u32 $0xC00, v26  }
0x8f: {  	s26 =	simm.s32 $0x4;
	v38 =	vand.u32 $0x388, v37;
	v37 =	vor.u32 v6, v23;
	v28 =	vor.u32 v2, v28;
	[tilespmem:v40+s23+$0x0] =	vst.idx.add.f32.msk $0xffff, v39  }
.LBB2_7:
0x90: {  	p0 =	sne.s32 s26, $0x1F;
	v38 =	vor.u32 v38, v28;
	v33 =	vld.idx.msk [tilespmem:v33+s25+$0x0], $0xffff;
	v34 =	vand.u32 $0x3E8, v34  }
0x91: {  	[tilespmem:v31+s23+$0x0] =	vst.idx.add.f32.msk $0xffff, v29;
	v29 =	vor.u32 v9, v20;
	v31 =	vor.u32 v34, v18  }
0x92: {  	v34 =	vor.u32 v16, v25;
	v25 =	vmovc v21;
	v21 =	vmovc v23;
	v23 =	vmov v27;
	v30 =	vld.idx.msk [tilespmem:v30+s25+$0x0], $0xffff;
	v29 =	vand.u32 $0x3C8, v29  }
0x93: {  	v27 =	vor.u32 v5, v22;
	[tilespmem:v36+s23+$0x0] =	vst.idx.add.f32.msk $0xffff, v32;
	v29 =	vor.u32 v29, v19  }
0x94: {  	v27 =	vand.u32 $0x3A8, v27;
	v36 =	vor.u32 v12, v25;
	v32 =	vld.idx.msk [tilespmem:v37+s25+$0x0], $0xffff  }
0x95: {  	[tilespmem:v38+s23+$0x0] =	vst.idx.add.f32.msk $0xffff, v35;
	v35 =	vor.u32 v27, v24  }
0x96: {  	v37 =	vor.u32 v8, v21;
	v27 =	vor.u32 v15, v17;
	v17 =	vmov v20;
	[tilespmem:v31+s23+$0x0] =	vst.idx.add.f32.msk $0xffff, v33  }
0x97: {  	v38 =	vor.u32 v4, v23;
	v20 =	vmovc v22;
	v22 =	vmovc v26;
	v31 =	vadd.s32 s26, v0;
	v33 =	vand.u32 $0x3F8, v27;
	v39 =	vld.idx.msk [tilespmem:v34+s25+$0x0], $0xffff  }
0x98: {  	v26 =	vor.u32 v11, v17;
	v27 =	vand.u32 $0x1F, v31;
	v40 =	vor.u32 v33, v18;
	[tilespmem:v29+s23+$0x0] =	vst.idx.add.f32.msk $0xffff, v30  }
0x99: {  	v26 =	vand.u32 $0x3D8, v26;
	v18 =	vmovc v19;
	v19 =	vmovc v24;
	v24 =	vmov v28;
	v41 =	vor.u32 v1, v27;
	v42 =	vld.idx.msk [tilespmem:v36+s25+$0x0], $0xffff  }
0x9a: {  	v28 =	vor.u32 v7, v20;
	v43 =	vor.u32 v26, v18;
	[tilespmem:v35+s23+$0x0] =	vst.idx.add.f32.msk $0xffff, v32  }
.Ltmp2:
0x9b: {  	v33 =	vor.u32 v14, v25;
	v28 =	vand.u32 $0x3B8, v28;
	v29 =	vld.idx.msk [tilespmem:v37+s25+$0x0], $0xffff;
	(pc) =	sbr.rel @p0 .LBB2_7-.Ltmp2, $4  }
0x9c: {  	v26 =	vshll.u32 v31, $0x7;
	v30 =	vor.u32 v3, v22;
	v31 =	vor.u32 v28, v19;
	v32 =	vld.idx.msk [tilespmem:v38+s25+$0x0], $0xffff  }
0x9d: {  	v34 =	vor.u32 v13, v17;
	v28 =	vand.u32 $0x398, v30;
	v30 =	vor.u32 v10, v21;
	[tilespmem:v40+s23+$0x0] =	vst.idx.add.f32.msk $0xffff, v39  }
0x9e: {  	v36 =	vor.u32 v28, v24;
	v37 =	vor.u32 v0, v26;
	v39 =	vand.u32 $0xC00, v26;
	v35 =	vld.idx.msk [tilespmem:v41+s25+$0x0], $0xffff  }
0x9f: {  	s26 =	sadd.s32 $0x1, s26;
	v38 =	vand.u32 $0x388, v37;
	v37 =	vor.u32 v6, v23;
	v28 =	vor.u32 v2, v39;
	[tilespmem:v43+s23+$0x0] =	vst.idx.add.f32.msk $0xffff, v42  }
0xa0: {  	v38 =	vor.u32 v38, v28  }
0xa1: {  	v39 =	vor.u32 v4, v27;
	_ =	sdelay $0x2  }
0xa2: {  	v40 =	vor.u32 v3, v26  }
0xa3: {  	v44 =	vand.u32 $0x398, v40;
	[tilespmem:v38+s23+$0x0] =	vst.idx.add.f32.msk $0xffff, v35  }
0xa4: {  	v46 =	vor.u32 v5, v22;
	v35 =	vor.u32 v44, v28;
	v38 =	vld.idx.msk [tilespmem:v39+s25+$0x0], $0xffff  }
0xa5: {  	v45 =	vor.u32 v6, v27;
	[tilespmem:v36+s23+$0x0] =	vst.idx.add.f32.msk $0xffff, v32;
	v47 =	vand.u32 $0x3A8, v46  }
0xa6: {  	v36 =	vld.idx.msk [tilespmem:v37+s25+$0x0], $0xffff;
	v32 =	vor.u32 v47, v24  }
0xa7: {  	v33 =	vld.idx.msk [tilespmem:v33+s25+$0x0], $0xffff;
	v49 =	vor.u32 v8, v23  }
0xa8: {  	v48 =	vor.u32 v5, v26;
	v34 =	vand.u32 $0x3E8, v34;
	[tilespmem:v31+s23+$0x0] =	vst.idx.add.f32.msk $0xffff, v29  }
0xa9: {  	v50 =	vand.u32 $0x3A8, v48;
	v31 =	vor.u32 v34, v18;
	[tilespmem:v35+s23+$0x0] =	vst.idx.add.f32.msk $0xffff, v38  }
0xaa: {  	v52 =	vor.u32 v7, v22;
	v35 =	vor.u32 v50, v28;
	v51 =	vld.idx.msk [tilespmem:v45+s25+$0x0], $0xffff  }
0xab: {  	v29 =	vor.u32 v8, v27;
	v53 =	vand.u32 $0x3B8, v52;
	[tilespmem:v32+s23+$0x0] =	vst.idx.add.f32.msk $0xffff, v36  }
0xac: {  	v58 =	vor.u32 v9, v20;
	v32 =	vor.u32 v53, v24;
	v54 =	vld.idx.msk [tilespmem:v49+s25+$0x0], $0xffff  }
0xad: {  	v56 =	vor.u32 v10, v23;
	v30 =	vld.idx.msk [tilespmem:v30+s25+$0x0], $0xffff;
	v36 =	vand.u32 $0x3C8, v58  }
0xae: {  	v55 =	vor.u32 v7, v26;
	[tilespmem:v31+s23+$0x0] =	vst.idx.add.f32.msk $0xffff, v33;
	v59 =	vor.u32 v36, v19  }
0xaf: {  	v61 =	vor.u32 v12, v21;
	v57 =	vand.u32 $0x3B8, v55;
	[tilespmem:v35+s23+$0x0] =	vst.idx.add.f32.msk $0xffff, v51  }
0xb0: {  	v60 =	vor.u32 v9, v22;
	v35 =	vor.u32 v57, v28;
	v29 =	vld.idx.msk [tilespmem:v29+s25+$0x0], $0xffff  }
0xb1: {  	v62 =	vand.u32 $0x3C8, v60;
	v31 =	vor.u32 v10, v27;
	[tilespmem:v32+s23+$0x0] =	vst.idx.add.f32.msk $0xffff, v54  }
0xb2: {  	v32 =	vor.u32 v62, v24;
	v34 =	vld.idx.msk [tilespmem:v56+s25+$0x0], $0xffff  }
0xb3: {  	v41 =	vor.u32 v11, v20;
	v40 =	vor.u32 v12, v23;
	[tilespmem:v59+s23+$0x0] =	vst.idx.add.f32.msk $0xffff, v30  }
0xb4: {  	v63 =	vor.u32 v9, v26;
	v30 =	vand.u32 $0x3D8, v41;
	v43 =	vld.idx.msk [tilespmem:v61+s25+$0x0], $0xffff  }
0xb5: {  	v30 =	vor.u32 v30, v19;
	[tilespmem:v35+s23+$0x0] =	vst.idx.add.f32.msk $0xffff, v29;
	v29 =	vand.u32 $0x3C8, v63  }
0xb6: {  	v44 =	vor.u32 v11, v22;
	v31 =	vld.idx.msk [tilespmem:v31+s25+$0x0], $0xffff;
	v29 =	vor.u32 v29, v28  }
0xb7: {  	v42 =	vor.u32 v12, v27;
	v46 =	vand.u32 $0x3D8, v44;
	[tilespmem:v32+s23+$0x0] =	vst.idx.add.f32.msk $0xffff, v34  }
0xb8: {  	v32 =	vor.u32 v46, v24;
	v34 =	vld.idx.msk [tilespmem:v40+s25+$0x0], $0xffff  }
0xb9: {  	v48 =	vor.u32 v14, v23  }
0xba: {  	v25 =	vor.u32 v16, v25;
	v47 =	vor.u32 v11, v26;
	[tilespmem:v30+s23+$0x0] =	vst.idx.add.f32.msk $0xffff, v43  }
0xbb: {  	v45 =	vor.u32 v14, v21;
	[tilespmem:v29+s23+$0x0] =	vst.idx.add.f32.msk $0xffff, v31;
	v29 =	vand.u32 $0x3D8, v47  }
0xbc: {  	v49 =	vor.u32 v13, v22;
	v31 =	vor.u32 v13, v20;
	v33 =	vld.idx.msk [tilespmem:v42+s25+$0x0], $0xffff;
	v29 =	vor.u32 v29, v28  }
0xbd: {  	v50 =	vand.u32 $0x3E8, v49;
	[tilespmem:v32+s23+$0x0] =	vst.idx.add.f32.msk $0xffff, v34;
	v30 =	vand.u32 $0x3E8, v31;
	v31 =	vor.u32 v14, v27  }
0xbe: {  	v32 =	vor.u32 v50, v24;
	v34 =	vld.idx.msk [tilespmem:v48+s25+$0x0], $0xffff  }
0xbf: {  	v23 =	vor.u32 v16, v23;
	v25 =	vld.idx.msk [tilespmem:v25+s25+$0x0], $0xffff  }
0xc0: {  	v51 =	vor.u32 v13, v26;
	v35 =	vld.idx.msk [tilespmem:v45+s25+$0x0], $0xffff;
	v30 =	vor.u32 v30, v19  }
0xc1: {  	v17 =	vor.u32 v15, v17;
	v21 =	vor.u32 v16, v21;
	[tilespmem:v29+s23+$0x0] =	vst.idx.add.f32.msk $0xffff, v33;
	v29 =	vand.u32 $0x3E8, v51  }
0xc2: {  	v17 =	vand.u32 $0x3F8, v17;
	v20 =	vor.u32 v15, v20;
	v31 =	vld.idx.msk [tilespmem:v31+s25+$0x0], $0xffff;
	v29 =	vor.u32 v29, v28  }
0xc3: {  	v17 =	vor.u32 v17, v18;
	v27 =	vor.u32 v16, v27;
	v18 =	vand.u32 $0x3F8, v20;
	[tilespmem:v32+s23+$0x0] =	vst.idx.add.f32.msk $0xffff, v34  }
0xc4: {  	v20 =	vor.u32 v15, v22;
	v18 =	vor.u32 v18, v19;
	v19 =	vld.idx.msk [tilespmem:v23+s25+$0x0], $0xffff  }
0xc5: {  	v20 =	vand.u32 $0x3F8, v20;
	[tilespmem:v30+s23+$0x0] =	vst.idx.add.f32.msk $0xffff, v35  }
0xc6: {  	v22 =	vor.u32 v15, v26;
	v20 =	vor.u32 v20, v24;
	v21 =	vld.idx.msk [tilespmem:v21+s25+$0x0], $0xffff  }
0xc7: {  	v22 =	vand.u32 $0x3F8, v22;
	[tilespmem:v29+s23+$0x0] =	vst.idx.add.f32.msk $0xffff, v31  }
0xc8: {  	v22 =	vor.u32 v22, v28;
	v23 =	vld.idx.msk [tilespmem:v27+s25+$0x0], $0xffff;
	_ =	sdelay $0x1  }
0xc9: {  	[tilespmem:v17+s23+$0x0] =	vst.idx.add.f32.msk $0xffff, v25  }
0xca: {  	[tilespmem:v20+s23+$0x0] =	vst.idx.add.f32.msk $0xffff, v19  }
0xcb: {  	s29 =	simm.s32 $0x0;
	[tilespmem:v18+s23+$0x0] =	vst.idx.add.f32.msk $0xffff, v21  }
0xcc: {  	v17 =	vadd.s32 s29, v0;
	[tilespmem:v22+s23+$0x0] =	vst.idx.add.f32.msk $0xffff, v23  }
0xcd: {  	v25 =	vand.u32 $0x1F, v17;
	_ =	swait.ge [sflag:s31], $0x1000  }
0xce: {  	v19 =	vor.u32 v1, v25;
	[sflag:s31] =	ssyncset.done $0x0  }
0xcf: {  	[sflag:s31] =	ssyncadd.s32 $0xFFFFF000  }
0xd0: {  	v17 =	vshll.u32 v17, $0x7;
	_ =	swait.ge [sflag:s0], $0x1000  }
0xd1: {  	v20 =	vand.u32 $0xC00, v17;
	v18 =	vor.u32 v0, v17;
	[sflag:s0] =	ssyncset.done $0x0  }
0xd2: {  	s26 =	sadd.s32 $0x7400, s24;
	v21 =	vand.u32 $0x388, v18;
	v18 =	vor.u32 v2, v20;
	[sflag:s0] =	ssyncadd.s32 $0xFFFFF000  }
0xd3: {  	v20 =	vor.u32 v21, v18;
	v19 =	vld.idx.msk [tilespmem:v19+s26+$0x0], $0xffff  }
0xd4: {  	v21 =	vor.u32 v4, v25;
	_ =	sdelay $0x2  }
0xd5: {  	s25 =	sadd.s32 $0x13400, s24;
	v22 =	vor.u32 v3, v17  }
0xd6: {  	[tilespmem:v20+s25+$0x0] =	vst.idx.add.f32.msk $0xffff, v19;
	v19 =	vand.u32 $0x398, v22  }
0xd7: {  	s28 =	simm.s32 $0x1;
	v22 =	vld.idx.msk [tilespmem:v21+s26+$0x0], $0xffff;
	v19 =	vor.u32 v19, v18  }
0xd8: {  	v23 =	vor.u32 v6, v25;
	v20 =	vadd.s32 s28, v0  }
0xd9: {  	v21 =	vand.u32 $0x1F, v20  }
0xda: {  	v24 =	vor.u32 v1, v21  }
0xdb: {  	v26 =	vor.u32 v5, v17  }
0xdc: {  	v20 =	vshll.u32 v20, $0x7;
	[tilespmem:v19+s25+$0x0] =	vst.idx.add.f32.msk $0xffff, v22;
	v19 =	vand.u32 $0x3A8, v26  }
0xdd: {  	v22 =	vor.u32 v0, v20;
	v26 =	vand.u32 $0xC00, v20;
	v27 =	vld.idx.msk [tilespmem:v23+s26+$0x0], $0xffff;
	v28 =	vor.u32 v19, v18  }
0xde: {  	v22 =	vand.u32 $0x388, v22;
	v19 =	vor.u32 v2, v26;
	v26 =	vor.u32 v8, v25  }
0xdf: {  	s28 =	simm.s32 $0x2;
	v24 =	vld.idx.msk [tilespmem:v24+s26+$0x0], $0xffff;
	v22 =	vor.u32 v22, v19  }
0xe0: {  	v29 =	vadd.s32 s28, v0;
	v30 =	vor.u32 v4, v21  }
0xe1: {  	v31 =	vor.u32 v7, v17;
	v23 =	vand.u32 $0x1F, v29  }
0xe2: {  	v52 =	vor.u32 v1, v23;
	[tilespmem:v28+s25+$0x0] =	vst.idx.add.f32.msk $0xffff, v27;
	v27 =	vand.u32 $0x3B8, v31  }
0xe3: {  	v28 =	vor.u32 v3, v20;
	v26 =	vld.idx.msk [tilespmem:v26+s26+$0x0], $0xffff;
	v27 =	vor.u32 v27, v18  }
0xe4: {  	[tilespmem:v22+s25+$0x0] =	vst.idx.add.f32.msk $0xffff, v24;
	v24 =	vand.u32 $0x398, v28;
	v28 =	vor.u32 v10, v25  }
0xe5: {  	v22 =	vshll.u32 v29, $0x7;
	v29 =	vld.idx.msk [tilespmem:v30+s26+$0x0], $0xffff;
	v30 =	vor.u32 v24, v19  }
0xe6: {  	v53 =	vor.u32 v6, v21;
	v24 =	vor.u32 v0, v22;
	v31 =	vand.u32 $0xC00, v22  }
0xe7: {  	v32 =	vld.idx.msk [tilespmem:v52+s26+$0x0], $0xffff;
	v54 =	vand.u32 $0x388, v24;
	v24 =	vor.u32 v2, v31;
	v31 =	vor.u32 v9, v17  }
0xe8: {  	v34 =	vor.u32 v54, v24;
	[tilespmem:v27+s25+$0x0] =	vst.idx.add.f32.msk $0xffff, v26;
	v26 =	vand.u32 $0x3C8, v31  }
0xe9: {  	v27 =	vor.u32 v5, v20;
	v28 =	vld.idx.msk [tilespmem:v28+s26+$0x0], $0xffff;
	v26 =	vor.u32 v26, v18  }
0xea: {  	[tilespmem:v30+s25+$0x0] =	vst.idx.add.f32.msk $0xffff, v29;
	v27 =	vand.u32 $0x3A8, v27;
	v29 =	vor.u32 v12, v25  }
0xeb: {  	s28 =	simm.s32 $0x3;
	v30 =	vld.idx.msk [tilespmem:v53+s26+$0x0], $0xffff;
	v31 =	vor.u32 v27, v19  }
0xec: {  	v55 =	vor.u32 v8, v21;
	v56 =	vadd.s32 s28, v0  }
0xed: {  	v58 =	vor.u32 v11, v17;
	v57 =	vor.u32 v4, v23;
	v27 =	vand.u32 $0x1F, v56;
	[tilespmem:v34+s25+$0x0] =	vst.idx.add.f32.msk $0xffff, v32  }
0xee: {  	[tilespmem:v26+s25+$0x0] =	vst.idx.add.f32.msk $0xffff, v28;
	v28 =	vor.u32 v1, v27;
	v26 =	vand.u32 $0x3D8, v58  }
0xef: {  	v59 =	vld.idx.msk [tilespmem:v29+s26+$0x0], $0xffff;
	v29 =	vor.u32 v7, v20;
	v60 =	vor.u32 v26, v18  }
0xf0: {  	v33 =	vor.u32 v14, v25;
	[tilespmem:v31+s25+$0x0] =	vst.idx.add.f32.msk $0xffff, v30;
	v30 =	vand.u32 $0x3B8, v29  }
0xf1: {  	v37 =	vor.u32 v6, v23;
	v61 =	vor.u32 v3, v22;
	v29 =	vld.idx.msk [tilespmem:v55+s26+$0x0], $0xffff;
	v31 =	vor.u32 v30, v19  }
0xf2: {  	v62 =	vand.u32 $0x398, v61;
	v32 =	vld.idx.msk [tilespmem:v57+s26+$0x0], $0xffff;
	v26 =	vshll.u32 v56, $0x7;
	v30 =	vor.u32 v10, v21  }
0xf3: {  	v36 =	vor.u32 v62, v24;
	v63 =	vor.u32 v0, v26;
	v35 =	vld.idx.msk [tilespmem:v28+s26+$0x0], $0xffff;
	v28 =	vand.u32 $0xC00, v26  }
0xf4: {  	s28 =	simm.s32 $0x4;
	v34 =	vor.u32 v13, v17;
	v38 =	vand.u32 $0x388, v63;
	v28 =	vor.u32 v2, v28;
	[tilespmem:v60+s25+$0x0] =	vst.idx.add.f32.msk $0xffff, v59  }
.LBB2_9:
0xf5: {  	p0 =	sne.s32 s28, $0x1F;
	v38 =	vor.u32 v38, v28;
	v33 =	vld.idx.msk [tilespmem:v33+s26+$0x0], $0xffff;
	v34 =	vand.u32 $0x3E8, v34  }
0xf6: {  	[tilespmem:v31+s25+$0x0] =	vst.idx.add.f32.msk $0xffff, v29;
	v29 =	vor.u32 v9, v20;
	v31 =	vor.u32 v34, v18  }
0xf7: {  	v34 =	vor.u32 v16, v25;
	v25 =	vmovc v21;
	v21 =	vmovc v23;
	v23 =	vmov v27;
	v30 =	vld.idx.msk [tilespmem:v30+s26+$0x0], $0xffff;
	v29 =	vand.u32 $0x3C8, v29  }
0xf8: {  	v27 =	vor.u32 v5, v22;
	[tilespmem:v36+s25+$0x0] =	vst.idx.add.f32.msk $0xffff, v32;
	v29 =	vor.u32 v29, v19  }
0xf9: {  	v27 =	vand.u32 $0x3A8, v27;
	v36 =	vor.u32 v12, v25;
	v32 =	vld.idx.msk [tilespmem:v37+s26+$0x0], $0xffff  }
0xfa: {  	[tilespmem:v38+s25+$0x0] =	vst.idx.add.f32.msk $0xffff, v35;
	v35 =	vor.u32 v27, v24  }
0xfb: {  	v37 =	vor.u32 v8, v21;
	v27 =	vor.u32 v15, v17;
	v17 =	vmov v20;
	[tilespmem:v31+s25+$0x0] =	vst.idx.add.f32.msk $0xffff, v33  }
0xfc: {  	v38 =	vor.u32 v4, v23;
	v20 =	vmovc v22;
	v22 =	vmovc v26;
	v31 =	vadd.s32 s28, v0;
	v33 =	vand.u32 $0x3F8, v27;
	v39 =	vld.idx.msk [tilespmem:v34+s26+$0x0], $0xffff  }
0xfd: {  	v26 =	vor.u32 v11, v17;
	v27 =	vand.u32 $0x1F, v31;
	v40 =	vor.u32 v33, v18;
	[tilespmem:v29+s25+$0x0] =	vst.idx.add.f32.msk $0xffff, v30  }
0xfe: {  	v26 =	vand.u32 $0x3D8, v26;
	v18 =	vmovc v19;
	v19 =	vmovc v24;
	v24 =	vmov v28;
	v41 =	vor.u32 v1, v27;
	v42 =	vld.idx.msk [tilespmem:v36+s26+$0x0], $0xffff  }
0xff: {  	v28 =	vor.u32 v7, v20;
	v43 =	vor.u32 v26, v18;
	[tilespmem:v35+s25+$0x0] =	vst.idx.add.f32.msk $0xffff, v32  }
.Ltmp3:
0x100: {  	v33 =	vor.u32 v14, v25;
	v28 =	vand.u32 $0x3B8, v28;
	v29 =	vld.idx.msk [tilespmem:v37+s26+$0x0], $0xffff;
	(pc) =	sbr.rel @p0 .LBB2_9-.Ltmp3, $4  }
0x101: {  	v26 =	vshll.u32 v31, $0x7;
	v30 =	vor.u32 v3, v22;
	v31 =	vor.u32 v28, v19;
	v32 =	vld.idx.msk [tilespmem:v38+s26+$0x0], $0xffff  }
0x102: {  	v34 =	vor.u32 v13, v17;
	v28 =	vand.u32 $0x398, v30;
	v30 =	vor.u32 v10, v21;
	[tilespmem:v40+s25+$0x0] =	vst.idx.add.f32.msk $0xffff, v39  }
0x103: {  	v36 =	vor.u32 v28, v24;
	v37 =	vor.u32 v0, v26;
	v39 =	vand.u32 $0xC00, v26;
	v35 =	vld.idx.msk [tilespmem:v41+s26+$0x0], $0xffff  }
0x104: {  	s28 =	sadd.s32 $0x1, s28;
	v38 =	vand.u32 $0x388, v37;
	v37 =	vor.u32 v6, v23;
	v28 =	vor.u32 v2, v39;
	[tilespmem:v43+s25+$0x0] =	vst.idx.add.f32.msk $0xffff, v42  }
0x105: {  	v38 =	vor.u32 v38, v28  }
0x106: {  	v39 =	vor.u32 v4, v27;
	_ =	sdelay $0x2  }
0x107: {  	v40 =	vor.u32 v3, v26  }
0x108: {  	v44 =	vand.u32 $0x398, v40;
	[tilespmem:v38+s25+$0x0] =	vst.idx.add.f32.msk $0xffff, v35  }
0x109: {  	v46 =	vor.u32 v5, v22;
	v35 =	vor.u32 v44, v28;
	v38 =	vld.idx.msk [tilespmem:v39+s26+$0x0], $0xffff  }
0x10a: {  	v45 =	vor.u32 v6, v27;
	[tilespmem:v36+s25+$0x0] =	vst.idx.add.f32.msk $0xffff, v32;
	v47 =	vand.u32 $0x3A8, v46  }
0x10b: {  	v36 =	vld.idx.msk [tilespmem:v37+s26+$0x0], $0xffff;
	v32 =	vor.u32 v47, v24  }
0x10c: {  	v33 =	vld.idx.msk [tilespmem:v33+s26+$0x0], $0xffff;
	v49 =	vor.u32 v8, v23  }
0x10d: {  	v48 =	vor.u32 v5, v26;
	v34 =	vand.u32 $0x3E8, v34;
	[tilespmem:v31+s25+$0x0] =	vst.idx.add.f32.msk $0xffff, v29  }
0x10e: {  	v50 =	vand.u32 $0x3A8, v48;
	v31 =	vor.u32 v34, v18;
	[tilespmem:v35+s25+$0x0] =	vst.idx.add.f32.msk $0xffff, v38  }
0x10f: {  	v52 =	vor.u32 v7, v22;
	v35 =	vor.u32 v50, v28;
	v51 =	vld.idx.msk [tilespmem:v45+s26+$0x0], $0xffff  }
0x110: {  	v29 =	vor.u32 v8, v27;
	v53 =	vand.u32 $0x3B8, v52;
	[tilespmem:v32+s25+$0x0] =	vst.idx.add.f32.msk $0xffff, v36  }
0x111: {  	v58 =	vor.u32 v9, v20;
	v32 =	vor.u32 v53, v24;
	v54 =	vld.idx.msk [tilespmem:v49+s26+$0x0], $0xffff  }
0x112: {  	v56 =	vor.u32 v10, v23;
	v30 =	vld.idx.msk [tilespmem:v30+s26+$0x0], $0xffff;
	v36 =	vand.u32 $0x3C8, v58  }
0x113: {  	v55 =	vor.u32 v7, v26;
	[tilespmem:v31+s25+$0x0] =	vst.idx.add.f32.msk $0xffff, v33;
	v59 =	vor.u32 v36, v19  }
0x114: {  	v61 =	vor.u32 v12, v21;
	v57 =	vand.u32 $0x3B8, v55;
	[tilespmem:v35+s25+$0x0] =	vst.idx.add.f32.msk $0xffff, v51  }
0x115: {  	v60 =	vor.u32 v9, v22;
	v35 =	vor.u32 v57, v28;
	v29 =	vld.idx.msk [tilespmem:v29+s26+$0x0], $0xffff  }
0x116: {  	v62 =	vand.u32 $0x3C8, v60;
	v31 =	vor.u32 v10, v27;
	[tilespmem:v32+s25+$0x0] =	vst.idx.add.f32.msk $0xffff, v54  }
0x117: {  	v32 =	vor.u32 v62, v24;
	v34 =	vld.idx.msk [tilespmem:v56+s26+$0x0], $0xffff  }
0x118: {  	v41 =	vor.u32 v11, v20;
	v40 =	vor.u32 v12, v23;
	[tilespmem:v59+s25+$0x0] =	vst.idx.add.f32.msk $0xffff, v30  }
0x119: {  	v63 =	vor.u32 v9, v26;
	v30 =	vand.u32 $0x3D8, v41;
	v43 =	vld.idx.msk [tilespmem:v61+s26+$0x0], $0xffff  }
0x11a: {  	v30 =	vor.u32 v30, v19;
	[tilespmem:v35+s25+$0x0] =	vst.idx.add.f32.msk $0xffff, v29;
	v29 =	vand.u32 $0x3C8, v63  }
0x11b: {  	v44 =	vor.u32 v11, v22;
	v31 =	vld.idx.msk [tilespmem:v31+s26+$0x0], $0xffff;
	v29 =	vor.u32 v29, v28  }
0x11c: {  	v42 =	vor.u32 v12, v27;
	v46 =	vand.u32 $0x3D8, v44;
	[tilespmem:v32+s25+$0x0] =	vst.idx.add.f32.msk $0xffff, v34  }
0x11d: {  	v32 =	vor.u32 v46, v24;
	v34 =	vld.idx.msk [tilespmem:v40+s26+$0x0], $0xffff  }
0x11e: {  	v48 =	vor.u32 v14, v23  }
0x11f: {  	v25 =	vor.u32 v16, v25;
	v47 =	vor.u32 v11, v26;
	[tilespmem:v30+s25+$0x0] =	vst.idx.add.f32.msk $0xffff, v43  }
0x120: {  	v45 =	vor.u32 v14, v21;
	[tilespmem:v29+s25+$0x0] =	vst.idx.add.f32.msk $0xffff, v31;
	v29 =	vand.u32 $0x3D8, v47  }
0x121: {  	v49 =	vor.u32 v13, v22;
	v31 =	vor.u32 v13, v20;
	v33 =	vld.idx.msk [tilespmem:v42+s26+$0x0], $0xffff;
	v29 =	vor.u32 v29, v28  }
0x122: {  	v50 =	vand.u32 $0x3E8, v49;
	[tilespmem:v32+s25+$0x0] =	vst.idx.add.f32.msk $0xffff, v34;
	v30 =	vand.u32 $0x3E8, v31;
	v31 =	vor.u32 v14, v27  }
0x123: {  	v32 =	vor.u32 v50, v24;
	v34 =	vld.idx.msk [tilespmem:v48+s26+$0x0], $0xffff  }
0x124: {  	v23 =	vor.u32 v16, v23;
	v25 =	vld.idx.msk [tilespmem:v25+s26+$0x0], $0xffff  }
0x125: {  	v51 =	vor.u32 v13, v26;
	v35 =	vld.idx.msk [tilespmem:v45+s26+$0x0], $0xffff;
	v30 =	vor.u32 v30, v19  }
0x126: {  	v17 =	vor.u32 v15, v17;
	v21 =	vor.u32 v16, v21;
	[tilespmem:v29+s25+$0x0] =	vst.idx.add.f32.msk $0xffff, v33;
	v29 =	vand.u32 $0x3E8, v51  }
0x127: {  	v17 =	vand.u32 $0x3F8, v17;
	v20 =	vor.u32 v15, v20;
	v31 =	vld.idx.msk [tilespmem:v31+s26+$0x0], $0xffff;
	v29 =	vor.u32 v29, v28  }
0x128: {  	v17 =	vor.u32 v17, v18;
	v27 =	vor.u32 v16, v27;
	v18 =	vand.u32 $0x3F8, v20;
	[tilespmem:v32+s25+$0x0] =	vst.idx.add.f32.msk $0xffff, v34  }
0x129: {  	v20 =	vor.u32 v15, v22;
	v18 =	vor.u32 v18, v19;
	v19 =	vld.idx.msk [tilespmem:v23+s26+$0x0], $0xffff  }
0x12a: {  	v20 =	vand.u32 $0x3F8, v20;
	[tilespmem:v30+s25+$0x0] =	vst.idx.add.f32.msk $0xffff, v35  }
0x12b: {  	v22 =	vor.u32 v15, v26;
	v20 =	vor.u32 v20, v24;
	v21 =	vld.idx.msk [tilespmem:v21+s26+$0x0], $0xffff  }
0x12c: {  	v22 =	vand.u32 $0x3F8, v22;
	[tilespmem:v29+s25+$0x0] =	vst.idx.add.f32.msk $0xffff, v31  }
0x12d: {  	v22 =	vor.u32 v22, v28;
	v23 =	vld.idx.msk [tilespmem:v27+s26+$0x0], $0xffff;
	_ =	sdelay $0x1  }
0x12e: {  	[tilespmem:v17+s25+$0x0] =	vst.idx.add.f32.msk $0xffff, v25  }
0x12f: {  	[tilespmem:v20+s25+$0x0] =	vst.idx.add.f32.msk $0xffff, v19  }
0x130: {  	[tilespmem:v18+s25+$0x0] =	vst.idx.add.f32.msk $0xffff, v21;
	s26 =	simm.s32 $0x0  }
0x131: {  	v17 =	vadd.s32 s26, v0;
	[tilespmem:v22+s25+$0x0] =	vst.idx.add.f32.msk $0xffff, v23  }
0x132: {  	v25 =	vand.u32 $0x1F, v17;
	_ =	swait.ge [sflag:s31], $0x1000  }
0x133: {  	v19 =	vor.u32 v1, v25;
	[sflag:s31] =	ssyncset.done $0x0  }
0x134: {  	[sflag:s31] =	ssyncadd.s32 $0xFFFFF000  }
0x135: {  	v17 =	vshll.u32 v17, $0x7;
	_ =	swait.ge [sflag:s0], $0x1000  }
0x136: {  	v18 =	vor.u32 v0, v17;
	v20 =	vand.u32 $0xC00, v17;
	[sflag:s0] =	ssyncset.done $0x0  }
0x137: {  	s28 =	sadd.s32 $0x8400, s24;
	v21 =	vand.u32 $0x388, v18;
	v18 =	vor.u32 v2, v20;
	[sflag:s0] =	ssyncadd.s32 $0xFFFFF000  }
0x138: {  	v20 =	vor.u32 v21, v18;
	v19 =	vld.idx.msk [tilespmem:v19+s28+$0x0], $0xffff  }
0x139: {  	v21 =	vor.u32 v4, v25;
	_ =	sdelay $0x2  }
0x13a: {  	s26 =	sadd.s32 $0x14400, s24;
	v22 =	vor.u32 v3, v17  }
0x13b: {  	[tilespmem:v20+s26+$0x0] =	vst.idx.add.f32.msk $0xffff, v19;
	v19 =	vand.u32 $0x398, v22  }
0x13c: {  	s29 =	simm.s32 $0x1;
	v22 =	vld.idx.msk [tilespmem:v21+s28+$0x0], $0xffff;
	v19 =	vor.u32 v19, v18  }
0x13d: {  	v23 =	vor.u32 v6, v25;
	v20 =	vadd.s32 s29, v0  }
0x13e: {  	v21 =	vand.u32 $0x1F, v20  }
0x13f: {  	v24 =	vor.u32 v1, v21  }
0x140: {  	v26 =	vor.u32 v5, v17  }
0x141: {  	v20 =	vshll.u32 v20, $0x7;
	[tilespmem:v19+s26+$0x0] =	vst.idx.add.f32.msk $0xffff, v22;
	v19 =	vand.u32 $0x3A8, v26  }
0x142: {  	v22 =	vor.u32 v0, v20;
	v26 =	vand.u32 $0xC00, v20;
	v27 =	vld.idx.msk [tilespmem:v23+s28+$0x0], $0xffff;
	v28 =	vor.u32 v19, v18  }
0x143: {  	v22 =	vand.u32 $0x388, v22;
	v19 =	vor.u32 v2, v26;
	v26 =	vor.u32 v8, v25  }
0x144: {  	s29 =	simm.s32 $0x2;
	v24 =	vld.idx.msk [tilespmem:v24+s28+$0x0], $0xffff;
	v22 =	vor.u32 v22, v19  }
0x145: {  	v29 =	vadd.s32 s29, v0;
	v30 =	vor.u32 v4, v21  }
0x146: {  	v31 =	vor.u32 v7, v17;
	v23 =	vand.u32 $0x1F, v29  }
0x147: {  	v52 =	vor.u32 v1, v23;
	[tilespmem:v28+s26+$0x0] =	vst.idx.add.f32.msk $0xffff, v27;
	v27 =	vand.u32 $0x3B8, v31  }
0x148: {  	v28 =	vor.u32 v3, v20;
	v26 =	vld.idx.msk [tilespmem:v26+s28+$0x0], $0xffff;
	v27 =	vor.u32 v27, v18  }
0x149: {  	[tilespmem:v22+s26+$0x0] =	vst.idx.add.f32.msk $0xffff, v24;
	v24 =	vand.u32 $0x398, v28;
	v28 =	vor.u32 v10, v25  }
0x14a: {  	v22 =	vshll.u32 v29, $0x7;
	v29 =	vld.idx.msk [tilespmem:v30+s28+$0x0], $0xffff;
	v30 =	vor.u32 v24, v19  }
0x14b: {  	v53 =	vor.u32 v6, v21;
	v24 =	vor.u32 v0, v22;
	v31 =	vand.u32 $0xC00, v22  }
0x14c: {  	v32 =	vld.idx.msk [tilespmem:v52+s28+$0x0], $0xffff;
	v54 =	vand.u32 $0x388, v24;
	v24 =	vor.u32 v2, v31;
	v31 =	vor.u32 v9, v17  }
0x14d: {  	v34 =	vor.u32 v54, v24;
	[tilespmem:v27+s26+$0x0] =	vst.idx.add.f32.msk $0xffff, v26;
	v26 =	vand.u32 $0x3C8, v31  }
0x14e: {  	v27 =	vor.u32 v5, v20;
	v28 =	vld.idx.msk [tilespmem:v28+s28+$0x0], $0xffff;
	v26 =	vor.u32 v26, v18  }
0x14f: {  	[tilespmem:v30+s26+$0x0] =	vst.idx.add.f32.msk $0xffff, v29;
	v27 =	vand.u32 $0x3A8, v27;
	v29 =	vor.u32 v12, v25  }
0x150: {  	s29 =	simm.s32 $0x3;
	v30 =	vld.idx.msk [tilespmem:v53+s28+$0x0], $0xffff;
	v31 =	vor.u32 v27, v19  }
0x151: {  	v55 =	vor.u32 v8, v21;
	v56 =	vadd.s32 s29, v0  }
0x152: {  	v58 =	vor.u32 v11, v17;
	v57 =	vor.u32 v4, v23;
	v27 =	vand.u32 $0x1F, v56;
	[tilespmem:v34+s26+$0x0] =	vst.idx.add.f32.msk $0xffff, v32  }
0x153: {  	[tilespmem:v26+s26+$0x0] =	vst.idx.add.f32.msk $0xffff, v28;
	v28 =	vor.u32 v1, v27;
	v26 =	vand.u32 $0x3D8, v58  }
0x154: {  	v59 =	vld.idx.msk [tilespmem:v29+s28+$0x0], $0xffff;
	v29 =	vor.u32 v7, v20;
	v60 =	vor.u32 v26, v18  }
0x155: {  	v33 =	vor.u32 v14, v25;
	[tilespmem:v31+s26+$0x0] =	vst.idx.add.f32.msk $0xffff, v30;
	v30 =	vand.u32 $0x3B8, v29  }
0x156: {  	v37 =	vor.u32 v6, v23;
	v61 =	vor.u32 v3, v22;
	v29 =	vld.idx.msk [tilespmem:v55+s28+$0x0], $0xffff;
	v31 =	vor.u32 v30, v19  }
0x157: {  	v62 =	vand.u32 $0x398, v61;
	v32 =	vld.idx.msk [tilespmem:v57+s28+$0x0], $0xffff;
	v26 =	vshll.u32 v56, $0x7;
	v30 =	vor.u32 v10, v21  }
0x158: {  	v36 =	vor.u32 v62, v24;
	v63 =	vor.u32 v0, v26;
	v35 =	vld.idx.msk [tilespmem:v28+s28+$0x0], $0xffff;
	v28 =	vand.u32 $0xC00, v26  }
0x159: {  	s29 =	simm.s32 $0x4;
	v34 =	vor.u32 v13, v17;
	v38 =	vand.u32 $0x388, v63;
	v28 =	vor.u32 v2, v28;
	[tilespmem:v60+s26+$0x0] =	vst.idx.add.f32.msk $0xffff, v59  }
.LBB2_11:
0x15a: {  	p0 =	sne.s32 s29, $0x1F;
	v38 =	vor.u32 v38, v28;
	v33 =	vld.idx.msk [tilespmem:v33+s28+$0x0], $0xffff;
	v34 =	vand.u32 $0x3E8, v34  }
0x15b: {  	[tilespmem:v31+s26+$0x0] =	vst.idx.add.f32.msk $0xffff, v29;
	v29 =	vor.u32 v9, v20;
	v31 =	vor.u32 v34, v18  }
0x15c: {  	v34 =	vor.u32 v16, v25;
	v25 =	vmovc v21;
	v21 =	vmovc v23;
	v23 =	vmov v27;
	v30 =	vld.idx.msk [tilespmem:v30+s28+$0x0], $0xffff;
	v29 =	vand.u32 $0x3C8, v29  }
0x15d: {  	v27 =	vor.u32 v5, v22;
	[tilespmem:v36+s26+$0x0] =	vst.idx.add.f32.msk $0xffff, v32;
	v29 =	vor.u32 v29, v19  }
0x15e: {  	v27 =	vand.u32 $0x3A8, v27;
	v36 =	vor.u32 v12, v25;
	v32 =	vld.idx.msk [tilespmem:v37+s28+$0x0], $0xffff  }
0x15f: {  	[tilespmem:v38+s26+$0x0] =	vst.idx.add.f32.msk $0xffff, v35;
	v35 =	vor.u32 v27, v24  }
0x160: {  	v37 =	vor.u32 v8, v21;
	v27 =	vor.u32 v15, v17;
	v17 =	vmov v20;
	[tilespmem:v31+s26+$0x0] =	vst.idx.add.f32.msk $0xffff, v33  }
0x161: {  	v38 =	vor.u32 v4, v23;
	v20 =	vmovc v22;
	v22 =	vmovc v26;
	v31 =	vadd.s32 s29, v0;
	v33 =	vand.u32 $0x3F8, v27;
	v39 =	vld.idx.msk [tilespmem:v34+s28+$0x0], $0xffff  }
0x162: {  	v26 =	vor.u32 v11, v17;
	v27 =	vand.u32 $0x1F, v31;
	v40 =	vor.u32 v33, v18;
	[tilespmem:v29+s26+$0x0] =	vst.idx.add.f32.msk $0xffff, v30  }
0x163: {  	v26 =	vand.u32 $0x3D8, v26;
	v18 =	vmovc v19;
	v19 =	vmovc v24;
	v24 =	vmov v28;
	v41 =	vor.u32 v1, v27;
	v42 =	vld.idx.msk [tilespmem:v36+s28+$0x0], $0xffff  }
0x164: {  	v28 =	vor.u32 v7, v20;
	v43 =	vor.u32 v26, v18;
	[tilespmem:v35+s26+$0x0] =	vst.idx.add.f32.msk $0xffff, v32  }
.Ltmp4:
0x165: {  	v33 =	vor.u32 v14, v25;
	v28 =	vand.u32 $0x3B8, v28;
	v29 =	vld.idx.msk [tilespmem:v37+s28+$0x0], $0xffff;
	(pc) =	sbr.rel @p0 .LBB2_11-.Ltmp4, $4  }
0x166: {  	v26 =	vshll.u32 v31, $0x7;
	v30 =	vor.u32 v3, v22;
	v31 =	vor.u32 v28, v19;
	v32 =	vld.idx.msk [tilespmem:v38+s28+$0x0], $0xffff  }
0x167: {  	v34 =	vor.u32 v13, v17;
	v28 =	vand.u32 $0x398, v30;
	v30 =	vor.u32 v10, v21;
	[tilespmem:v40+s26+$0x0] =	vst.idx.add.f32.msk $0xffff, v39  }
0x168: {  	v36 =	vor.u32 v28, v24;
	v37 =	vor.u32 v0, v26;
	v39 =	vand.u32 $0xC00, v26;
	v35 =	vld.idx.msk [tilespmem:v41+s28+$0x0], $0xffff  }
0x169: {  	s29 =	sadd.s32 $0x1, s29;
	v38 =	vand.u32 $0x388, v37;
	v37 =	vor.u32 v6, v23;
	v28 =	vor.u32 v2, v39;
	[tilespmem:v43+s26+$0x0] =	vst.idx.add.f32.msk $0xffff, v42  }
0x16a: {  	v38 =	vor.u32 v38, v28  }
0x16b: {  	v39 =	vor.u32 v4, v27;
	_ =	sdelay $0x2  }
0x16c: {  	v40 =	vor.u32 v3, v26  }
0x16d: {  	v44 =	vand.u32 $0x398, v40;
	[tilespmem:v38+s26+$0x0] =	vst.idx.add.f32.msk $0xffff, v35  }
0x16e: {  	v46 =	vor.u32 v5, v22;
	v35 =	vor.u32 v44, v28;
	v38 =	vld.idx.msk [tilespmem:v39+s28+$0x0], $0xffff  }
0x16f: {  	v45 =	vor.u32 v6, v27;
	[tilespmem:v36+s26+$0x0] =	vst.idx.add.f32.msk $0xffff, v32;
	v47 =	vand.u32 $0x3A8, v46  }
0x170: {  	v36 =	vld.idx.msk [tilespmem:v37+s28+$0x0], $0xffff;
	v32 =	vor.u32 v47, v24  }
0x171: {  	v33 =	vld.idx.msk [tilespmem:v33+s28+$0x0], $0xffff;
	v49 =	vor.u32 v8, v23  }
0x172: {  	v48 =	vor.u32 v5, v26;
	v34 =	vand.u32 $0x3E8, v34;
	[tilespmem:v31+s26+$0x0] =	vst.idx.add.f32.msk $0xffff, v29  }
0x173: {  	v50 =	vand.u32 $0x3A8, v48;
	v31 =	vor.u32 v34, v18;
	[tilespmem:v35+s26+$0x0] =	vst.idx.add.f32.msk $0xffff, v38  }
0x174: {  	v52 =	vor.u32 v7, v22;
	v35 =	vor.u32 v50, v28;
	v51 =	vld.idx.msk [tilespmem:v45+s28+$0x0], $0xffff  }
0x175: {  	v29 =	vor.u32 v8, v27;
	v53 =	vand.u32 $0x3B8, v52;
	[tilespmem:v32+s26+$0x0] =	vst.idx.add.f32.msk $0xffff, v36  }
0x176: {  	v58 =	vor.u32 v9, v20;
	v32 =	vor.u32 v53, v24;
	v54 =	vld.idx.msk [tilespmem:v49+s28+$0x0], $0xffff  }
0x177: {  	v56 =	vor.u32 v10, v23;
	v30 =	vld.idx.msk [tilespmem:v30+s28+$0x0], $0xffff;
	v36 =	vand.u32 $0x3C8, v58  }
0x178: {  	v55 =	vor.u32 v7, v26;
	[tilespmem:v31+s26+$0x0] =	vst.idx.add.f32.msk $0xffff, v33;
	v59 =	vor.u32 v36, v19  }
0x179: {  	v61 =	vor.u32 v12, v21;
	v57 =	vand.u32 $0x3B8, v55;
	[tilespmem:v35+s26+$0x0] =	vst.idx.add.f32.msk $0xffff, v51  }
0x17a: {  	v60 =	vor.u32 v9, v22;
	v35 =	vor.u32 v57, v28;
	v29 =	vld.idx.msk [tilespmem:v29+s28+$0x0], $0xffff  }
0x17b: {  	v62 =	vand.u32 $0x3C8, v60;
	v31 =	vor.u32 v10, v27;
	[tilespmem:v32+s26+$0x0] =	vst.idx.add.f32.msk $0xffff, v54  }
0x17c: {  	v32 =	vor.u32 v62, v24;
	v34 =	vld.idx.msk [tilespmem:v56+s28+$0x0], $0xffff  }
0x17d: {  	v41 =	vor.u32 v11, v20;
	v40 =	vor.u32 v12, v23;
	[tilespmem:v59+s26+$0x0] =	vst.idx.add.f32.msk $0xffff, v30  }
0x17e: {  	v63 =	vor.u32 v9, v26;
	v30 =	vand.u32 $0x3D8, v41;
	v43 =	vld.idx.msk [tilespmem:v61+s28+$0x0], $0xffff  }
0x17f: {  	v30 =	vor.u32 v30, v19;
	[tilespmem:v35+s26+$0x0] =	vst.idx.add.f32.msk $0xffff, v29;
	v29 =	vand.u32 $0x3C8, v63  }
0x180: {  	v44 =	vor.u32 v11, v22;
	v31 =	vld.idx.msk [tilespmem:v31+s28+$0x0], $0xffff;
	v29 =	vor.u32 v29, v28  }
0x181: {  	v42 =	vor.u32 v12, v27;
	v46 =	vand.u32 $0x3D8, v44;
	[tilespmem:v32+s26+$0x0] =	vst.idx.add.f32.msk $0xffff, v34  }
0x182: {  	v32 =	vor.u32 v46, v24;
	v34 =	vld.idx.msk [tilespmem:v40+s28+$0x0], $0xffff  }
0x183: {  	v48 =	vor.u32 v14, v23  }
0x184: {  	v25 =	vor.u32 v16, v25;
	v47 =	vor.u32 v11, v26;
	[tilespmem:v30+s26+$0x0] =	vst.idx.add.f32.msk $0xffff, v43  }
0x185: {  	v45 =	vor.u32 v14, v21;
	[tilespmem:v29+s26+$0x0] =	vst.idx.add.f32.msk $0xffff, v31;
	v29 =	vand.u32 $0x3D8, v47  }
0x186: {  	v49 =	vor.u32 v13, v22;
	v31 =	vor.u32 v13, v20;
	v33 =	vld.idx.msk [tilespmem:v42+s28+$0x0], $0xffff;
	v29 =	vor.u32 v29, v28  }
0x187: {  	v50 =	vand.u32 $0x3E8, v49;
	[tilespmem:v32+s26+$0x0] =	vst.idx.add.f32.msk $0xffff, v34;
	v30 =	vand.u32 $0x3E8, v31;
	v31 =	vor.u32 v14, v27  }
0x188: {  	v32 =	vor.u32 v50, v24;
	v34 =	vld.idx.msk [tilespmem:v48+s28+$0x0], $0xffff  }
0x189: {  	v23 =	vor.u32 v16, v23;
	v25 =	vld.idx.msk [tilespmem:v25+s28+$0x0], $0xffff  }
0x18a: {  	v51 =	vor.u32 v13, v26;
	v35 =	vld.idx.msk [tilespmem:v45+s28+$0x0], $0xffff;
	v30 =	vor.u32 v30, v19  }
0x18b: {  	v17 =	vor.u32 v15, v17;
	v21 =	vor.u32 v16, v21;
	[tilespmem:v29+s26+$0x0] =	vst.idx.add.f32.msk $0xffff, v33;
	v29 =	vand.u32 $0x3E8, v51  }
0x18c: {  	v17 =	vand.u32 $0x3F8, v17;
	v20 =	vor.u32 v15, v20;
	v31 =	vld.idx.msk [tilespmem:v31+s28+$0x0], $0xffff;
	v29 =	vor.u32 v29, v28  }
0x18d: {  	v17 =	vor.u32 v17, v18;
	v27 =	vor.u32 v16, v27;
	v18 =	vand.u32 $0x3F8, v20;
	[tilespmem:v32+s26+$0x0] =	vst.idx.add.f32.msk $0xffff, v34  }
0x18e: {  	v20 =	vor.u32 v15, v22;
	v18 =	vor.u32 v18, v19;
	v19 =	vld.idx.msk [tilespmem:v23+s28+$0x0], $0xffff  }
0x18f: {  	v20 =	vand.u32 $0x3F8, v20;
	[tilespmem:v30+s26+$0x0] =	vst.idx.add.f32.msk $0xffff, v35  }
0x190: {  	v22 =	vor.u32 v15, v26;
	v20 =	vor.u32 v20, v24;
	v21 =	vld.idx.msk [tilespmem:v21+s28+$0x0], $0xffff  }
0x191: {  	v22 =	vand.u32 $0x3F8, v22;
	[tilespmem:v29+s26+$0x0] =	vst.idx.add.f32.msk $0xffff, v31  }
0x192: {  	v22 =	vor.u32 v22, v28;
	v23 =	vld.idx.msk [tilespmem:v27+s28+$0x0], $0xffff;
	_ =	sdelay $0x1  }
0x193: {  	[tilespmem:v17+s26+$0x0] =	vst.idx.add.f32.msk $0xffff, v25  }
0x194: {  	[tilespmem:v20+s26+$0x0] =	vst.idx.add.f32.msk $0xffff, v19  }
0x195: {  	[tilespmem:v18+s26+$0x0] =	vst.idx.add.f32.msk $0xffff, v21;
	s28 =	simm.s32 $0x0  }
0x196: {  	v17 =	vadd.s32 s28, v0;
	[tilespmem:v22+s26+$0x0] =	vst.idx.add.f32.msk $0xffff, v23  }
0x197: {  	v25 =	vand.u32 $0x1F, v17;
	_ =	swait.ge [sflag:s31], $0x1000  }
0x198: {  	v19 =	vor.u32 v1, v25;
	[sflag:s31] =	ssyncset.done $0x0  }
0x199: {  	[sflag:s31] =	ssyncadd.s32 $0xFFFFF000  }
0x19a: {  	v17 =	vshll.u32 v17, $0x7;
	_ =	swait.ge [sflag:s0], $0x1000  }
0x19b: {  	v18 =	vor.u32 v0, v17;
	v20 =	vand.u32 $0xC00, v17;
	[sflag:s0] =	ssyncset.done $0x0  }
0x19c: {  	s28 =	sadd.s32 $0x9400, s24;
	v21 =	vand.u32 $0x388, v18;
	v18 =	vor.u32 v2, v20;
	[sflag:s0] =	ssyncadd.s32 $0xFFFFF000  }
0x19d: {  	v20 =	vor.u32 v21, v18;
	v19 =	vld.idx.msk [tilespmem:v19+s28+$0x0], $0xffff  }
0x19e: {  	v21 =	vor.u32 v4, v25;
	_ =	sdelay $0x2  }
0x19f: {  	s24 =	sadd.s32 $0x15400, s24;
	v22 =	vor.u32 v3, v17  }
0x1a0: {  	[tilespmem:v20+s24+$0x0] =	vst.idx.add.f32.msk $0xffff, v19;
	v19 =	vand.u32 $0x398, v22  }
0x1a1: {  	s29 =	simm.s32 $0x1;
	v22 =	vld.idx.msk [tilespmem:v21+s28+$0x0], $0xffff;
	v19 =	vor.u32 v19, v18  }
0x1a2: {  	v23 =	vor.u32 v6, v25;
	v20 =	vadd.s32 s29, v0  }
0x1a3: {  	v21 =	vand.u32 $0x1F, v20  }
0x1a4: {  	v24 =	vor.u32 v1, v21  }
0x1a5: {  	v26 =	vor.u32 v5, v17  }
0x1a6: {  	v20 =	vshll.u32 v20, $0x7;
	[tilespmem:v19+s24+$0x0] =	vst.idx.add.f32.msk $0xffff, v22;
	v19 =	vand.u32 $0x3A8, v26  }
0x1a7: {  	v22 =	vor.u32 v0, v20;
	v26 =	vand.u32 $0xC00, v20;
	v27 =	vld.idx.msk [tilespmem:v23+s28+$0x0], $0xffff;
	v28 =	vor.u32 v19, v18  }
0x1a8: {  	v22 =	vand.u32 $0x388, v22;
	v19 =	vor.u32 v2, v26;
	v26 =	vor.u32 v8, v25  }
0x1a9: {  	s29 =	simm.s32 $0x2;
	v24 =	vld.idx.msk [tilespmem:v24+s28+$0x0], $0xffff;
	v22 =	vor.u32 v22, v19  }
0x1aa: {  	v29 =	vadd.s32 s29, v0;
	v30 =	vor.u32 v4, v21  }
0x1ab: {  	v31 =	vor.u32 v7, v17;
	v23 =	vand.u32 $0x1F, v29  }
0x1ac: {  	v52 =	vor.u32 v1, v23;
	[tilespmem:v28+s24+$0x0] =	vst.idx.add.f32.msk $0xffff, v27;
	v27 =	vand.u32 $0x3B8, v31  }
0x1ad: {  	v28 =	vor.u32 v3, v20;
	v26 =	vld.idx.msk [tilespmem:v26+s28+$0x0], $0xffff;
	v27 =	vor.u32 v27, v18  }
0x1ae: {  	[tilespmem:v22+s24+$0x0] =	vst.idx.add.f32.msk $0xffff, v24;
	v24 =	vand.u32 $0x398, v28;
	v28 =	vor.u32 v10, v25  }
0x1af: {  	v22 =	vshll.u32 v29, $0x7;
	v29 =	vld.idx.msk [tilespmem:v30+s28+$0x0], $0xffff;
	v30 =	vor.u32 v24, v19  }
0x1b0: {  	v53 =	vor.u32 v6, v21;
	v24 =	vor.u32 v0, v22;
	v31 =	vand.u32 $0xC00, v22  }
0x1b1: {  	v32 =	vld.idx.msk [tilespmem:v52+s28+$0x0], $0xffff;
	v54 =	vand.u32 $0x388, v24;
	v24 =	vor.u32 v2, v31;
	v31 =	vor.u32 v9, v17  }
0x1b2: {  	v34 =	vor.u32 v54, v24;
	[tilespmem:v27+s24+$0x0] =	vst.idx.add.f32.msk $0xffff, v26;
	v26 =	vand.u32 $0x3C8, v31  }
0x1b3: {  	v27 =	vor.u32 v5, v20;
	v28 =	vld.idx.msk [tilespmem:v28+s28+$0x0], $0xffff;
	v26 =	vor.u32 v26, v18  }
0x1b4: {  	[tilespmem:v30+s24+$0x0] =	vst.idx.add.f32.msk $0xffff, v29;
	v27 =	vand.u32 $0x3A8, v27;
	v29 =	vor.u32 v12, v25  }
0x1b5: {  	s29 =	simm.s32 $0x3;
	v30 =	vld.idx.msk [tilespmem:v53+s28+$0x0], $0xffff;
	v31 =	vor.u32 v27, v19  }
0x1b6: {  	v55 =	vor.u32 v8, v21;
	v56 =	vadd.s32 s29, v0  }
0x1b7: {  	v58 =	vor.u32 v11, v17;
	v57 =	vor.u32 v4, v23;
	v27 =	vand.u32 $0x1F, v56;
	[tilespmem:v34+s24+$0x0] =	vst.idx.add.f32.msk $0xffff, v32  }
0x1b8: {  	[tilespmem:v26+s24+$0x0] =	vst.idx.add.f32.msk $0xffff, v28;
	v28 =	vor.u32 v1, v27;
	v26 =	vand.u32 $0x3D8, v58  }
0x1b9: {  	v59 =	vld.idx.msk [tilespmem:v29+s28+$0x0], $0xffff;
	v29 =	vor.u32 v7, v20;
	v60 =	vor.u32 v26, v18  }
0x1ba: {  	[tilespmem:v31+s24+$0x0] =	vst.idx.add.f32.msk $0xffff, v30;
	v31 =	vor.u32 v14, v25;
	v30 =	vand.u32 $0x3B8, v29  }
0x1bb: {  	v37 =	vor.u32 v6, v23;
	v61 =	vor.u32 v3, v22;
	v29 =	vld.idx.msk [tilespmem:v55+s28+$0x0], $0xffff;
	v32 =	vor.u32 v30, v19  }
0x1bc: {  	v62 =	vand.u32 $0x398, v61;
	v33 =	vld.idx.msk [tilespmem:v57+s28+$0x0], $0xffff;
	v26 =	vshll.u32 v56, $0x7;
	v30 =	vor.u32 v10, v21  }
0x1bd: {  	v36 =	vor.u32 v62, v24;
	v63 =	vor.u32 v0, v26;
	v35 =	vld.idx.msk [tilespmem:v28+s28+$0x0], $0xffff;
	v28 =	vand.u32 $0xC00, v26  }
0x1be: {  	s29 =	simm.s32 $0x4;
	v34 =	vor.u32 v13, v17;
	v38 =	vand.u32 $0x388, v63;
	v28 =	vor.u32 v2, v28;
	[tilespmem:v60+s24+$0x0] =	vst.idx.add.f32.msk $0xffff, v59  }
.LBB2_13:
0x1bf: {  	p0 =	sne.s32 s29, $0x1F;
	v38 =	vor.u32 v38, v28;
	v31 =	vld.idx.msk [tilespmem:v31+s28+$0x0], $0xffff;
	v34 =	vand.u32 $0x3E8, v34  }
0x1c0: {  	[tilespmem:v32+s24+$0x0] =	vst.idx.add.f32.msk $0xffff, v29;
	v29 =	vor.u32 v9, v20;
	v32 =	vor.u32 v34, v18  }
0x1c1: {  	v34 =	vor.u32 v16, v25;
	v25 =	vmovc v21;
	v21 =	vmovc v23;
	v23 =	vmov v27;
	v30 =	vld.idx.msk [tilespmem:v30+s28+$0x0], $0xffff;
	v29 =	vand.u32 $0x3C8, v29  }
0x1c2: {  	v27 =	vor.u32 v5, v22;
	[tilespmem:v36+s24+$0x0] =	vst.idx.add.f32.msk $0xffff, v33;
	v29 =	vor.u32 v29, v19  }
0x1c3: {  	v27 =	vand.u32 $0x3A8, v27;
	v36 =	vor.u32 v12, v25;
	v33 =	vld.idx.msk [tilespmem:v37+s28+$0x0], $0xffff  }
0x1c4: {  	[tilespmem:v38+s24+$0x0] =	vst.idx.add.f32.msk $0xffff, v35;
	v35 =	vor.u32 v27, v24  }
0x1c5: {  	v37 =	vor.u32 v8, v21;
	v27 =	vor.u32 v15, v17;
	v17 =	vmov v20;
	[tilespmem:v32+s24+$0x0] =	vst.idx.add.f32.msk $0xffff, v31  }
0x1c6: {  	v38 =	vor.u32 v4, v23;
	v20 =	vmovc v22;
	v22 =	vmovc v26;
	v32 =	vadd.s32 s29, v0;
	v31 =	vand.u32 $0x3F8, v27;
	v39 =	vld.idx.msk [tilespmem:v34+s28+$0x0], $0xffff  }
0x1c7: {  	v26 =	vor.u32 v11, v17;
	v27 =	vand.u32 $0x1F, v32;
	v40 =	vor.u32 v31, v18;
	[tilespmem:v29+s24+$0x0] =	vst.idx.add.f32.msk $0xffff, v30  }
0x1c8: {  	v26 =	vand.u32 $0x3D8, v26;
	v18 =	vmovc v19;
	v19 =	vmovc v24;
	v24 =	vmov v28;
	v41 =	vor.u32 v1, v27;
	v42 =	vld.idx.msk [tilespmem:v36+s28+$0x0], $0xffff  }
0x1c9: {  	v28 =	vor.u32 v7, v20;
	v43 =	vor.u32 v26, v18;
	[tilespmem:v35+s24+$0x0] =	vst.idx.add.f32.msk $0xffff, v33  }
.Ltmp5:
0x1ca: {  	v31 =	vor.u32 v14, v25;
	v28 =	vand.u32 $0x3B8, v28;
	v29 =	vld.idx.msk [tilespmem:v37+s28+$0x0], $0xffff;
	(pc) =	sbr.rel @p0 .LBB2_13-.Ltmp5, $4  }
0x1cb: {  	v26 =	vshll.u32 v32, $0x7;
	v30 =	vor.u32 v3, v22;
	v32 =	vor.u32 v28, v19;
	v33 =	vld.idx.msk [tilespmem:v38+s28+$0x0], $0xffff  }
0x1cc: {  	v34 =	vor.u32 v13, v17;
	v28 =	vand.u32 $0x398, v30;
	v30 =	vor.u32 v10, v21;
	[tilespmem:v40+s24+$0x0] =	vst.idx.add.f32.msk $0xffff, v39  }
0x1cd: {  	v36 =	vor.u32 v28, v24;
	v37 =	vor.u32 v0, v26;
	v39 =	vand.u32 $0xC00, v26;
	v35 =	vld.idx.msk [tilespmem:v41+s28+$0x0], $0xffff  }
0x1ce: {  	s29 =	sadd.s32 $0x1, s29;
	v38 =	vand.u32 $0x388, v37;
	v37 =	vor.u32 v6, v23;
	v28 =	vor.u32 v2, v39;
	[tilespmem:v43+s24+$0x0] =	vst.idx.add.f32.msk $0xffff, v42  }
0x1cf: {  	v38 =	vor.u32 v38, v28  }
0x1d0: {  	v39 =	vor.u32 v4, v27;
	_ =	sdelay $0x2  }
0x1d1: {  	v40 =	vor.u32 v3, v26  }
0x1d2: {  	v43 =	vand.u32 $0x398, v40;
	[tilespmem:v38+s24+$0x0] =	vst.idx.add.f32.msk $0xffff, v35  }
0x1d3: {  	v35 =	vor.u32 v43, v28;
	v38 =	vld.idx.msk [tilespmem:v39+s28+$0x0], $0xffff  }
0x1d4: {  	v44 =	vor.u32 v6, v27  }
0x1d5: {  	v45 =	vor.u32 v5, v22;
	v31 =	vld.idx.msk [tilespmem:v31+s28+$0x0], $0xffff  }
0x1d6: {  	[tilespmem:v36+s24+$0x0] =	vst.idx.add.f32.msk $0xffff, v33;
	v33 =	vand.u32 $0x3A8, v45  }
0x1d7: {  	v46 =	vor.u32 v5, v26;
	v36 =	vld.idx.msk [tilespmem:v37+s28+$0x0], $0xffff;
	v33 =	vor.u32 v33, v24  }
0x1d8: {  	v47 =	vor.u32 v8, v23;
	[tilespmem:v35+s24+$0x0] =	vst.idx.add.f32.msk $0xffff, v38;
	v35 =	vand.u32 $0x3A8, v46  }
0x1d9: {  	v38 =	vld.idx.msk [tilespmem:v44+s28+$0x0], $0xffff;
	v35 =	vor.u32 v35, v28  }
0x1da: {  	v34 =	vand.u32 $0x3E8, v34;
	[tilespmem:v32+s24+$0x0] =	vst.idx.add.f32.msk $0xffff, v29;
	v48 =	vor.u32 v8, v27  }
0x1db: {  	v50 =	vor.u32 v7, v22;
	v49 =	vor.u32 v34, v18;
	v30 =	vld.idx.msk [tilespmem:v30+s28+$0x0], $0xffff  }
0x1dc: {  	v25 =	vor.u32 v16, v25;
	v51 =	vand.u32 $0x3B8, v50;
	[tilespmem:v33+s24+$0x0] =	vst.idx.add.f32.msk $0xffff, v36  }
0x1dd: {  	v53 =	vor.u32 v7, v26;
	v33 =	vor.u32 v51, v24;
	v52 =	vld.idx.msk [tilespmem:v47+s28+$0x0], $0xffff  }
0x1de: {  	v54 =	vor.u32 v10, v23;
	v55 =	vand.u32 $0x3B8, v53;
	[tilespmem:v35+s24+$0x0] =	vst.idx.add.f32.msk $0xffff, v38  }
0x1df: {  	v56 =	vor.u32 v9, v20;
	v35 =	vor.u32 v55, v28;
	v29 =	vld.idx.msk [tilespmem:v48+s28+$0x0], $0xffff  }
0x1e0: {  	v57 =	vor.u32 v10, v27;
	[tilespmem:v49+s24+$0x0] =	vst.idx.add.f32.msk $0xffff, v31;
	v36 =	vand.u32 $0x3C8, v56  }
0x1e1: {  	v59 =	vor.u32 v9, v22;
	v25 =	vld.idx.msk [tilespmem:v25+s28+$0x0], $0xffff;
	v58 =	vor.u32 v36, v19  }
0x1e2: {  	v60 =	vor.u32 v12, v21;
	v61 =	vand.u32 $0x3C8, v59;
	[tilespmem:v33+s24+$0x0] =	vst.idx.add.f32.msk $0xffff, v52  }
0x1e3: {  	v62 =	vor.u32 v9, v26;
	v33 =	vor.u32 v61, v24;
	v34 =	vld.idx.msk [tilespmem:v54+s28+$0x0], $0xffff  }
0x1e4: {  	v63 =	vor.u32 v12, v23;
	v39 =	vand.u32 $0x3C8, v62;
	[tilespmem:v35+s24+$0x0] =	vst.idx.add.f32.msk $0xffff, v29  }
0x1e5: {  	v40 =	vor.u32 v11, v20;
	v29 =	vor.u32 v39, v28;
	v31 =	vld.idx.msk [tilespmem:v57+s28+$0x0], $0xffff  }
0x1e6: {  	v42 =	vor.u32 v12, v27;
	v41 =	vand.u32 $0x3D8, v40;
	[tilespmem:v58+s24+$0x0] =	vst.idx.add.f32.msk $0xffff, v30  }
0x1e7: {  	v44 =	vor.u32 v11, v22;
	v30 =	vor.u32 v41, v19;
	v43 =	vld.idx.msk [tilespmem:v60+s28+$0x0], $0xffff  }
0x1e8: {  	v45 =	vor.u32 v14, v21;
	v46 =	vand.u32 $0x3D8, v44;
	[tilespmem:v33+s24+$0x0] =	vst.idx.add.f32.msk $0xffff, v34  }
0x1e9: {  	v47 =	vor.u32 v11, v26;
	v33 =	vor.u32 v46, v24;
	v34 =	vld.idx.msk [tilespmem:v63+s28+$0x0], $0xffff  }
0x1ea: {  	v49 =	vand.u32 $0x3D8, v47;
	v48 =	vor.u32 v14, v23;
	[tilespmem:v29+s24+$0x0] =	vst.idx.add.f32.msk $0xffff, v31  }
0x1eb: {  	v50 =	vor.u32 v13, v20;
	v29 =	vor.u32 v49, v28;
	v32 =	vld.idx.msk [tilespmem:v42+s28+$0x0], $0xffff  }
0x1ec: {  	v51 =	vand.u32 $0x3E8, v50;
	v52 =	vor.u32 v14, v27;
	[tilespmem:v30+s24+$0x0] =	vst.idx.add.f32.msk $0xffff, v43  }
0x1ed: {  	v53 =	vor.u32 v13, v22;
	v30 =	vor.u32 v51, v19;
	v35 =	vld.idx.msk [tilespmem:v45+s28+$0x0], $0xffff  }
0x1ee: {  	v54 =	vor.u32 v16, v21;
	v55 =	vand.u32 $0x3E8, v53;
	[tilespmem:v33+s24+$0x0] =	vst.idx.add.f32.msk $0xffff, v34  }
0x1ef: {  	v56 =	vor.u32 v13, v26;
	v33 =	vor.u32 v55, v24;
	v34 =	vld.idx.msk [tilespmem:v48+s28+$0x0], $0xffff  }
0x1f0: {  	v58 =	vand.u32 $0x3E8, v56;
	v57 =	vor.u32 v16, v23;
	[tilespmem:v29+s24+$0x0] =	vst.idx.add.f32.msk $0xffff, v32  }
0x1f1: {  	v29 =	vor.u32 v58, v28;
	v31 =	vld.idx.msk [tilespmem:v52+s28+$0x0], $0xffff  }
0x1f2: {  	v17 =	vor.u32 v15, v17;
	v59 =	vor.u32 v16, v27;
	[tilespmem:v30+s24+$0x0] =	vst.idx.add.f32.msk $0xffff, v35  }
0x1f3: {  	v17 =	vand.u32 $0x3F8, v17;
	v60 =	vor.u32 v15, v20;
	v21 =	vld.idx.msk [tilespmem:v54+s28+$0x0], $0xffff  }
0x1f4: {  	v17 =	vor.u32 v17, v18;
	v61 =	vor.u32 v15, v22;
	v18 =	vand.u32 $0x3F8, v60;
	[tilespmem:v33+s24+$0x0] =	vst.idx.add.f32.msk $0xffff, v34  }
0x1f5: {  	v62 =	vor.u32 v15, v26;
	v20 =	vand.u32 $0x3F8, v61;
	v18 =	vor.u32 v18, v19;
	v19 =	vld.idx.msk [tilespmem:v57+s28+$0x0], $0xffff  }
0x1f6: {  	v22 =	vand.u32 $0x3F8, v62;
	v20 =	vor.u32 v20, v24;
	[tilespmem:v29+s24+$0x0] =	vst.idx.add.f32.msk $0xffff, v31  }
0x1f7: {  	v22 =	vor.u32 v22, v28;
	v63 =	vld.idx.msk [tilespmem:v59+s28+$0x0], $0xffff;
	_ =	sdelay $0x1  }
0x1f8: {  	s21 =	sshll.u32 s21, $0x13;
	[tilespmem:v17+s24+$0x0] =	vst.idx.add.f32.msk $0xffff, v25  }
0x1f9: {  	s21 =	sor.u32 s5, s21;
	[tilespmem:v18+s24+$0x0] =	vst.idx.add.f32.msk $0xffff, v21  }
0x1fa: {  	s21 =	sshrl.u32 s21, $0x3;
	[tilespmem:v20+s24+$0x0] =	vst.idx.add.f32.msk $0xffff, v19  }
0x1fb: {  	s29 =	sadd.s32 s3, s21;
	[tilespmem:v22+s24+$0x0] =	vst.idx.add.f32.msk $0xffff, v63  }
0x1fc: {  	[hbm4b:s29+s16] =	stream.strided.scatter [tilespmem:s23], [sflag:$0x3], $0x1000, s17, s16, $0x38;
	[tilespmem:$0x1E400] =	vst v63  }
0x1fd: {  	p0 =	slt.u32 s22, $0x32;
	s28 =	sadd.s32 s21, s12  }
0x1fe: {  	[hbm4b:s28+s16] =	stream.strided.scatter [tilespmem:s25], [sflag:$0x3], $0x1000, s17, s16, $0x38;
	[tilespmem:$0x1E400] =	vst v63  }
.Ltmp6:
0x1ff: {  	s29 =	sadd.s32 s21, s13;
	(pc) =	sbr.rel @p0 .LBB2_4-.Ltmp6, $4  }
0x200: {  	[hbm4b:s29+s16] =	stream.strided.scatter [tilespmem:s26], [sflag:$0x3], $0x1000, s17, s16, $0x38;
	[tilespmem:$0x1E400] =	vst v63  }
0x201: {  	s21 =	sadd.s32 s21, s14  }
0x202: {  	[hbm4b:s21+s16] =	stream.strided.scatter [tilespmem:s24], [sflag:$0x3], $0x1000, s17, s16, $0x38;
	[tilespmem:$0x1E400] =	vst v63  }
0x203: {  	s21 =	smov.u32 s22  }
0x204: {  	_ =	swait.ge [sflag:s2], $0x1000  }
0x205: {  	[sflag:s2] =	ssyncset.done $0x0  }
0x206: {  	[sflag:s2] =	ssyncadd.s32 $0xFFFFF000  }
0x207: {  	_ =	swait.ge [sflag:s2], $0x1000  }
0x208: {  	[sflag:s2] =	ssyncset.done $0x0  }
0x209: {  	[sflag:s2] =	ssyncadd.s32 $0xFFFFF000  }
0x20a: {  	_ =	swait.ge [sflag:s2], $0x1000  }
0x20b: {  	[sflag:s2] =	ssyncset.done $0x0  }
0x20c: {  	[sflag:s2] =	ssyncadd.s32 $0xFFFFF000  }
0x20d: {  	_ =	swait.ge [sflag:s2], $0x1000  }
0x20e: {  	[sflag:s2] =	ssyncset.done $0x0  }
0x20f: {  	[sflag:s2] =	ssyncadd.s32 $0xFFFFF000  }
0x210: {  	_ =	swait.ge [sflag:s2], $0x1000  }
0x211: {  	[sflag:s2] =	ssyncset.done $0x0  }
0x212: {  	[sflag:s2] =	ssyncadd.s32 $0xFFFFF000  }
0x213: {  	_ =	swait.ge [sflag:s2], $0x1000  }
0x214: {  	[sflag:s2] =	ssyncset.done $0x0  }
0x215: {  	s20 =	sadd.s32 $0x1, s20;
	[sflag:s2] =	ssyncadd.s32 $0xFFFFF000  }
0x216: {  	p0 =	sne.s32 s20, s15;
	_ =	swait.ge [sflag:s2], $0x1000  }
.Ltmp7:
0x217: {  	[sflag:s2] =	ssyncset.done $0x0;
	(pc) =	sbr.rel @p0 .LBB2_1-.Ltmp7, $4  }
0x218: {  	[sflag:s2] =	ssyncadd.s32 $0xFFFFF000  }
0x219: {  	_ =	swait.ge [sflag:s2], $0x1000  }
0x21a: {  	[sflag:s2] =	ssyncset.done $0x0  }
0x21b: {  	[sflag:s2] =	ssyncadd.s32 $0xFFFFF000  }
0x21c: {  	_ =	sfence.sel $0x180000  }
0x21d: {  	[bflag:$0x0] =	sbarrier.arrive $0xFFFF  }
0x21e: {  	_ =	strace $0x90000047  }
0x21f: {  	s0 =	stileid.u32;
	[bflag:$0x2] =	sbarrier.arrive $0xFFFF  }
0x220: {  	p0 =	sne.s32 s0, $0x0;
	s0 =	rddreg [dreg:$0x4]  }
0x221: {  	s0 =	sadd.s32 @!p0 $0x100000, s0  }
0x222: {  	[sflag:s0] =	ssyncadd.tile.s32 @!p0 $0x1;
	_ =	shalt  }
.Lfunc_end2:
_tile_overlayer_lowered:
.L_overlay_start_2:
0x223: {  	(tag) =	ssettag $0x2  }
0x224: {  	s0 =	rddreg [dreg:$0x0];
	s2 =	stileid.u32  }
0x225: {  	s1 =	rddreg [dreg:$0x1];
	p0 =	sne.s32 s2, $0x0  }
0x226: {  	s3 =	rddreg [dreg:$0x2];
	[bflag:$0x3] =	sbarrier.arrive $0xFFFF;
	s2 =	simm.s32 @!p0 $0x1C04  }
0x227: {  	[timem:s3], [sflag:s2] =	dma.local @!p0 [hbm:s0], s1  }
0x228: {  	s0 =	simm.s32 @!p0 $0x4  }
0x229: {  	_ =	swait.ge @!p0 [sflag:s0], s1  }
0x22a: {  	s1 =	ssub.s32 @!p0 $0x0, s1;
	[sflag:s0] =	ssyncset.done @!p0 $0x0  }
0x22b: {  	[sflag:s0] =	ssyncadd.s32 @!p0 s1  }
0x22c: {  	[bflag:$0x3] =	sbarrier.arrive $0xFFFF  }
0x22d: {  	_ =	shalt  }

</sc_bundles>
